<compile_context>
chip_gen: v7x
topology: tpu7x:2x2x1
jax: 0.10.2.dev20260603
libtpu: 0.0.44.dev20260713+nightly
codegen_flags: <defaults>
</compile_context>

<pallas_src>
import functools

import jax
import jax.numpy as jnp
from jax import lax
from jax.experimental import pallas as pl
from jax.experimental.pallas import tpu as pltpu
from jax.experimental.pallas import tpu_sc as plsc

N = 2048
D = 768
F = 512
E = 8
K = 2
T = 128
G = 40
R = G * T
C = 512
NW = 32
AB = (N * K) // NW
TB = N // NW
NCH = 8
CHK = AB // NCH


def _route_body(x_ref, gw_ref, pos_ref, wts_ref, eft_ref, live_ref,
                xp_ref):
    x = x_ref[...]
    gw = gw_ref[...]
    xi = lax.bitcast_convert_type(x.astype(jnp.bfloat16), jnp.uint16)
    xw = xi.astype(jnp.int32)
    xp_ref[...] = xw[:, :D // 2] | (xw[:, D // 2:] << 16)
    logits = lax.dot_general(gw, x, (((1,), (1,)), ((), ())),
                             preferred_element_type=jnp.float32)
    m = jnp.max(logits, axis=0, keepdims=True)
    ex = jnp.exp(logits - m)
    p = ex / jnp.sum(ex, axis=0, keepdims=True)

    erow = lax.broadcasted_iota(jnp.int32, (E, N), 0)
    w0 = jnp.max(p, axis=0, keepdims=True)
    i0 = jnp.min(jnp.where(p == w0, erow, E), axis=0, keepdims=True)
    pm = jnp.where(erow == i0, -jnp.float32(jnp.inf), p)
    w1 = jnp.max(pm, axis=0, keepdims=True)
    i1 = jnp.min(jnp.where(pm == w1, erow, E), axis=0, keepdims=True)

    oh0 = (erow == i0).astype(jnp.float32)
    oh1 = (erow == i1).astype(jnp.float32)

    ri = lax.broadcasted_iota(jnp.int32, (C, C), 0)
    ci = lax.broadcasted_iota(jnp.int32, (C, C), 1)
    triu = (ri < ci).astype(jnp.float32)
    off = jnp.zeros((E, 1), jnp.float32)
    ranks = []
    for oh in (oh0, oh1):
        for c in range(N // C):
            mc = lax.slice(oh, (0, c * C), (E, (c + 1) * C))
            excl = lax.dot_general(mc, triu, (((1,), (0,)), ((), ())),
                                   preferred_element_type=jnp.float32)
            ranks.append(off + excl)
            off = off + jnp.sum(mc, axis=1, keepdims=True)
    counts = off
    aligned = jnp.floor((counts + (T - 1)) / T) * T

    er = lax.broadcasted_iota(jnp.int32, (E, E), 0)
    ec = lax.broadcasted_iota(jnp.int32, (E, E), 1)
    lt = (ec < er).astype(jnp.float32)
    start = lax.dot_general(lt, aligned, (((1,), (0,)), ((), ())),
                            preferred_element_type=jnp.float32)
    end = start + aligned

    tc = lax.broadcasted_iota(jnp.int32, (E, G), 1).astype(jnp.float32) * T
    eftp = jnp.sum((tc >= jnp.broadcast_to(end, (E, G))).astype(jnp.int32),
                   axis=0, keepdims=True)
    eft_ref[...] = jnp.minimum(eftp, E - 1)

    endu = start + counts
    au = jnp.sum((tc >= jnp.broadcast_to(endu, (E, G))).astype(jnp.int32),
                 axis=0, keepdims=True)
    live_ref[...] = ((au == eftp) & (eftp < E)).astype(jnp.int32)

    excl0 = jnp.concatenate(ranks[0:4], axis=1)
    excl1 = jnp.concatenate(ranks[4:8], axis=1)
    pos0 = jnp.sum((start + excl0) * oh0, axis=0, keepdims=True)
    pos1 = jnp.sum((start + excl1) * oh1, axis=0, keepdims=True)
    pos_ref[0:1, :] = pos0.astype(jnp.int32)
    pos_ref[1:2, :] = pos1.astype(jnp.int32)
    wts_ref[0:1, :] = w0
    wts_ref[1:2, :] = w1


_route = pl.pallas_call(
    _route_body,
    out_shape=(
        jax.ShapeDtypeStruct((K, N), jnp.int32),
        jax.ShapeDtypeStruct((K, N), jnp.float32),
        jax.ShapeDtypeStruct((1, G), jnp.int32),
        jax.ShapeDtypeStruct((1, G), jnp.int32),
        jax.ShapeDtypeStruct((N, D // 2), jnp.int32),
    ),
)


def _ffn_body(eft_ref, live_ref, d_ref, wr_ref, w1_ref, w3_ref, w2_ref,
              o_ref):
    del eft_ref
    i = pl.program_id(0)

    @pl.when(live_ref[i] == 1)
    def _():
        dw = d_ref[...]
        lo = lax.bitcast_convert_type(
            (dw & 0xFFFF).astype(jnp.uint16), jnp.bfloat16)
        hi = lax.bitcast_convert_type(
            lax.shift_right_logical(dw, 16).astype(jnp.uint16), jnp.bfloat16)
        d = jnp.concatenate([lo, hi], axis=1)
        a = lax.dot_general(d, w1_ref[0], (((1,), (1,)), ((), ())),
                            preferred_element_type=jnp.float32)
        b = lax.dot_general(d, w3_ref[0], (((1,), (1,)), ((), ())),
                            preferred_element_type=jnp.float32)
        h = a * lax.logistic(a) * b
        o = lax.dot_general(h, w2_ref[0], (((1,), (1,)), ((), ())),
                            preferred_element_type=jnp.float32)
        o_ref[...] = o * wr_ref[...]


_ffn = pl.pallas_call(
    _ffn_body,
    grid_spec=pltpu.PrefetchScalarGridSpec(
        num_scalar_prefetch=2,
        grid=(G,),
        in_specs=[
            pl.BlockSpec((T, D // 2), lambda i, eft, lv: (i, 0)),
            pl.BlockSpec((T, 1), lambda i, eft, lv: (i, 0)),
            pl.BlockSpec((1, F, D), lambda i, eft, lv: (eft[i], 0, 0)),
            pl.BlockSpec((1, F, D), lambda i, eft, lv: (eft[i], 0, 0)),
            pl.BlockSpec((1, D, F), lambda i, eft, lv: (eft[i], 0, 0)),
        ],
        out_specs=pl.BlockSpec((T, D), lambda i, eft, lv: (i, 0)),
    ),
    out_shape=jax.ShapeDtypeStruct((R, D), jnp.float32),
)


@functools.cache
def _get_dispatch():
    mesh = plsc.VectorSubcoreMesh(core_axis_name="c", subcore_axis_name="s")

    @functools.partial(
        pl.kernel,
        out_type=(
            jax.ShapeDtypeStruct((R, D // 2), jnp.int32),
            jax.ShapeDtypeStruct((R,), jnp.float32),
        ),
        mesh=mesh,
        scratch_types=[
            pltpu.VMEM((NCH, CHK), jnp.int32),
            pltpu.VMEM((AB,), jnp.int32),
            pltpu.VMEM((AB,), jnp.float32),
            pltpu.VMEM((AB, D // 2), jnp.int32),
            [pltpu.SemaphoreType.DMA] * NCH,
            pltpu.SemaphoreType.DMA,
            pltpu.SemaphoreType.DMA,
        ],
    )
    def _dispatch(x_hbm, pos_hbm, wts_hbm, disp_hbm, wrow_hbm,
                  idx_v, idxf_v, w_v, rows_v, rsems, ssem, isem):
        wid = lax.axis_index("s") * 2 + lax.axis_index("c")
        a_base = wid * AB
        tok_base = (wid % (N // AB)) * AB
        smalls = [
            pltpu.async_copy(pos_hbm.at[pl.ds(a_base + c * CHK, CHK)],
                             idx_v.at[c], isem)
            for c in range(NCH)
        ]
        smalls.append(pltpu.async_copy(pos_hbm.at[pl.ds(a_base, AB)],
                                       idxf_v, isem))
        smalls.append(pltpu.async_copy(wts_hbm.at[pl.ds(a_base, AB)],
                                       w_v, isem))
        rcps = [
            pltpu.async_copy(x_hbm.at[pl.ds(tok_base + c * CHK, CHK)],
                             rows_v.at[pl.ds(c * CHK, CHK)], rsems[c])
            for c in range(NCH)
        ]
        for cp in smalls:
            cp.wait()
        wcp = pltpu.async_copy(w_v, wrow_hbm.at[idxf_v], ssem)
        scps = []
        for c in range(NCH):
            rcps[c].wait()
            scps.append(pltpu.async_copy(
                rows_v.at[pl.ds(c * CHK, CHK)],
                disp_hbm.at[idx_v.at[c]], ssem))
        for cp in scps:
            cp.wait()
        wcp.wait()

    return _dispatch


@functools.cache
def _get_combine():
    mesh = plsc.VectorSubcoreMesh(core_axis_name="c", subcore_axis_name="s")

    @functools.partial(
        pl.kernel,
        out_type=jax.ShapeDtypeStruct((N, D), jnp.float32),
        mesh=mesh,
        scratch_types=[
            pltpu.VMEM((TB,), jnp.int32),
            pltpu.VMEM((TB,), jnp.int32),
            pltpu.VMEM((TB, D), jnp.float32),
            pltpu.VMEM((TB, D), jnp.float32),
            pltpu.SemaphoreType.DMA,
        ],
    )
    def _combine(ybuf_hbm, pos_hbm, y_hbm, idx0_v, idx1_v, r0_v, r1_v, sem):
        wid = lax.axis_index("s") * 2 + lax.axis_index("c")
        t_base = wid * TB
        pltpu.sync_copy(pos_hbm.at[pl.ds(t_base, TB)], idx0_v)
        pltpu.sync_copy(pos_hbm.at[pl.ds(N + t_base, TB)], idx1_v)
        cp0 = pltpu.async_copy(ybuf_hbm.at[idx0_v], r0_v, sem)
        cp1 = pltpu.async_copy(ybuf_hbm.at[idx1_v], r1_v, sem)
        cp0.wait()
        cp1.wait()

        def body(i, _):
            for j in range(D // 16):
                sl = pl.ds(j * 16, 16)
                r0_v[i, sl] = r0_v[i, sl] + r1_v[i, sl]
            return 0

        lax.fori_loop(0, TB, body, 0)
        pltpu.sync_copy(r0_v, y_hbm.at[pl.ds(t_base, TB)])

    return _combine


def kernel(x, gate_weight, w1, w2, w3):
    pos2, wts2, eft2, live2, xp = _route(x, gate_weight)
    pos = pos2.reshape(K * N)
    wts = wts2.reshape(K * N)
    disp, wrow = _get_dispatch()(xp, pos, wts)
    ybuf = _ffn(eft2.reshape(G), live2.reshape(G), disp,
                wrow.reshape(R, 1), w1, w3, w2)
    return _get_combine()(ybuf, pos)

# --- scband reference (transcript-rebuilt; emitter-appended) ---
"""Pipeline reference for scband-mo-e-77721728189053 (READ-ONLY COPY).

The authoritative reference and input builder live on the scoring server;
editing this copy changes nothing except your own understanding.
"""

import jax, jax.numpy as jnp
import numpy as np

DIM = 768
INTER = 512
E = 8
TOPK = 2
N = 2048

def setup_inputs(seed: int = 0) -> dict:
    key = jax.random.key(seed)
    k_x, k_g, k_w1, k_w2, k_w3 = jax.random.split(key, 5)
    x = jax.random.normal(k_x, (N, DIM), dtype=jnp.float32)
    # Gate weight: xavier_uniform over (E, DIM)
    bound_g = float(np.sqrt(6.0 / (E + DIM)))
    gate_weight = jax.random.uniform(k_g, (E, DIM), minval=-bound_g, maxval=bound_g, dtype=jnp.float32)
    # Expert weights, nn.Linear default init ~ U(-1/sqrt(fan_in), 1/sqrt(fan_in))
    b1 = 1.0 / np.sqrt(DIM)
    b2 = 1.0 / np.sqrt(INTER)
    w1 = jax.random.uniform(k_w1, (E, INTER, DIM), minval=-b1, maxval=b1, dtype=jnp.float32)
    w2 = jax.random.uniform(k_w2, (E, DIM, INTER), minval=-b2, maxval=b2, dtype=jnp.float32)
    w3 = jax.random.uniform(k_w3, (E, INTER, DIM), minval=-b1, maxval=b1, dtype=jnp.float32)
    return {"x": x, "gate_weight": gate_weight, "w1": w1, "w2": w2, "w3": w3}

def _expert(x, w1_i, w2_i, w3_i):
    # Expert.forward: w2(silu(w1(x)) * w3(x)); nn.Linear applies x @ W.T
    h = jax.nn.silu(x @ w1_i.T) * (x @ w3_i.T)
    return h @ w2_i.T

def reference(x, gate_weight, w1, w2, w3):
    # Gate: softmax scores, top-k weights + indices
    scores = jax.nn.softmax(x @ gate_weight.T, axis=-1)
    weights, indices = jax.lax.top_k(scores, TOPK)  # [N, TOPK]
    y = jnp.zeros_like(x)
    for i in range(E):
        m = (indices == i)  # [N, TOPK]
        tok_mask = jnp.any(m, axis=-1, keepdims=True).astype(x.dtype)  # [N,1]
        w_i = jnp.sum(weights * m.astype(weights.dtype), axis=-1, keepdims=True)  # [N,1]
        y = y + _expert(x * tok_mask, w1[i], w2[i], w3[i]) * w_i
    return y

if __name__ == "__main__":
    import jax
    _d = setup_inputs()
    print(jax.jit(kernel)(*tuple(_d.values())))

</pallas_src>

<mosaic_0001>
#map = affine_map<(d0, d1) -> (0, 0)>
#map1 = affine_map<(d0, d1) -> (0)>
module attributes {stable_mosaic.version = 14 : i64} {
  func.func @_combine(%arg0: i32, %arg1: i32, %arg2: memref<5120x768xf32, #tpu.memory_space<hbm>>, %arg3: memref<4096xi32, #tpu.memory_space<hbm>>, %arg4: memref<2048x768xf32, #tpu.memory_space<hbm>>, %arg5: memref<64xi32, #tpu.memory_space<vmem>>, %arg6: memref<64xi32, #tpu.memory_space<vmem>>, %arg7: memref<64x768xf32, #tpu.memory_space<vmem>>, %arg8: memref<64x768xf32, #tpu.memory_space<vmem>>, %arg9: memref<!tpu.dma_semaphore, #tpu.memory_space<semaphore_mem>>) attributes {dimension_semantics = [#tpu.dimension_semantics<core_parallel>, #tpu.dimension_semantics<subcore_parallel>], iteration_bounds = array<i64: 2, 16>, scalar_prefetch = 0 : i64, scratch_operands = 5 : i64, tpu.core_type = #tpu.core_type<sc_vector_subcore>, window_params = [{transform_indices = #map}, {transform_indices = #map1}, {transform_indices = #map}]} {
    %mul3A = arith.constant 2 : i32
    %mul3A_0 = arith.muli %arg1, %mul3A : i32
    %add3A = arith.addi %mul3A_0, %arg0 : i32
    %mul3A_1 = arith.constant 64 : i32
    %mul3A_2 = arith.muli %add3A, %mul3A_1 : i32
    "tpu.region"() ({
      %run_scoped3A = tpu.sem_alloc : memref<!tpu.dma_semaphore, #tpu.memory_space<semaphore_mem>>
      %dma_start3A_21 = tpu.memref_slice %arg3[%mul3A_2] : memref<4096xi32, #tpu.memory_space<hbm>> -> memref<64xi32, #tpu.memory_space<hbm>>
      %dma_start3A_22 = tpu.memref_slice %arg3[%mul3A_2] : memref<4096xi32, #tpu.memory_space<hbm>> -> memref<64xi32, #tpu.memory_space<hbm>>
      tpu.enqueue_dma source(%dma_start3A_22 : memref<64xi32, #tpu.memory_space<hbm>>) target(%arg5 : memref<64xi32, #tpu.memory_space<vmem>>) target_semaphore(%run_scoped3A : memref<!tpu.dma_semaphore, #tpu.memory_space<semaphore_mem>>)
      %dma_wait3A_23 = tpu.memref_slice %arg3[%mul3A_2] : memref<4096xi32, #tpu.memory_space<hbm>> -> memref<64xi32, #tpu.memory_space<hbm>>
      %dma_wait3A_24 = tpu.memref_slice %arg3[%mul3A_2] : memref<4096xi32, #tpu.memory_space<hbm>> -> memref<64xi32, #tpu.memory_space<hbm>>
      tpu.wait_dma2 semaphore(%run_scoped3A : memref<!tpu.dma_semaphore, #tpu.memory_space<semaphore_mem>>) src(%dma_wait3A_24 : memref<64xi32, #tpu.memory_space<hbm>>) dst(%arg5 : memref<64xi32, #tpu.memory_space<vmem>>)
      tpu.yield
    }) : () -> ()
    %add3A_3 = arith.constant 2048 : i32
    %add3A_4 = arith.addi %add3A_3, %mul3A_2 : i32
    "tpu.region"() ({
      %run_scoped3A = tpu.sem_alloc : memref<!tpu.dma_semaphore, #tpu.memory_space<semaphore_mem>>
      %dma_start3A_21 = tpu.memref_slice %arg3[%add3A_4] : memref<4096xi32, #tpu.memory_space<hbm>> -> memref<64xi32, #tpu.memory_space<hbm>>
      %dma_start3A_22 = tpu.memref_slice %arg3[%add3A_4] : memref<4096xi32, #tpu.memory_space<hbm>> -> memref<64xi32, #tpu.memory_space<hbm>>
      tpu.enqueue_dma source(%dma_start3A_22 : memref<64xi32, #tpu.memory_space<hbm>>) target(%arg6 : memref<64xi32, #tpu.memory_space<vmem>>) target_semaphore(%run_scoped3A : memref<!tpu.dma_semaphore, #tpu.memory_space<semaphore_mem>>)
      %dma_wait3A_23 = tpu.memref_slice %arg3[%add3A_4] : memref<4096xi32, #tpu.memory_space<hbm>> -> memref<64xi32, #tpu.memory_space<hbm>>
      %dma_wait3A_24 = tpu.memref_slice %arg3[%add3A_4] : memref<4096xi32, #tpu.memory_space<hbm>> -> memref<64xi32, #tpu.memory_space<hbm>>
      tpu.wait_dma2 semaphore(%run_scoped3A : memref<!tpu.dma_semaphore, #tpu.memory_space<semaphore_mem>>) src(%dma_wait3A_24 : memref<64xi32, #tpu.memory_space<hbm>>) dst(%arg6 : memref<64xi32, #tpu.memory_space<vmem>>)
      tpu.yield
    }) : () -> ()
    %dma_start3A = arith.constant 0 : i32
    %dma_start3A_5 = arith.constant 0 : i32
    %dma_start3A_6 = tpu.memref_slice %arg2[%dma_start3A, %dma_start3A_5] : memref<5120x768xf32, #tpu.memory_space<hbm>> -> memref<5120x768xf32, #tpu.memory_space<hbm>>
    tpu.enqueue_indirect_dma source(%dma_start3A_6 : memref<5120x768xf32, #tpu.memory_space<hbm>>) target(%arg7 : memref<64x768xf32, #tpu.memory_space<vmem>>) offsets(%arg5 : memref<64xi32, #tpu.memory_space<vmem>>) semaphore(%arg9 : memref<!tpu.dma_semaphore, #tpu.memory_space<semaphore_mem>>)
    %dma_start3A_7 = arith.constant 0 : i32
    %dma_start3A_8 = arith.constant 0 : i32
    %dma_start3A_9 = tpu.memref_slice %arg2[%dma_start3A_7, %dma_start3A_8] : memref<5120x768xf32, #tpu.memory_space<hbm>> -> memref<5120x768xf32, #tpu.memory_space<hbm>>
    tpu.enqueue_indirect_dma source(%dma_start3A_9 : memref<5120x768xf32, #tpu.memory_space<hbm>>) target(%arg8 : memref<64x768xf32, #tpu.memory_space<vmem>>) offsets(%arg6 : memref<64xi32, #tpu.memory_space<vmem>>) semaphore(%arg9 : memref<!tpu.dma_semaphore, #tpu.memory_space<semaphore_mem>>)
    %dma_wait3A = arith.constant 0 : i32
    %dma_wait3A_10 = arith.constant 0 : i32
    %dma_wait3A_11 = tpu.memref_slice %arg2[%dma_wait3A, %dma_wait3A_10] : memref<5120x768xf32, #tpu.memory_space<hbm>> -> memref<5120x768xf32, #tpu.memory_space<hbm>>
    tpu.wait_indirect_dma semaphore(%arg9 : memref<!tpu.dma_semaphore, #tpu.memory_space<semaphore_mem>>) src(%dma_wait3A_11 : memref<5120x768xf32, #tpu.memory_space<hbm>>) dst(%arg7 : memref<64x768xf32, #tpu.memory_space<vmem>>)
    %dma_wait3A_12 = arith.constant 0 : i32
    %dma_wait3A_13 = arith.constant 0 : i32
    %dma_wait3A_14 = tpu.memref_slice %arg2[%dma_wait3A_12, %dma_wait3A_13] : memref<5120x768xf32, #tpu.memory_space<hbm>> -> memref<5120x768xf32, #tpu.memory_space<hbm>>
    tpu.wait_indirect_dma semaphore(%arg9 : memref<!tpu.dma_semaphore, #tpu.memory_space<semaphore_mem>>) src(%dma_wait3A_14 : memref<5120x768xf32, #tpu.memory_space<hbm>>) dst(%arg8 : memref<64x768xf32, #tpu.memory_space<vmem>>)
    %scan3A = arith.constant 0 : i32
    %scan3A_15 = arith.constant 0 : i32
    %scan3A_16 = arith.constant 64 : i32
    %scan3A_17 = arith.addi %scan3A_15, %scan3A_16 : i32
    %scan3A_18 = arith.constant 1 : i32
    %scan3A_19 = scf.for %scan3A_21 = %scan3A_15 to %scan3A_17 step %scan3A_18 iter_args(%scan3A_22 = %scan3A) -> (i32)  : i32 {
      %get3A = arith.index_cast %scan3A_21 : i32 to index
      %get3A_23 = arith.constant 0 : index
      %get3A_24 = tpu.vector_load %arg7[%get3A, %get3A_23] {strides = array<i32>} : memref<64x768xf32, #tpu.memory_space<vmem>>, vector<1x16xf32>,
      %get3A_25 = vector.shape_cast %get3A_24 : vector<1x16xf32> to vector<16xf32>
      %get3A_26 = arith.index_cast %scan3A_21 : i32 to index
      %get3A_27 = arith.constant 0 : index
      %get3A_28 = tpu.vector_load %arg8[%get3A_26, %get3A_27] {strides = array<i32>} : memref<64x768xf32, #tpu.memory_space<vmem>>, vector<1x16xf32>,
      %get3A_29 = vector.shape_cast %get3A_28 : vector<1x16xf32> to vector<16xf32>
      %add3A_30 = arith.addf %get3A_25, %get3A_29 : vector<16xf32>
      %swap3A = arith.index_cast %scan3A_21 : i32 to index
      %swap3A_31 = arith.constant 0 : index
      %swap3A_32 = tpu.vector_load %arg7[%swap3A, %swap3A_31] {strides = array<i32>} : memref<64x768xf32, #tpu.memory_space<vmem>>, vector<1x16xf32>,
      %swap3A_33 = vector.shape_cast %swap3A_32 : vector<1x16xf32> to vector<16xf32>
      %swap3A_34 = vector.shape_cast %add3A_30 : vector<16xf32> to vector<1x16xf32>
      tpu.vector_store %arg7[%swap3A, %swap3A_31], %swap3A_34 {strides = array<i32>} : memref<64x768xf32, #tpu.memory_space<vmem>>, vector<1x16xf32>,
      %get3A_35 = arith.index_cast %scan3A_21 : i32 to index
      %get3A_36 = arith.constant 16 : index
      %get3A_37 = tpu.vector_load %arg7[%get3A_35, %get3A_36] {strides = array<i32>} : memref<64x768xf32, #tpu.memory_space<vmem>>, vector<1x16xf32>,
      %get3A_38 = vector.shape_cast %get3A_37 : vector<1x16xf32> to vector<16xf32>
      %get3A_39 = arith.index_cast %scan3A_21 : i32 to index
      %get3A_40 = arith.constant 16 : index
      %get3A_41 = tpu.vector_load %arg8[%get3A_39, %get3A_40] {strides = array<i32>} : memref<64x768xf32, #tpu.memory_space<vmem>>, vector<1x16xf32>,
      %get3A_42 = vector.shape_cast %get3A_41 : vector<1x16xf32> to vector<16xf32>
      %add3A_43 = arith.addf %get3A_38, %get3A_42 : vector<16xf32>
      %swap3A_44 = arith.index_cast %scan3A_21 : i32 to index
      %swap3A_45 = arith.constant 16 : index
      %swap3A_46 = tpu.vector_load %arg7[%swap3A_44, %swap3A_45] {strides = array<i32>} : memref<64x768xf32, #tpu.memory_space<vmem>>, vector<1x16xf32>,
      %swap3A_47 = vector.shape_cast %swap3A_46 : vector<1x16xf32> to vector<16xf32>
      %swap3A_48 = vector.shape_cast %add3A_43 : vector<16xf32> to vector<1x16xf32>
      tpu.vector_store %arg7[%swap3A_44, %swap3A_45], %swap3A_48 {strides = array<i32>} : memref<64x768xf32, #tpu.memory_space<vmem>>, vector<1x16xf32>,
      %get3A_49 = arith.index_cast %scan3A_21 : i32 to index
      %get3A_50 = arith.constant 32 : index
      %get3A_51 = tpu.vector_load %arg7[%get3A_49, %get3A_50] {strides = array<i32>} : memref<64x768xf32, #tpu.memory_space<vmem>>, vector<1x16xf32>,
      %get3A_52 = vector.shape_cast %get3A_51 : vector<1x16xf32> to vector<16xf32>
      %get3A_53 = arith.index_cast %scan3A_21 : i32 to index
      %get3A_54 = arith.constant 32 : index
      %get3A_55 = tpu.vector_load %arg8[%get3A_53, %get3A_54] {strides = array<i32>} : memref<64x768xf32, #tpu.memory_space<vmem>>, vector<1x16xf32>,
      %get3A_56 = vector.shape_cast %get3A_55 : vector<1x16xf32> to vector<16xf32>
      %add3A_57 = arith.addf %get3A_52, %get3A_56 : vector<16xf32>
      %swap3A_58 = arith.index_cast %scan3A_21 : i32 to index
      %swap3A_59 = arith.constant 32 : index
      %swap3A_60 = tpu.vector_load %arg7[%swap3A_58, %swap3A_59] {strides = array<i32>} : memref<64x768xf32, #tpu.memory_space<vmem>>, vector<1x16xf32>,
      %swap3A_61 = vector.shape_cast %swap3A_60 : vector<1x16xf32> to vector<16xf32>
      %swap3A_62 = vector.shape_cast %add3A_57 : vector<16xf32> to vector<1x16xf32>
      tpu.vector_store %arg7[%swap3A_58, %swap3A_59], %swap3A_62 {strides = array<i32>} : memref<64x768xf32, #tpu.memory_space<vmem>>, vector<1x16xf32>,
      %get3A_63 = arith.index_cast %scan3A_21 : i32 to index
      %get3A_64 = arith.constant 48 : index
      %get3A_65 = tpu.vector_load %arg7[%get3A_63, %get3A_64] {strides = array<i32>} : memref<64x768xf32, #tpu.memory_space<vmem>>, vector<1x16xf32>,
      %get3A_66 = vector.shape_cast %get3A_65 : vector<1x16xf32> to vector<16xf32>
      %get3A_67 = arith.index_cast %scan3A_21 : i32 to index
      %get3A_68 = arith.constant 48 : index
      %get3A_69 = tpu.vector_load %arg8[%get3A_67, %get3A_68] {strides = array<i32>} : memref<64x768xf32, #tpu.memory_space<vmem>>, vector<1x16xf32>,
      %get3A_70 = vector.shape_cast %get3A_69 : vector<1x16xf32> to vector<16xf32>
      %add3A_71 = arith.addf %get3A_66, %get3A_70 : vector<16xf32>
      %swap3A_72 = arith.index_cast %scan3A_21 : i32 to index
      %swap3A_73 = arith.constant 48 : index
      %swap3A_74 = tpu.vector_load %arg7[%swap3A_72, %swap3A_73] {strides = array<i32>} : memref<64x768xf32, #tpu.memory_space<vmem>>, vector<1x16xf32>,
      %swap3A_75 = vector.shape_cast %swap3A_74 : vector<1x16xf32> to vector<16xf32>
      %swap3A_76 = vector.shape_cast %add3A_71 : vector<16xf32> to vector<1x16xf32>
      tpu.vector_store %arg7[%swap3A_72, %swap3A_73], %swap3A_76 {strides = array<i32>} : memref<64x768xf32, #tpu.memory_space<vmem>>, vector<1x16xf32>,
      %get3A_77 = arith.index_cast %scan3A_21 : i32 to index
      %get3A_78 = arith.constant 64 : index
      %get3A_79 = tpu.vector_load %arg7[%get3A_77, %get3A_78] {strides = array<i32>} : memref<64x768xf32, #tpu.memory_space<vmem>>, vector<1x16xf32>,
      %get3A_80 = vector.shape_cast %get3A_79 : vector<1x16xf32> to vector<16xf32>
      %get3A_81 = arith.index_cast %scan3A_21 : i32 to index
      %get3A_82 = arith.constant 64 : index
      %get3A_83 = tpu.vector_load %arg8[%get3A_81, %get3A_82] {strides = array<i32>} : memref<64x768xf32, #tpu.memory_space<vmem>>, vector<1x16xf32>,
      %get3A_84 = vector.shape_cast %get3A_83 : vector<1x16xf32> to vector<16xf32>
      %add3A_85 = arith.addf %get3A_80, %get3A_84 : vector<16xf32>
      %swap3A_86 = arith.index_cast %scan3A_21 : i32 to index
      %swap3A_87 = arith.constant 64 : index
      %swap3A_88 = tpu.vector_load %arg7[%swap3A_86, %swap3A_87] {strides = array<i32>} : memref<64x768xf32, #tpu.memory_space<vmem>>, vector<1x16xf32>,
      %swap3A_89 = vector.shape_cast %swap3A_88 : vector<1x16xf32> to vector<16xf32>
      %swap3A_90 = vector.shape_cast %add3A_85 : vector<16xf32> to vector<1x16xf32>
      tpu.vector_store %arg7[%swap3A_86, %swap3A_87], %swap3A_90 {strides = array<i32>} : memref<64x768xf32, #tpu.memory_space<vmem>>, vector<1x16xf32>,
      %get3A_91 = arith.index_cast %scan3A_21 : i32 to index
      %get3A_92 = arith.constant 80 : index
      %get3A_93 = tpu.vector_load %arg7[%get3A_91, %get3A_92] {strides = array<i32>} : memref<64x768xf32, #tpu.memory_space<vmem>>, vector<1x16xf32>,
      %get3A_94 = vector.shape_cast %get3A_93 : vector<1x16xf32> to vector<16xf32>
      %get3A_95 = arith.index_cast %scan3A_21 : i32 to index
      %get3A_96 = arith.constant 80 : index
      %get3A_97 = tpu.vector_load %arg8[%get3A_95, %get3A_96] {strides = array<i32>} : memref<64x768xf32, #tpu.memory_space<vmem>>, vector<1x16xf32>,
      %get3A_98 = vector.shape_cast %get3A_97 : vector<1x16xf32> to vector<16xf32>
      %add3A_99 = arith.addf %get3A_94, %get3A_98 : vector<16xf32>
      %swap3A_100 = arith.index_cast %scan3A_21 : i32 to index
      %swap3A_101 = arith.constant 80 : index
      %swap3A_102 = tpu.vector_load %arg7[%swap3A_100, %swap3A_101] {strides = array<i32>} : memref<64x768xf32, #tpu.memory_space<vmem>>, vector<1x16xf32>,
      %swap3A_103 = vector.shape_cast %swap3A_102 : vector<1x16xf32> to vector<16xf32>
      %swap3A_104 = vector.shape_cast %add3A_99 : vector<16xf32> to vector<1x16xf32>
      tpu.vector_store %arg7[%swap3A_100, %swap3A_101], %swap3A_104 {strides = array<i32>} : memref<64x768xf32, #tpu.memory_space<vmem>>, vector<1x16xf32>,
      %get3A_105 = arith.index_cast %scan3A_21 : i32 to index
      %get3A_106 = arith.constant 96 : index
      %get3A_107 = tpu.vector_load %arg7[%get3A_105, %get3A_106] {strides = array<i32>} : memref<64x768xf32, #tpu.memory_space<vmem>>, vector<1x16xf32>,
      %get3A_108 = vector.shape_cast %get3A_107 : vector<1x16xf32> to vector<16xf32>
      %get3A_109 = arith.index_cast %scan3A_21 : i32 to index
      %get3A_110 = arith.constant 96 : index
      %get3A_111 = tpu.vector_load %arg8[%get3A_109, %get3A_110] {strides = array<i32>} : memref<64x768xf32, #tpu.memory_space<vmem>>, vector<1x16xf32>,
      %get3A_112 = vector.shape_cast %get3A_111 : vector<1x16xf32> to vector<16xf32>
      %add3A_113 = arith.addf %get3A_108, %get3A_112 : vector<16xf32>
      %swap3A_114 = arith.index_cast %scan3A_21 : i32 to index
      %swap3A_115 = arith.constant 96 : index
      %swap3A_116 = tpu.vector_load %arg7[%swap3A_114, %swap3A_115] {strides = array<i32>} : memref<64x768xf32, #tpu.memory_space<vmem>>, vector<1x16xf32>,
      %swap3A_117 = vector.shape_cast %swap3A_116 : vector<1x16xf32> to vector<16xf32>
      %swap3A_118 = vector.shape_cast %add3A_113 : vector<16xf32> to vector<1x16xf32>
      tpu.vector_store %arg7[%swap3A_114, %swap3A_115], %swap3A_118 {strides = array<i32>} : memref<64x768xf32, #tpu.memory_space<vmem>>, vector<1x16xf32>,
      %get3A_119 = arith.index_cast %scan3A_21 : i32 to index
      %get3A_120 = arith.constant 112 : index
      %get3A_121 = tpu.vector_load %arg7[%get3A_119, %get3A_120] {strides = array<i32>} : memref<64x768xf32, #tpu.memory_space<vmem>>, vector<1x16xf32>,
      %get3A_122 = vector.shape_cast %get3A_121 : vector<1x16xf32> to vector<16xf32>
      %get3A_123 = arith.index_cast %scan3A_21 : i32 to index
      %get3A_124 = arith.constant 112 : index
      %get3A_125 = tpu.vector_load %arg8[%get3A_123, %get3A_124] {strides = array<i32>} : memref<64x768xf32, #tpu.memory_space<vmem>>, vector<1x16xf32>,
      %get3A_126 = vector.shape_cast %get3A_125 : vector<1x16xf32> to vector<16xf32>
      %add3A_127 = arith.addf %get3A_122, %get3A_126 : vector<16xf32>
      %swap3A_128 = arith.index_cast %scan3A_21 : i32 to index
      %swap3A_129 = arith.constant 112 : index
      %swap3A_130 = tpu.vector_load %arg7[%swap3A_128, %swap3A_129] {strides = array<i32>} : memref<64x768xf32, #tpu.memory_space<vmem>>, vector<1x16xf32>,
      %swap3A_131 = vector.shape_cast %swap3A_130 : vector<1x16xf32> to vector<16xf32>
      %swap3A_132 = vector.shape_cast %add3A_127 : vector<16xf32> to vector<1x16xf32>
      tpu.vector_store %arg7[%swap3A_128, %swap3A_129], %swap3A_132 {strides = array<i32>} : memref<64x768xf32, #tpu.memory_space<vmem>>, vector<1x16xf32>,
      %get3A_133 = arith.index_cast %scan3A_21 : i32 to index
      %get3A_134 = arith.constant 128 : index
      %get3A_135 = tpu.vector_load %arg7[%get3A_133, %get3A_134] {strides = array<i32>} : memref<64x768xf32, #tpu.memory_space<vmem>>, vector<1x16xf32>,
      %get3A_136 = vector.shape_cast %get3A_135 : vector<1x16xf32> to vector<16xf32>
      %get3A_137 = arith.index_cast %scan3A_21 : i32 to index
      %get3A_138 = arith.constant 128 : index
      %get3A_139 = tpu.vector_load %arg8[%get3A_137, %get3A_138] {strides = array<i32>} : memref<64x768xf32, #tpu.memory_space<vmem>>, vector<1x16xf32>,
      %get3A_140 = vector.shape_cast %get3A_139 : vector<1x16xf32> to vector<16xf32>
      %add3A_141 = arith.addf %get3A_136, %get3A_140 : vector<16xf32>
      %swap3A_142 = arith.index_cast %scan3A_21 : i32 to index
      %swap3A_143 = arith.constant 128 : index
      %swap3A_144 = tpu.vector_load %arg7[%swap3A_142, %swap3A_143] {strides = array<i32>} : memref<64x768xf32, #tpu.memory_space<vmem>>, vector<1x16xf32>,
      %swap3A_145 = vector.shape_cast %swap3A_144 : vector<1x16xf32> to vector<16xf32>
      %swap3A_146 = vector.shape_cast %add3A_141 : vector<16xf32> to vector<1x16xf32>
      tpu.vector_store %arg7[%swap3A_142, %swap3A_143], %swap3A_146 {strides = array<i32>} : memref<64x768xf32, #tpu.memory_space<vmem>>, vector<1x16xf32>,
      %get3A_147 = arith.index_cast %scan3A_21 : i32 to index
      %get3A_148 = arith.constant 144 : index
      %get3A_149 = tpu.vector_load %arg7[%get3A_147, %get3A_148] {strides = array<i32>} : memref<64x768xf32, #tpu.memory_space<vmem>>, vector<1x16xf32>,
      %get3A_150 = vector.shape_cast %get3A_149 : vector<1x16xf32> to vector<16xf32>
      %get3A_151 = arith.index_cast %scan3A_21 : i32 to index
      %get3A_152 = arith.constant 144 : index
      %get3A_153 = tpu.vector_load %arg8[%get3A_151, %get3A_152] {strides = array<i32>} : memref<64x768xf32, #tpu.memory_space<vmem>>, vector<1x16xf32>,
      %get3A_154 = vector.shape_cast %get3A_153 : vector<1x16xf32> to vector<16xf32>
      %add3A_155 = arith.addf %get3A_150, %get3A_154 : vector<16xf32>
      %swap3A_156 = arith.index_cast %scan3A_21 : i32 to index
      %swap3A_157 = arith.constant 144 : index
      %swap3A_158 = tpu.vector_load %arg7[%swap3A_156, %swap3A_157] {strides = array<i32>} : memref<64x768xf32, #tpu.memory_space<vmem>>, vector<1x16xf32>,
      %swap3A_159 = vector.shape_cast %swap3A_158 : vector<1x16xf32> to vector<16xf32>
      %swap3A_160 = vector.shape_cast %add3A_155 : vector<16xf32> to vector<1x16xf32>
      tpu.vector_store %arg7[%swap3A_156, %swap3A_157], %swap3A_160 {strides = array<i32>} : memref<64x768xf32, #tpu.memory_space<vmem>>, vector<1x16xf32>,
      %get3A_161 = arith.index_cast %scan3A_21 : i32 to index
      %get3A_162 = arith.constant 160 : index
      %get3A_163 = tpu.vector_load %arg7[%get3A_161, %get3A_162] {strides = array<i32>} : memref<64x768xf32, #tpu.memory_space<vmem>>, vector<1x16xf32>,
      %get3A_164 = vector.shape_cast %get3A_163 : vector<1x16xf32> to vector<16xf32>
      %get3A_165 = arith.index_cast %scan3A_21 : i32 to index
      %get3A_166 = arith.constant 160 : index
      %get3A_167 = tpu.vector_load %arg8[%get3A_165, %get3A_166] {strides = array<i32>} : memref<64x768xf32, #tpu.memory_space<vmem>>, vector<1x16xf32>,
      %get3A_168 = vector.shape_cast %get3A_167 : vector<1x16xf32> to vector<16xf32>
      %add3A_169 = arith.addf %get3A_164, %get3A_168 : vector<16xf32>
      %swap3A_170 = arith.index_cast %scan3A_21 : i32 to index
      %swap3A_171 = arith.constant 160 : index
      %swap3A_172 = tpu.vector_load %arg7[%swap3A_170, %swap3A_171] {strides = array<i32>} : memref<64x768xf32, #tpu.memory_space<vmem>>, vector<1x16xf32>,
      %swap3A_173 = vector.shape_cast %swap3A_172 : vector<1x16xf32> to vector<16xf32>
      %swap3A_174 = vector.shape_cast %add3A_169 : vector<16xf32> to vector<1x16xf32>
      tpu.vector_store %arg7[%swap3A_170, %swap3A_171], %swap3A_174 {strides = array<i32>} : memref<64x768xf32, #tpu.memory_space<vmem>>, vector<1x16xf32>,
      %get3A_175 = arith.index_cast %scan3A_21 : i32 to index
      %get3A_176 = arith.constant 176 : index
      %get3A_177 = tpu.vector_load %arg7[%get3A_175, %get3A_176] {strides = array<i32>} : memref<64x768xf32, #tpu.memory_space<vmem>>, vector<1x16xf32>,
      %get3A_178 = vector.shape_cast %get3A_177 : vector<1x16xf32> to vector<16xf32>
      %get3A_179 = arith.index_cast %scan3A_21 : i32 to index
      %get3A_180 = arith.constant 176 : index
      %get3A_181 = tpu.vector_load %arg8[%get3A_179, %get3A_180] {strides = array<i32>} : memref<64x768xf32, #tpu.memory_space<vmem>>, vector<1x16xf32>,
      %get3A_182 = vector.shape_cast %get3A_181 : vector<1x16xf32> to vector<16xf32>
      %add3A_183 = arith.addf %get3A_178, %get3A_182 : vector<16xf32>
      %swap3A_184 = arith.index_cast %scan3A_21 : i32 to index
      %swap3A_185 = arith.constant 176 : index
      %swap3A_186 = tpu.vector_load %arg7[%swap3A_184, %swap3A_185] {strides = array<i32>} : memref<64x768xf32, #tpu.memory_space<vmem>>, vector<1x16xf32>,
      %swap3A_187 = vector.shape_cast %swap3A_186 : vector<1x16xf32> to vector<16xf32>
      %swap3A_188 = vector.shape_cast %add3A_183 : vector<16xf32> to vector<1x16xf32>
      tpu.vector_store %arg7[%swap3A_184, %swap3A_185], %swap3A_188 {strides = array<i32>} : memref<64x768xf32, #tpu.memory_space<vmem>>, vector<1x16xf32>,
      %get3A_189 = arith.index_cast %scan3A_21 : i32 to index
      %get3A_190 = arith.constant 192 : index
      %get3A_191 = tpu.vector_load %arg7[%get3A_189, %get3A_190] {strides = array<i32>} : memref<64x768xf32, #tpu.memory_space<vmem>>, vector<1x16xf32>,
      %get3A_192 = vector.shape_cast %get3A_191 : vector<1x16xf32> to vector<16xf32>
      %get3A_193 = arith.index_cast %scan3A_21 : i32 to index
      %get3A_194 = arith.constant 192 : index
      %get3A_195 = tpu.vector_load %arg8[%get3A_193, %get3A_194] {strides = array<i32>} : memref<64x768xf32, #tpu.memory_space<vmem>>, vector<1x16xf32>,
      %get3A_196 = vector.shape_cast %get3A_195 : vector<1x16xf32> to vector<16xf32>
      %add3A_197 = arith.addf %get3A_192, %get3A_196 : vector<16xf32>
      %swap3A_198 = arith.index_cast %scan3A_21 : i32 to index
      %swap3A_199 = arith.constant 192 : index
      %swap3A_200 = tpu.vector_load %arg7[%swap3A_198, %swap3A_199] {strides = array<i32>} : memref<64x768xf32, #tpu.memory_space<vmem>>, vector<1x16xf32>,
      %swap3A_201 = vector.shape_cast %swap3A_200 : vector<1x16xf32> to vector<16xf32>
      %swap3A_202 = vector.shape_cast %add3A_197 : vector<16xf32> to vector<1x16xf32>
      tpu.vector_store %arg7[%swap3A_198, %swap3A_199], %swap3A_202 {strides = array<i32>} : memref<64x768xf32, #tpu.memory_space<vmem>>, vector<1x16xf32>,
      %get3A_203 = arith.index_cast %scan3A_21 : i32 to index
      %get3A_204 = arith.constant 208 : index
      %get3A_205 = tpu.vector_load %arg7[%get3A_203, %get3A_204] {strides = array<i32>} : memref<64x768xf32, #tpu.memory_space<vmem>>, vector<1x16xf32>,
      %get3A_206 = vector.shape_cast %get3A_205 : vector<1x16xf32> to vector<16xf32>
      %get3A_207 = arith.index_cast %scan3A_21 : i32 to index
      %get3A_208 = arith.constant 208 : index
      %get3A_209 = tpu.vector_load %arg8[%get3A_207, %get3A_208] {strides = array<i32>} : memref<64x768xf32, #tpu.memory_space<vmem>>, vector<1x16xf32>,
      %get3A_210 = vector.shape_cast %get3A_209 : vector<1x16xf32> to vector<16xf32>
      %add3A_211 = arith.addf %get3A_206, %get3A_210 : vector<16xf32>
      %swap3A_212 = arith.index_cast %scan3A_21 : i32 to index
      %swap3A_213 = arith.constant 208 : index
      %swap3A_214 = tpu.vector_load %arg7[%swap3A_212, %swap3A_213] {strides = array<i32>} : memref<64x768xf32, #tpu.memory_space<vmem>>, vector<1x16xf32>,
      %swap3A_215 = vector.shape_cast %swap3A_214 : vector<1x16xf32> to vector<16xf32>
      %swap3A_216 = vector.shape_cast %add3A_211 : vector<16xf32> to vector<1x16xf32>
      tpu.vector_store %arg7[%swap3A_212, %swap3A_213], %swap3A_216 {strides = array<i32>} : memref<64x768xf32, #tpu.memory_space<vmem>>, vector<1x16xf32>,
      %get3A_217 = arith.index_cast %scan3A_21 : i32 to index
      %get3A_218 = arith.constant 224 : index
      %get3A_219 = tpu.vector_load %arg7[%get3A_217, %get3A_218] {strides = array<i32>} : memref<64x768xf32, #tpu.memory_space<vmem>>, vector<1x16xf32>,
      %get3A_220 = vector.shape_cast %get3A_219 : vector<1x16xf32> to vector<16xf32>
      %get3A_221 = arith.index_cast %scan3A_21 : i32 to index
      %get3A_222 = arith.constant 224 : index
      %get3A_223 = tpu.vector_load %arg8[%get3A_221, %get3A_222] {strides = array<i32>} : memref<64x768xf32, #tpu.memory_space<vmem>>, vector<1x16xf32>,
      %get3A_224 = vector.shape_cast %get3A_223 : vector<1x16xf32> to vector<16xf32>
      %add3A_225 = arith.addf %get3A_220, %get3A_224 : vector<16xf32>
      %swap3A_226 = arith.index_cast %scan3A_21 : i32 to index
      %swap3A_227 = arith.constant 224 : index
      %swap3A_228 = tpu.vector_load %arg7[%swap3A_226, %swap3A_227] {strides = array<i32>} : memref<64x768xf32, #tpu.memory_space<vmem>>, vector<1x16xf32>,
      %swap3A_229 = vector.shape_cast %swap3A_228 : vector<1x16xf32> to vector<16xf32>
      %swap3A_230 = vector.shape_cast %add3A_225 : vector<16xf32> to vector<1x16xf32>
      tpu.vector_store %arg7[%swap3A_226, %swap3A_227], %swap3A_230 {strides = array<i32>} : memref<64x768xf32, #tpu.memory_space<vmem>>, vector<1x16xf32>,
      %get3A_231 = arith.index_cast %scan3A_21 : i32 to index
      %get3A_232 = arith.constant 240 : index
      %get3A_233 = tpu.vector_load %arg7[%get3A_231, %get3A_232] {strides = array<i32>} : memref<64x768xf32, #tpu.memory_space<vmem>>, vector<1x16xf32>,
      %get3A_234 = vector.shape_cast %get3A_233 : vector<1x16xf32> to vector<16xf32>
      %get3A_235 = arith.index_cast %scan3A_21 : i32 to index
      %get3A_236 = arith.constant 240 : index
      %get3A_237 = tpu.vector_load %arg8[%get3A_235, %get3A_236] {strides = array<i32>} : memref<64x768xf32, #tpu.memory_space<vmem>>, vector<1x16xf32>,
      %get3A_238 = vector.shape_cast %get3A_237 : vector<1x16xf32> to vector<16xf32>
      %add3A_239 = arith.addf %get3A_234, %get3A_238 : vector<16xf32>
      %swap3A_240 = arith.index_cast %scan3A_21 : i32 to index
      %swap3A_241 = arith.constant 240 : index
      %swap3A_242 = tpu.vector_load %arg7[%swap3A_240, %swap3A_241] {strides = array<i32>} : memref<64x768xf32, #tpu.memory_space<vmem>>, vector<1x16xf32>,
      %swap3A_243 = vector.shape_cast %swap3A_242 : vector<1x16xf32> to vector<16xf32>
      %swap3A_244 = vector.shape_cast %add3A_239 : vector<16xf32> to vector<1x16xf32>
      tpu.vector_store %arg7[%swap3A_240, %swap3A_241], %swap3A_244 {strides = array<i32>} : memref<64x768xf32, #tpu.memory_space<vmem>>, vector<1x16xf32>,
      %get3A_245 = arith.index_cast %scan3A_21 : i32 to index
      %get3A_246 = arith.constant 256 : index
      %get3A_247 = tpu.vector_load %arg7[%get3A_245, %get3A_246] {strides = array<i32>} : memref<64x768xf32, #tpu.memory_space<vmem>>, vector<1x16xf32>,
      %get3A_248 = vector.shape_cast %get3A_247 : vector<1x16xf32> to vector<16xf32>
      %get3A_249 = arith.index_cast %scan3A_21 : i32 to index
      %get3A_250 = arith.constant 256 : index
      %get3A_251 = tpu.vector_load %arg8[%get3A_249, %get3A_250] {strides = array<i32>} : memref<64x768xf32, #tpu.memory_space<vmem>>, vector<1x16xf32>,
      %get3A_252 = vector.shape_cast %get3A_251 : vector<1x16xf32> to vector<16xf32>
      %add3A_253 = arith.addf %get3A_248, %get3A_252 : vector<16xf32>
      %swap3A_254 = arith.index_cast %scan3A_21 : i32 to index
      %swap3A_255 = arith.constant 256 : index
      %swap3A_256 = tpu.vector_load %arg7[%swap3A_254, %swap3A_255] {strides = array<i32>} : memref<64x768xf32, #tpu.memory_space<vmem>>, vector<1x16xf32>,
      %swap3A_257 = vector.shape_cast %swap3A_256 : vector<1x16xf32> to vector<16xf32>
      %swap3A_258 = vector.shape_cast %add3A_253 : vector<16xf32> to vector<1x16xf32>
      tpu.vector_store %arg7[%swap3A_254, %swap3A_255], %swap3A_258 {strides = array<i32>} : memref<64x768xf32, #tpu.memory_space<vmem>>, vector<1x16xf32>,
      %get3A_259 = arith.index_cast %scan3A_21 : i32 to index
      %get3A_260 = arith.constant 272 : index
      %get3A_261 = tpu.vector_load %arg7[%get3A_259, %get3A_260] {strides = array<i32>} : memref<64x768xf32, #tpu.memory_space<vmem>>, vector<1x16xf32>,
      %get3A_262 = vector.shape_cast %get3A_261 : vector<1x16xf32> to vector<16xf32>
      %get3A_263 = arith.index_cast %scan3A_21 : i32 to index
      %get3A_264 = arith.constant 272 : index
      %get3A_265 = tpu.vector_load %arg8[%get3A_263, %get3A_264] {strides = array<i32>} : memref<64x768xf32, #tpu.memory_space<vmem>>, vector<1x16xf32>,
      %get3A_266 = vector.shape_cast %get3A_265 : vector<1x16xf32> to vector<16xf32>
      %add3A_267 = arith.addf %get3A_262, %get3A_266 : vector<16xf32>
      %swap3A_268 = arith.index_cast %scan3A_21 : i32 to index
      %swap3A_269 = arith.constant 272 : index
      %swap3A_270 = tpu.vector_load %arg7[%swap3A_268, %swap3A_269] {strides = array<i32>} : memref<64x768xf32, #tpu.memory_space<vmem>>, vector<1x16xf32>,
      %swap3A_271 = vector.shape_cast %swap3A_270 : vector<1x16xf32> to vector<16xf32>
      %swap3A_272 = vector.shape_cast %add3A_267 : vector<16xf32> to vector<1x16xf32>
      tpu.vector_store %arg7[%swap3A_268, %swap3A_269], %swap3A_272 {strides = array<i32>} : memref<64x768xf32, #tpu.memory_space<vmem>>, vector<1x16xf32>,
      %get3A_273 = arith.index_cast %scan3A_21 : i32 to index
      %get3A_274 = arith.constant 288 : index
      %get3A_275 = tpu.vector_load %arg7[%get3A_273, %get3A_274] {strides = array<i32>} : memref<64x768xf32, #tpu.memory_space<vmem>>, vector<1x16xf32>,
      %get3A_276 = vector.shape_cast %get3A_275 : vector<1x16xf32> to vector<16xf32>
      %get3A_277 = arith.index_cast %scan3A_21 : i32 to index
      %get3A_278 = arith.constant 288 : index
      %get3A_279 = tpu.vector_load %arg8[%get3A_277, %get3A_278] {strides = array<i32>} : memref<64x768xf32, #tpu.memory_space<vmem>>, vector<1x16xf32>,
      %get3A_280 = vector.shape_cast %get3A_279 : vector<1x16xf32> to vector<16xf32>
      %add3A_281 = arith.addf %get3A_276, %get3A_280 : vector<16xf32>
      %swap3A_282 = arith.index_cast %scan3A_21 : i32 to index
      %swap3A_283 = arith.constant 288 : index
      %swap3A_284 = tpu.vector_load %arg7[%swap3A_282, %swap3A_283] {strides = array<i32>} : memref<64x768xf32, #tpu.memory_space<vmem>>, vector<1x16xf32>,
      %swap3A_285 = vector.shape_cast %swap3A_284 : vector<1x16xf32> to vector<16xf32>
      %swap3A_286 = vector.shape_cast %add3A_281 : vector<16xf32> to vector<1x16xf32>
      tpu.vector_store %arg7[%swap3A_282, %swap3A_283], %swap3A_286 {strides = array<i32>} : memref<64x768xf32, #tpu.memory_space<vmem>>, vector<1x16xf32>,
      %get3A_287 = arith.index_cast %scan3A_21 : i32 to index
      %get3A_288 = arith.constant 304 : index
      %get3A_289 = tpu.vector_load %arg7[%get3A_287, %get3A_288] {strides = array<i32>} : memref<64x768xf32, #tpu.memory_space<vmem>>, vector<1x16xf32>,
      %get3A_290 = vector.shape_cast %get3A_289 : vector<1x16xf32> to vector<16xf32>
      %get3A_291 = arith.index_cast %scan3A_21 : i32 to index
      %get3A_292 = arith.constant 304 : index
      %get3A_293 = tpu.vector_load %arg8[%get3A_291, %get3A_292] {strides = array<i32>} : memref<64x768xf32, #tpu.memory_space<vmem>>, vector<1x16xf32>,
      %get3A_294 = vector.shape_cast %get3A_293 : vector<1x16xf32> to vector<16xf32>
      %add3A_295 = arith.addf %get3A_290, %get3A_294 : vector<16xf32>
      %swap3A_296 = arith.index_cast %scan3A_21 : i32 to index
      %swap3A_297 = arith.constant 304 : index
      %swap3A_298 = tpu.vector_load %arg7[%swap3A_296, %swap3A_297] {strides = array<i32>} : memref<64x768xf32, #tpu.memory_space<vmem>>, vector<1x16xf32>,
      %swap3A_299 = vector.shape_cast %swap3A_298 : vector<1x16xf32> to vector<16xf32>
      %swap3A_300 = vector.shape_cast %add3A_295 : vector<16xf32> to vector<1x16xf32>
      tpu.vector_store %arg7[%swap3A_296, %swap3A_297], %swap3A_300 {strides = array<i32>} : memref<64x768xf32, #tpu.memory_space<vmem>>, vector<1x16xf32>,
      %get3A_301 = arith.index_cast %scan3A_21 : i32 to index
      %get3A_302 = arith.constant 320 : index
      %get3A_303 = tpu.vector_load %arg7[%get3A_301, %get3A_302] {strides = array<i32>} : memref<64x768xf32, #tpu.memory_space<vmem>>, vector<1x16xf32>,
      %get3A_304 = vector.shape_cast %get3A_303 : vector<1x16xf32> to vector<16xf32>
      %get3A_305 = arith.index_cast %scan3A_21 : i32 to index
      %get3A_306 = arith.constant 320 : index
      %get3A_307 = tpu.vector_load %arg8[%get3A_305, %get3A_306] {strides = array<i32>} : memref<64x768xf32, #tpu.memory_space<vmem>>, vector<1x16xf32>,
      %get3A_308 = vector.shape_cast %get3A_307 : vector<1x16xf32> to vector<16xf32>
      %add3A_309 = arith.addf %get3A_304, %get3A_308 : vector<16xf32>
      %swap3A_310 = arith.index_cast %scan3A_21 : i32 to index
      %swap3A_311 = arith.constant 320 : index
      %swap3A_312 = tpu.vector_load %arg7[%swap3A_310, %swap3A_311] {strides = array<i32>} : memref<64x768xf32, #tpu.memory_space<vmem>>, vector<1x16xf32>,
      %swap3A_313 = vector.shape_cast %swap3A_312 : vector<1x16xf32> to vector<16xf32>
      %swap3A_314 = vector.shape_cast %add3A_309 : vector<16xf32> to vector<1x16xf32>
      tpu.vector_store %arg7[%swap3A_310, %swap3A_311], %swap3A_314 {strides = array<i32>} : memref<64x768xf32, #tpu.memory_space<vmem>>, vector<1x16xf32>,
      %get3A_315 = arith.index_cast %scan3A_21 : i32 to index
      %get3A_316 = arith.constant 336 : index
      %get3A_317 = tpu.vector_load %arg7[%get3A_315, %get3A_316] {strides = array<i32>} : memref<64x768xf32, #tpu.memory_space<vmem>>, vector<1x16xf32>,
      %get3A_318 = vector.shape_cast %get3A_317 : vector<1x16xf32> to vector<16xf32>
      %get3A_319 = arith.index_cast %scan3A_21 : i32 to index
      %get3A_320 = arith.constant 336 : index
      %get3A_321 = tpu.vector_load %arg8[%get3A_319, %get3A_320] {strides = array<i32>} : memref<64x768xf32, #tpu.memory_space<vmem>>, vector<1x16xf32>,
      %get3A_322 = vector.shape_cast %get3A_321 : vector<1x16xf32> to vector<16xf32>
      %add3A_323 = arith.addf %get3A_318, %get3A_322 : vector<16xf32>
      %swap3A_324 = arith.index_cast %scan3A_21 : i32 to index
      %swap3A_325 = arith.constant 336 : index
      %swap3A_326 = tpu.vector_load %arg7[%swap3A_324, %swap3A_325] {strides = array<i32>} : memref<64x768xf32, #tpu.memory_space<vmem>>, vector<1x16xf32>,
      %swap3A_327 = vector.shape_cast %swap3A_326 : vector<1x16xf32> to vector<16xf32>
      %swap3A_328 = vector.shape_cast %add3A_323 : vector<16xf32> to vector<1x16xf32>
      tpu.vector_store %arg7[%swap3A_324, %swap3A_325], %swap3A_328 {strides = array<i32>} : memref<64x768xf32, #tpu.memory_space<vmem>>, vector<1x16xf32>,
      %get3A_329 = arith.index_cast %scan3A_21 : i32 to index
      %get3A_330 = arith.constant 352 : index
      %get3A_331 = tpu.vector_load %arg7[%get3A_329, %get3A_330] {strides = array<i32>} : memref<64x768xf32, #tpu.memory_space<vmem>>, vector<1x16xf32>,
      %get3A_332 = vector.shape_cast %get3A_331 : vector<1x16xf32> to vector<16xf32>
      %get3A_333 = arith.index_cast %scan3A_21 : i32 to index
      %get3A_334 = arith.constant 352 : index
      %get3A_335 = tpu.vector_load %arg8[%get3A_333, %get3A_334] {strides = array<i32>} : memref<64x768xf32, #tpu.memory_space<vmem>>, vector<1x16xf32>,
      %get3A_336 = vector.shape_cast %get3A_335 : vector<1x16xf32> to vector<16xf32>
      %add3A_337 = arith.addf %get3A_332, %get3A_336 : vector<16xf32>
      %swap3A_338 = arith.index_cast %scan3A_21 : i32 to index
      %swap3A_339 = arith.constant 352 : index
      %swap3A_340 = tpu.vector_load %arg7[%swap3A_338, %swap3A_339] {strides = array<i32>} : memref<64x768xf32, #tpu.memory_space<vmem>>, vector<1x16xf32>,
      %swap3A_341 = vector.shape_cast %swap3A_340 : vector<1x16xf32> to vector<16xf32>
      %swap3A_342 = vector.shape_cast %add3A_337 : vector<16xf32> to vector<1x16xf32>
      tpu.vector_store %arg7[%swap3A_338, %swap3A_339], %swap3A_342 {strides = array<i32>} : memref<64x768xf32, #tpu.memory_space<vmem>>, vector<1x16xf32>,
      %get3A_343 = arith.index_cast %scan3A_21 : i32 to index
      %get3A_344 = arith.constant 368 : index
      %get3A_345 = tpu.vector_load %arg7[%get3A_343, %get3A_344] {strides = array<i32>} : memref<64x768xf32, #tpu.memory_space<vmem>>, vector<1x16xf32>,
      %get3A_346 = vector.shape_cast %get3A_345 : vector<1x16xf32> to vector<16xf32>
      %get3A_347 = arith.index_cast %scan3A_21 : i32 to index
      %get3A_348 = arith.constant 368 : index
      %get3A_349 = tpu.vector_load %arg8[%get3A_347, %get3A_348] {strides = array<i32>} : memref<64x768xf32, #tpu.memory_space<vmem>>, vector<1x16xf32>,
      %get3A_350 = vector.shape_cast %get3A_349 : vector<1x16xf32> to vector<16xf32>
      %add3A_351 = arith.addf %get3A_346, %get3A_350 : vector<16xf32>
      %swap3A_352 = arith.index_cast %scan3A_21 : i32 to index
      %swap3A_353 = arith.constant 368 : index
      %swap3A_354 = tpu.vector_load %arg7[%swap3A_352, %swap3A_353] {strides = array<i32>} : memref<64x768xf32, #tpu.memory_space<vmem>>, vector<1x16xf32>,
      %swap3A_355 = vector.shape_cast %swap3A_354 : vector<1x16xf32> to vector<16xf32>
      %swap3A_356 = vector.shape_cast %add3A_351 : vector<16xf32> to vector<1x16xf32>
      tpu.vector_store %arg7[%swap3A_352, %swap3A_353], %swap3A_356 {strides = array<i32>} : memref<64x768xf32, #tpu.memory_space<vmem>>, vector<1x16xf32>,
      %get3A_357 = arith.index_cast %scan3A_21 : i32 to index
      %get3A_358 = arith.constant 384 : index
      %get3A_359 = tpu.vector_load %arg7[%get3A_357, %get3A_358] {strides = array<i32>} : memref<64x768xf32, #tpu.memory_space<vmem>>, vector<1x16xf32>,
      %get3A_360 = vector.shape_cast %get3A_359 : vector<1x16xf32> to vector<16xf32>
      %get3A_361 = arith.index_cast %scan3A_21 : i32 to index
      %get3A_362 = arith.constant 384 : index
      %get3A_363 = tpu.vector_load %arg8[%get3A_361, %get3A_362] {strides = array<i32>} : memref<64x768xf32, #tpu.memory_space<vmem>>, vector<1x16xf32>,
      %get3A_364 = vector.shape_cast %get3A_363 : vector<1x16xf32> to vector<16xf32>
      %add3A_365 = arith.addf %get3A_360, %get3A_364 : vector<16xf32>
      %swap3A_366 = arith.index_cast %scan3A_21 : i32 to index
      %swap3A_367 = arith.constant 384 : index
      %swap3A_368 = tpu.vector_load %arg7[%swap3A_366, %swap3A_367] {strides = array<i32>} : memref<64x768xf32, #tpu.memory_space<vmem>>, vector<1x16xf32>,
      %swap3A_369 = vector.shape_cast %swap3A_368 : vector<1x16xf32> to vector<16xf32>
      %swap3A_370 = vector.shape_cast %add3A_365 : vector<16xf32> to vector<1x16xf32>
      tpu.vector_store %arg7[%swap3A_366, %swap3A_367], %swap3A_370 {strides = array<i32>} : memref<64x768xf32, #tpu.memory_space<vmem>>, vector<1x16xf32>,
      %get3A_371 = arith.index_cast %scan3A_21 : i32 to index
      %get3A_372 = arith.constant 400 : index
      %get3A_373 = tpu.vector_load %arg7[%get3A_371, %get3A_372] {strides = array<i32>} : memref<64x768xf32, #tpu.memory_space<vmem>>, vector<1x16xf32>,
      %get3A_374 = vector.shape_cast %get3A_373 : vector<1x16xf32> to vector<16xf32>
      %get3A_375 = arith.index_cast %scan3A_21 : i32 to index
      %get3A_376 = arith.constant 400 : index
      %get3A_377 = tpu.vector_load %arg8[%get3A_375, %get3A_376] {strides = array<i32>} : memref<64x768xf32, #tpu.memory_space<vmem>>, vector<1x16xf32>,
      %get3A_378 = vector.shape_cast %get3A_377 : vector<1x16xf32> to vector<16xf32>
      %add3A_379 = arith.addf %get3A_374, %get3A_378 : vector<16xf32>
      %swap3A_380 = arith.index_cast %scan3A_21 : i32 to index
      %swap3A_381 = arith.constant 400 : index
      %swap3A_382 = tpu.vector_load %arg7[%swap3A_380, %swap3A_381] {strides = array<i32>} : memref<64x768xf32, #tpu.memory_space<vmem>>, vector<1x16xf32>,
      %swap3A_383 = vector.shape_cast %swap3A_382 : vector<1x16xf32> to vector<16xf32>
      %swap3A_384 = vector.shape_cast %add3A_379 : vector<16xf32> to vector<1x16xf32>
      tpu.vector_store %arg7[%swap3A_380, %swap3A_381], %swap3A_384 {strides = array<i32>} : memref<64x768xf32, #tpu.memory_space<vmem>>, vector<1x16xf32>,
      %get3A_385 = arith.index_cast %scan3A_21 : i32 to index
      %get3A_386 = arith.constant 416 : index
      %get3A_387 = tpu.vector_load %arg7[%get3A_385, %get3A_386] {strides = array<i32>} : memref<64x768xf32, #tpu.memory_space<vmem>>, vector<1x16xf32>,
      %get3A_388 = vector.shape_cast %get3A_387 : vector<1x16xf32> to vector<16xf32>
      %get3A_389 = arith.index_cast %scan3A_21 : i32 to index
      %get3A_390 = arith.constant 416 : index
      %get3A_391 = tpu.vector_load %arg8[%get3A_389, %get3A_390] {strides = array<i32>} : memref<64x768xf32, #tpu.memory_space<vmem>>, vector<1x16xf32>,
      %get3A_392 = vector.shape_cast %get3A_391 : vector<1x16xf32> to vector<16xf32>
      %add3A_393 = arith.addf %get3A_388, %get3A_392 : vector<16xf32>
      %swap3A_394 = arith.index_cast %scan3A_21 : i32 to index
      %swap3A_395 = arith.constant 416 : index
      %swap3A_396 = tpu.vector_load %arg7[%swap3A_394, %swap3A_395] {strides = array<i32>} : memref<64x768xf32, #tpu.memory_space<vmem>>, vector<1x16xf32>,
      %swap3A_397 = vector.shape_cast %swap3A_396 : vector<1x16xf32> to vector<16xf32>
      %swap3A_398 = vector.shape_cast %add3A_393 : vector<16xf32> to vector<1x16xf32>
      tpu.vector_store %arg7[%swap3A_394, %swap3A_395], %swap3A_398 {strides = array<i32>} : memref<64x768xf32, #tpu.memory_space<vmem>>, vector<1x16xf32>,
      %get3A_399 = arith.index_cast %scan3A_21 : i32 to index
      %get3A_400 = arith.constant 432 : index
      %get3A_401 = tpu.vector_load %arg7[%get3A_399, %get3A_400] {strides = array<i32>} : memref<64x768xf32, #tpu.memory_space<vmem>>, vector<1x16xf32>,
      %get3A_402 = vector.shape_cast %get3A_401 : vector<1x16xf32> to vector<16xf32>
      %get3A_403 = arith.index_cast %scan3A_21 : i32 to index
      %get3A_404 = arith.constant 432 : index
      %get3A_405 = tpu.vector_load %arg8[%get3A_403, %get3A_404] {strides = array<i32>} : memref<64x768xf32, #tpu.memory_space<vmem>>, vector<1x16xf32>,
      %get3A_406 = vector.shape_cast %get3A_405 : vector<1x16xf32> to vector<16xf32>
      %add3A_407 = arith.addf %get3A_402, %get3A_406 : vector<16xf32>
      %swap3A_408 = arith.index_cast %scan3A_21 : i32 to index
      %swap3A_409 = arith.constant 432 : index
      %swap3A_410 = tpu.vector_load %arg7[%swap3A_408, %swap3A_409] {strides = array<i32>} : memref<64x768xf32, #tpu.memory_space<vmem>>, vector<1x16xf32>,
      %swap3A_411 = vector.shape_cast %swap3A_410 : vector<1x16xf32> to vector<16xf32>
      %swap3A_412 = vector.shape_cast %add3A_407 : vector<16xf32> to vector<1x16xf32>
      tpu.vector_store %arg7[%swap3A_408, %swap3A_409], %swap3A_412 {strides = array<i32>} : memref<64x768xf32, #tpu.memory_space<vmem>>, vector<1x16xf32>,
      %get3A_413 = arith.index_cast %scan3A_21 : i32 to index
      %get3A_414 = arith.constant 448 : index
      %get3A_415 = tpu.vector_load %arg7[%get3A_413, %get3A_414] {strides = array<i32>} : memref<64x768xf32, #tpu.memory_space<vmem>>, vector<1x16xf32>,
      %get3A_416 = vector.shape_cast %get3A_415 : vector<1x16xf32> to vector<16xf32>
      %get3A_417 = arith.index_cast %scan3A_21 : i32 to index
      %get3A_418 = arith.constant 448 : index
      %get3A_419 = tpu.vector_load %arg8[%get3A_417, %get3A_418] {strides = array<i32>} : memref<64x768xf32, #tpu.memory_space<vmem>>, vector<1x16xf32>,
      %get3A_420 = vector.shape_cast %get3A_419 : vector<1x16xf32> to vector<16xf32>
      %add3A_421 = arith.addf %get3A_416, %get3A_420 : vector<16xf32>
      %swap3A_422 = arith.index_cast %scan3A_21 : i32 to index
      %swap3A_423 = arith.constant 448 : index
      %swap3A_424 = tpu.vector_load %arg7[%swap3A_422, %swap3A_423] {strides = array<i32>} : memref<64x768xf32, #tpu.memory_space<vmem>>, vector<1x16xf32>,
      %swap3A_425 = vector.shape_cast %swap3A_424 : vector<1x16xf32> to vector<16xf32>
      %swap3A_426 = vector.shape_cast %add3A_421 : vector<16xf32> to vector<1x16xf32>
      tpu.vector_store %arg7[%swap3A_422, %swap3A_423], %swap3A_426 {strides = array<i32>} : memref<64x768xf32, #tpu.memory_space<vmem>>, vector<1x16xf32>,
      %get3A_427 = arith.index_cast %scan3A_21 : i32 to index
      %get3A_428 = arith.constant 464 : index
      %get3A_429 = tpu.vector_load %arg7[%get3A_427, %get3A_428] {strides = array<i32>} : memref<64x768xf32, #tpu.memory_space<vmem>>, vector<1x16xf32>,
      %get3A_430 = vector.shape_cast %get3A_429 : vector<1x16xf32> to vector<16xf32>
      %get3A_431 = arith.index_cast %scan3A_21 : i32 to index
      %get3A_432 = arith.constant 464 : index
      %get3A_433 = tpu.vector_load %arg8[%get3A_431, %get3A_432] {strides = array<i32>} : memref<64x768xf32, #tpu.memory_space<vmem>>, vector<1x16xf32>,
      %get3A_434 = vector.shape_cast %get3A_433 : vector<1x16xf32> to vector<16xf32>
      %add3A_435 = arith.addf %get3A_430, %get3A_434 : vector<16xf32>
      %swap3A_436 = arith.index_cast %scan3A_21 : i32 to index
      %swap3A_437 = arith.constant 464 : index
      %swap3A_438 = tpu.vector_load %arg7[%swap3A_436, %swap3A_437] {strides = array<i32>} : memref<64x768xf32, #tpu.memory_space<vmem>>, vector<1x16xf32>,
      %swap3A_439 = vector.shape_cast %swap3A_438 : vector<1x16xf32> to vector<16xf32>
      %swap3A_440 = vector.shape_cast %add3A_435 : vector<16xf32> to vector<1x16xf32>
      tpu.vector_store %arg7[%swap3A_436, %swap3A_437], %swap3A_440 {strides = array<i32>} : memref<64x768xf32, #tpu.memory_space<vmem>>, vector<1x16xf32>,
      %get3A_441 = arith.index_cast %scan3A_21 : i32 to index
      %get3A_442 = arith.constant 480 : index
      %get3A_443 = tpu.vector_load %arg7[%get3A_441, %get3A_442] {strides = array<i32>} : memref<64x768xf32, #tpu.memory_space<vmem>>, vector<1x16xf32>,
      %get3A_444 = vector.shape_cast %get3A_443 : vector<1x16xf32> to vector<16xf32>
      %get3A_445 = arith.index_cast %scan3A_21 : i32 to index
      %get3A_446 = arith.constant 480 : index
      %get3A_447 = tpu.vector_load %arg8[%get3A_445, %get3A_446] {strides = array<i32>} : memref<64x768xf32, #tpu.memory_space<vmem>>, vector<1x16xf32>,
      %get3A_448 = vector.shape_cast %get3A_447 : vector<1x16xf32> to vector<16xf32>
      %add3A_449 = arith.addf %get3A_444, %get3A_448 : vector<16xf32>
      %swap3A_450 = arith.index_cast %scan3A_21 : i32 to index
      %swap3A_451 = arith.constant 480 : index
      %swap3A_452 = tpu.vector_load %arg7[%swap3A_450, %swap3A_451] {strides = array<i32>} : memref<64x768xf32, #tpu.memory_space<vmem>>, vector<1x16xf32>,
      %swap3A_453 = vector.shape_cast %swap3A_452 : vector<1x16xf32> to vector<16xf32>
      %swap3A_454 = vector.shape_cast %add3A_449 : vector<16xf32> to vector<1x16xf32>
      tpu.vector_store %arg7[%swap3A_450, %swap3A_451], %swap3A_454 {strides = array<i32>} : memref<64x768xf32, #tpu.memory_space<vmem>>, vector<1x16xf32>,
      %get3A_455 = arith.index_cast %scan3A_21 : i32 to index
      %get3A_456 = arith.constant 496 : index
      %get3A_457 = tpu.vector_load %arg7[%get3A_455, %get3A_456] {strides = array<i32>} : memref<64x768xf32, #tpu.memory_space<vmem>>, vector<1x16xf32>,
      %get3A_458 = vector.shape_cast %get3A_457 : vector<1x16xf32> to vector<16xf32>
      %get3A_459 = arith.index_cast %scan3A_21 : i32 to index
      %get3A_460 = arith.constant 496 : index
      %get3A_461 = tpu.vector_load %arg8[%get3A_459, %get3A_460] {strides = array<i32>} : memref<64x768xf32, #tpu.memory_space<vmem>>, vector<1x16xf32>,
      %get3A_462 = vector.shape_cast %get3A_461 : vector<1x16xf32> to vector<16xf32>
      %add3A_463 = arith.addf %get3A_458, %get3A_462 : vector<16xf32>
      %swap3A_464 = arith.index_cast %scan3A_21 : i32 to index
      %swap3A_465 = arith.constant 496 : index
      %swap3A_466 = tpu.vector_load %arg7[%swap3A_464, %swap3A_465] {strides = array<i32>} : memref<64x768xf32, #tpu.memory_space<vmem>>, vector<1x16xf32>,
      %swap3A_467 = vector.shape_cast %swap3A_466 : vector<1x16xf32> to vector<16xf32>
      %swap3A_468 = vector.shape_cast %add3A_463 : vector<16xf32> to vector<1x16xf32>
      tpu.vector_store %arg7[%swap3A_464, %swap3A_465], %swap3A_468 {strides = array<i32>} : memref<64x768xf32, #tpu.memory_space<vmem>>, vector<1x16xf32>,
      %get3A_469 = arith.index_cast %scan3A_21 : i32 to index
      %get3A_470 = arith.constant 512 : index
      %get3A_471 = tpu.vector_load %arg7[%get3A_469, %get3A_470] {strides = array<i32>} : memref<64x768xf32, #tpu.memory_space<vmem>>, vector<1x16xf32>,
      %get3A_472 = vector.shape_cast %get3A_471 : vector<1x16xf32> to vector<16xf32>
      %get3A_473 = arith.index_cast %scan3A_21 : i32 to index
      %get3A_474 = arith.constant 512 : index
      %get3A_475 = tpu.vector_load %arg8[%get3A_473, %get3A_474] {strides = array<i32>} : memref<64x768xf32, #tpu.memory_space<vmem>>, vector<1x16xf32>,
      %get3A_476 = vector.shape_cast %get3A_475 : vector<1x16xf32> to vector<16xf32>
      %add3A_477 = arith.addf %get3A_472, %get3A_476 : vector<16xf32>
      %swap3A_478 = arith.index_cast %scan3A_21 : i32 to index
      %swap3A_479 = arith.constant 512 : index
      %swap3A_480 = tpu.vector_load %arg7[%swap3A_478, %swap3A_479] {strides = array<i32>} : memref<64x768xf32, #tpu.memory_space<vmem>>, vector<1x16xf32>,
      %swap3A_481 = vector.shape_cast %swap3A_480 : vector<1x16xf32> to vector<16xf32>
      %swap3A_482 = vector.shape_cast %add3A_477 : vector<16xf32> to vector<1x16xf32>
      tpu.vector_store %arg7[%swap3A_478, %swap3A_479], %swap3A_482 {strides = array<i32>} : memref<64x768xf32, #tpu.memory_space<vmem>>, vector<1x16xf32>,
      %get3A_483 = arith.index_cast %scan3A_21 : i32 to index
      %get3A_484 = arith.constant 528 : index
      %get3A_485 = tpu.vector_load %arg7[%get3A_483, %get3A_484] {strides = array<i32>} : memref<64x768xf32, #tpu.memory_space<vmem>>, vector<1x16xf32>,
      %get3A_486 = vector.shape_cast %get3A_485 : vector<1x16xf32> to vector<16xf32>
      %get3A_487 = arith.index_cast %scan3A_21 : i32 to index
      %get3A_488 = arith.constant 528 : index
      %get3A_489 = tpu.vector_load %arg8[%get3A_487, %get3A_488] {strides = array<i32>} : memref<64x768xf32, #tpu.memory_space<vmem>>, vector<1x16xf32>,
      %get3A_490 = vector.shape_cast %get3A_489 : vector<1x16xf32> to vector<16xf32>
      %add3A_491 = arith.addf %get3A_486, %get3A_490 : vector<16xf32>
      %swap3A_492 = arith.index_cast %scan3A_21 : i32 to index
      %swap3A_493 = arith.constant 528 : index
      %swap3A_494 = tpu.vector_load %arg7[%swap3A_492, %swap3A_493] {strides = array<i32>} : memref<64x768xf32, #tpu.memory_space<vmem>>, vector<1x16xf32>,
      %swap3A_495 = vector.shape_cast %swap3A_494 : vector<1x16xf32> to vector<16xf32>
      %swap3A_496 = vector.shape_cast %add3A_491 : vector<16xf32> to vector<1x16xf32>
      tpu.vector_store %arg7[%swap3A_492, %swap3A_493], %swap3A_496 {strides = array<i32>} : memref<64x768xf32, #tpu.memory_space<vmem>>, vector<1x16xf32>,
      %get3A_497 = arith.index_cast %scan3A_21 : i32 to index
      %get3A_498 = arith.constant 544 : index
      %get3A_499 = tpu.vector_load %arg7[%get3A_497, %get3A_498] {strides = array<i32>} : memref<64x768xf32, #tpu.memory_space<vmem>>, vector<1x16xf32>,
      %get3A_500 = vector.shape_cast %get3A_499 : vector<1x16xf32> to vector<16xf32>
      %get3A_501 = arith.index_cast %scan3A_21 : i32 to index
      %get3A_502 = arith.constant 544 : index
      %get3A_503 = tpu.vector_load %arg8[%get3A_501, %get3A_502] {strides = array<i32>} : memref<64x768xf32, #tpu.memory_space<vmem>>, vector<1x16xf32>,
      %get3A_504 = vector.shape_cast %get3A_503 : vector<1x16xf32> to vector<16xf32>
      %add3A_505 = arith.addf %get3A_500, %get3A_504 : vector<16xf32>
      %swap3A_506 = arith.index_cast %scan3A_21 : i32 to index
      %swap3A_507 = arith.constant 544 : index
      %swap3A_508 = tpu.vector_load %arg7[%swap3A_506, %swap3A_507] {strides = array<i32>} : memref<64x768xf32, #tpu.memory_space<vmem>>, vector<1x16xf32>,
      %swap3A_509 = vector.shape_cast %swap3A_508 : vector<1x16xf32> to vector<16xf32>
      %swap3A_510 = vector.shape_cast %add3A_505 : vector<16xf32> to vector<1x16xf32>
      tpu.vector_store %arg7[%swap3A_506, %swap3A_507], %swap3A_510 {strides = array<i32>} : memref<64x768xf32, #tpu.memory_space<vmem>>, vector<1x16xf32>,
      %get3A_511 = arith.index_cast %scan3A_21 : i32 to index
      %get3A_512 = arith.constant 560 : index
      %get3A_513 = tpu.vector_load %arg7[%get3A_511, %get3A_512] {strides = array<i32>} : memref<64x768xf32, #tpu.memory_space<vmem>>, vector<1x16xf32>,
      %get3A_514 = vector.shape_cast %get3A_513 : vector<1x16xf32> to vector<16xf32>
      %get3A_515 = arith.index_cast %scan3A_21 : i32 to index
      %get3A_516 = arith.constant 560 : index
      %get3A_517 = tpu.vector_load %arg8[%get3A_515, %get3A_516] {strides = array<i32>} : memref<64x768xf32, #tpu.memory_space<vmem>>, vector<1x16xf32>,
      %get3A_518 = vector.shape_cast %get3A_517 : vector<1x16xf32> to vector<16xf32>
      %add3A_519 = arith.addf %get3A_514, %get3A_518 : vector<16xf32>
      %swap3A_520 = arith.index_cast %scan3A_21 : i32 to index
      %swap3A_521 = arith.constant 560 : index
      %swap3A_522 = tpu.vector_load %arg7[%swap3A_520, %swap3A_521] {strides = array<i32>} : memref<64x768xf32, #tpu.memory_space<vmem>>, vector<1x16xf32>,
      %swap3A_523 = vector.shape_cast %swap3A_522 : vector<1x16xf32> to vector<16xf32>
      %swap3A_524 = vector.shape_cast %add3A_519 : vector<16xf32> to vector<1x16xf32>
      tpu.vector_store %arg7[%swap3A_520, %swap3A_521], %swap3A_524 {strides = array<i32>} : memref<64x768xf32, #tpu.memory_space<vmem>>, vector<1x16xf32>,
      %get3A_525 = arith.index_cast %scan3A_21 : i32 to index
      %get3A_526 = arith.constant 576 : index
      %get3A_527 = tpu.vector_load %arg7[%get3A_525, %get3A_526] {strides = array<i32>} : memref<64x768xf32, #tpu.memory_space<vmem>>, vector<1x16xf32>,
      %get3A_528 = vector.shape_cast %get3A_527 : vector<1x16xf32> to vector<16xf32>
      %get3A_529 = arith.index_cast %scan3A_21 : i32 to index
      %get3A_530 = arith.constant 576 : index
      %get3A_531 = tpu.vector_load %arg8[%get3A_529, %get3A_530] {strides = array<i32>} : memref<64x768xf32, #tpu.memory_space<vmem>>, vector<1x16xf32>,
      %get3A_532 = vector.shape_cast %get3A_531 : vector<1x16xf32> to vector<16xf32>
      %add3A_533 = arith.addf %get3A_528, %get3A_532 : vector<16xf32>
      %swap3A_534 = arith.index_cast %scan3A_21 : i32 to index
      %swap3A_535 = arith.constant 576 : index
      %swap3A_536 = tpu.vector_load %arg7[%swap3A_534, %swap3A_535] {strides = array<i32>} : memref<64x768xf32, #tpu.memory_space<vmem>>, vector<1x16xf32>,
      %swap3A_537 = vector.shape_cast %swap3A_536 : vector<1x16xf32> to vector<16xf32>
      %swap3A_538 = vector.shape_cast %add3A_533 : vector<16xf32> to vector<1x16xf32>
      tpu.vector_store %arg7[%swap3A_534, %swap3A_535], %swap3A_538 {strides = array<i32>} : memref<64x768xf32, #tpu.memory_space<vmem>>, vector<1x16xf32>,
      %get3A_539 = arith.index_cast %scan3A_21 : i32 to index
      %get3A_540 = arith.constant 592 : index
      %get3A_541 = tpu.vector_load %arg7[%get3A_539, %get3A_540] {strides = array<i32>} : memref<64x768xf32, #tpu.memory_space<vmem>>, vector<1x16xf32>,
      %get3A_542 = vector.shape_cast %get3A_541 : vector<1x16xf32> to vector<16xf32>
      %get3A_543 = arith.index_cast %scan3A_21 : i32 to index
      %get3A_544 = arith.constant 592 : index
      %get3A_545 = tpu.vector_load %arg8[%get3A_543, %get3A_544] {strides = array<i32>} : memref<64x768xf32, #tpu.memory_space<vmem>>, vector<1x16xf32>,
      %get3A_546 = vector.shape_cast %get3A_545 : vector<1x16xf32> to vector<16xf32>
      %add3A_547 = arith.addf %get3A_542, %get3A_546 : vector<16xf32>
      %swap3A_548 = arith.index_cast %scan3A_21 : i32 to index
      %swap3A_549 = arith.constant 592 : index
      %swap3A_550 = tpu.vector_load %arg7[%swap3A_548, %swap3A_549] {strides = array<i32>} : memref<64x768xf32, #tpu.memory_space<vmem>>, vector<1x16xf32>,
      %swap3A_551 = vector.shape_cast %swap3A_550 : vector<1x16xf32> to vector<16xf32>
      %swap3A_552 = vector.shape_cast %add3A_547 : vector<16xf32> to vector<1x16xf32>
      tpu.vector_store %arg7[%swap3A_548, %swap3A_549], %swap3A_552 {strides = array<i32>} : memref<64x768xf32, #tpu.memory_space<vmem>>, vector<1x16xf32>,
      %get3A_553 = arith.index_cast %scan3A_21 : i32 to index
      %get3A_554 = arith.constant 608 : index
      %get3A_555 = tpu.vector_load %arg7[%get3A_553, %get3A_554] {strides = array<i32>} : memref<64x768xf32, #tpu.memory_space<vmem>>, vector<1x16xf32>,
      %get3A_556 = vector.shape_cast %get3A_555 : vector<1x16xf32> to vector<16xf32>
      %get3A_557 = arith.index_cast %scan3A_21 : i32 to index
      %get3A_558 = arith.constant 608 : index
      %get3A_559 = tpu.vector_load %arg8[%get3A_557, %get3A_558] {strides = array<i32>} : memref<64x768xf32, #tpu.memory_space<vmem>>, vector<1x16xf32>,
      %get3A_560 = vector.shape_cast %get3A_559 : vector<1x16xf32> to vector<16xf32>
      %add3A_561 = arith.addf %get3A_556, %get3A_560 : vector<16xf32>
      %swap3A_562 = arith.index_cast %scan3A_21 : i32 to index
      %swap3A_563 = arith.constant 608 : index
      %swap3A_564 = tpu.vector_load %arg7[%swap3A_562, %swap3A_563] {strides = array<i32>} : memref<64x768xf32, #tpu.memory_space<vmem>>, vector<1x16xf32>,
      %swap3A_565 = vector.shape_cast %swap3A_564 : vector<1x16xf32> to vector<16xf32>
      %swap3A_566 = vector.shape_cast %add3A_561 : vector<16xf32> to vector<1x16xf32>
      tpu.vector_store %arg7[%swap3A_562, %swap3A_563], %swap3A_566 {strides = array<i32>} : memref<64x768xf32, #tpu.memory_space<vmem>>, vector<1x16xf32>,
      %get3A_567 = arith.index_cast %scan3A_21 : i32 to index
      %get3A_568 = arith.constant 624 : index
      %get3A_569 = tpu.vector_load %arg7[%get3A_567, %get3A_568] {strides = array<i32>} : memref<64x768xf32, #tpu.memory_space<vmem>>, vector<1x16xf32>,
      %get3A_570 = vector.shape_cast %get3A_569 : vector<1x16xf32> to vector<16xf32>
      %get3A_571 = arith.index_cast %scan3A_21 : i32 to index
      %get3A_572 = arith.constant 624 : index
      %get3A_573 = tpu.vector_load %arg8[%get3A_571, %get3A_572] {strides = array<i32>} : memref<64x768xf32, #tpu.memory_space<vmem>>, vector<1x16xf32>,
      %get3A_574 = vector.shape_cast %get3A_573 : vector<1x16xf32> to vector<16xf32>
      %add3A_575 = arith.addf %get3A_570, %get3A_574 : vector<16xf32>
      %swap3A_576 = arith.index_cast %scan3A_21 : i32 to index
      %swap3A_577 = arith.constant 624 : index
      %swap3A_578 = tpu.vector_load %arg7[%swap3A_576, %swap3A_577] {strides = array<i32>} : memref<64x768xf32, #tpu.memory_space<vmem>>, vector<1x16xf32>,
      %swap3A_579 = vector.shape_cast %swap3A_578 : vector<1x16xf32> to vector<16xf32>
      %swap3A_580 = vector.shape_cast %add3A_575 : vector<16xf32> to vector<1x16xf32>
      tpu.vector_store %arg7[%swap3A_576, %swap3A_577], %swap3A_580 {strides = array<i32>} : memref<64x768xf32, #tpu.memory_space<vmem>>, vector<1x16xf32>,
      %get3A_581 = arith.index_cast %scan3A_21 : i32 to index
      %get3A_582 = arith.constant 640 : index
      %get3A_583 = tpu.vector_load %arg7[%get3A_581, %get3A_582] {strides = array<i32>} : memref<64x768xf32, #tpu.memory_space<vmem>>, vector<1x16xf32>,
      %get3A_584 = vector.shape_cast %get3A_583 : vector<1x16xf32> to vector<16xf32>
      %get3A_585 = arith.index_cast %scan3A_21 : i32 to index
      %get3A_586 = arith.constant 640 : index
      %get3A_587 = tpu.vector_load %arg8[%get3A_585, %get3A_586] {strides = array<i32>} : memref<64x768xf32, #tpu.memory_space<vmem>>, vector<1x16xf32>,
      %get3A_588 = vector.shape_cast %get3A_587 : vector<1x16xf32> to vector<16xf32>
      %add3A_589 = arith.addf %get3A_584, %get3A_588 : vector<16xf32>
      %swap3A_590 = arith.index_cast %scan3A_21 : i32 to index
      %swap3A_591 = arith.constant 640 : index
      %swap3A_592 = tpu.vector_load %arg7[%swap3A_590, %swap3A_591] {strides = array<i32>} : memref<64x768xf32, #tpu.memory_space<vmem>>, vector<1x16xf32>,
      %swap3A_593 = vector.shape_cast %swap3A_592 : vector<1x16xf32> to vector<16xf32>
      %swap3A_594 = vector.shape_cast %add3A_589 : vector<16xf32> to vector<1x16xf32>
      tpu.vector_store %arg7[%swap3A_590, %swap3A_591], %swap3A_594 {strides = array<i32>} : memref<64x768xf32, #tpu.memory_space<vmem>>, vector<1x16xf32>,
      %get3A_595 = arith.index_cast %scan3A_21 : i32 to index
      %get3A_596 = arith.constant 656 : index
      %get3A_597 = tpu.vector_load %arg7[%get3A_595, %get3A_596] {strides = array<i32>} : memref<64x768xf32, #tpu.memory_space<vmem>>, vector<1x16xf32>,
      %get3A_598 = vector.shape_cast %get3A_597 : vector<1x16xf32> to vector<16xf32>
      %get3A_599 = arith.index_cast %scan3A_21 : i32 to index
      %get3A_600 = arith.constant 656 : index
      %get3A_601 = tpu.vector_load %arg8[%get3A_599, %get3A_600] {strides = array<i32>} : memref<64x768xf32, #tpu.memory_space<vmem>>, vector<1x16xf32>,
      %get3A_602 = vector.shape_cast %get3A_601 : vector<1x16xf32> to vector<16xf32>
      %add3A_603 = arith.addf %get3A_598, %get3A_602 : vector<16xf32>
      %swap3A_604 = arith.index_cast %scan3A_21 : i32 to index
      %swap3A_605 = arith.constant 656 : index
      %swap3A_606 = tpu.vector_load %arg7[%swap3A_604, %swap3A_605] {strides = array<i32>} : memref<64x768xf32, #tpu.memory_space<vmem>>, vector<1x16xf32>,
      %swap3A_607 = vector.shape_cast %swap3A_606 : vector<1x16xf32> to vector<16xf32>
      %swap3A_608 = vector.shape_cast %add3A_603 : vector<16xf32> to vector<1x16xf32>
      tpu.vector_store %arg7[%swap3A_604, %swap3A_605], %swap3A_608 {strides = array<i32>} : memref<64x768xf32, #tpu.memory_space<vmem>>, vector<1x16xf32>,
      %get3A_609 = arith.index_cast %scan3A_21 : i32 to index
      %get3A_610 = arith.constant 672 : index
      %get3A_611 = tpu.vector_load %arg7[%get3A_609, %get3A_610] {strides = array<i32>} : memref<64x768xf32, #tpu.memory_space<vmem>>, vector<1x16xf32>,
      %get3A_612 = vector.shape_cast %get3A_611 : vector<1x16xf32> to vector<16xf32>
      %get3A_613 = arith.index_cast %scan3A_21 : i32 to index
      %get3A_614 = arith.constant 672 : index
      %get3A_615 = tpu.vector_load %arg8[%get3A_613, %get3A_614] {strides = array<i32>} : memref<64x768xf32, #tpu.memory_space<vmem>>, vector<1x16xf32>,
      %get3A_616 = vector.shape_cast %get3A_615 : vector<1x16xf32> to vector<16xf32>
      %add3A_617 = arith.addf %get3A_612, %get3A_616 : vector<16xf32>
      %swap3A_618 = arith.index_cast %scan3A_21 : i32 to index
      %swap3A_619 = arith.constant 672 : index
      %swap3A_620 = tpu.vector_load %arg7[%swap3A_618, %swap3A_619] {strides = array<i32>} : memref<64x768xf32, #tpu.memory_space<vmem>>, vector<1x16xf32>,
      %swap3A_621 = vector.shape_cast %swap3A_620 : vector<1x16xf32> to vector<16xf32>
      %swap3A_622 = vector.shape_cast %add3A_617 : vector<16xf32> to vector<1x16xf32>
      tpu.vector_store %arg7[%swap3A_618, %swap3A_619], %swap3A_622 {strides = array<i32>} : memref<64x768xf32, #tpu.memory_space<vmem>>, vector<1x16xf32>,
      %get3A_623 = arith.index_cast %scan3A_21 : i32 to index
      %get3A_624 = arith.constant 688 : index
      %get3A_625 = tpu.vector_load %arg7[%get3A_623, %get3A_624] {strides = array<i32>} : memref<64x768xf32, #tpu.memory_space<vmem>>, vector<1x16xf32>,
      %get3A_626 = vector.shape_cast %get3A_625 : vector<1x16xf32> to vector<16xf32>
      %get3A_627 = arith.index_cast %scan3A_21 : i32 to index
      %get3A_628 = arith.constant 688 : index
      %get3A_629 = tpu.vector_load %arg8[%get3A_627, %get3A_628] {strides = array<i32>} : memref<64x768xf32, #tpu.memory_space<vmem>>, vector<1x16xf32>,
      %get3A_630 = vector.shape_cast %get3A_629 : vector<1x16xf32> to vector<16xf32>
      %add3A_631 = arith.addf %get3A_626, %get3A_630 : vector<16xf32>
      %swap3A_632 = arith.index_cast %scan3A_21 : i32 to index
      %swap3A_633 = arith.constant 688 : index
      %swap3A_634 = tpu.vector_load %arg7[%swap3A_632, %swap3A_633] {strides = array<i32>} : memref<64x768xf32, #tpu.memory_space<vmem>>, vector<1x16xf32>,
      %swap3A_635 = vector.shape_cast %swap3A_634 : vector<1x16xf32> to vector<16xf32>
      %swap3A_636 = vector.shape_cast %add3A_631 : vector<16xf32> to vector<1x16xf32>
      tpu.vector_store %arg7[%swap3A_632, %swap3A_633], %swap3A_636 {strides = array<i32>} : memref<64x768xf32, #tpu.memory_space<vmem>>, vector<1x16xf32>,
      %get3A_637 = arith.index_cast %scan3A_21 : i32 to index
      %get3A_638 = arith.constant 704 : index
      %get3A_639 = tpu.vector_load %arg7[%get3A_637, %get3A_638] {strides = array<i32>} : memref<64x768xf32, #tpu.memory_space<vmem>>, vector<1x16xf32>,
      %get3A_640 = vector.shape_cast %get3A_639 : vector<1x16xf32> to vector<16xf32>
      %get3A_641 = arith.index_cast %scan3A_21 : i32 to index
      %get3A_642 = arith.constant 704 : index
      %get3A_643 = tpu.vector_load %arg8[%get3A_641, %get3A_642] {strides = array<i32>} : memref<64x768xf32, #tpu.memory_space<vmem>>, vector<1x16xf32>,
      %get3A_644 = vector.shape_cast %get3A_643 : vector<1x16xf32> to vector<16xf32>
      %add3A_645 = arith.addf %get3A_640, %get3A_644 : vector<16xf32>
      %swap3A_646 = arith.index_cast %scan3A_21 : i32 to index
      %swap3A_647 = arith.constant 704 : index
      %swap3A_648 = tpu.vector_load %arg7[%swap3A_646, %swap3A_647] {strides = array<i32>} : memref<64x768xf32, #tpu.memory_space<vmem>>, vector<1x16xf32>,
      %swap3A_649 = vector.shape_cast %swap3A_648 : vector<1x16xf32> to vector<16xf32>
      %swap3A_650 = vector.shape_cast %add3A_645 : vector<16xf32> to vector<1x16xf32>
      tpu.vector_store %arg7[%swap3A_646, %swap3A_647], %swap3A_650 {strides = array<i32>} : memref<64x768xf32, #tpu.memory_space<vmem>>, vector<1x16xf32>,
      %get3A_651 = arith.index_cast %scan3A_21 : i32 to index
      %get3A_652 = arith.constant 720 : index
      %get3A_653 = tpu.vector_load %arg7[%get3A_651, %get3A_652] {strides = array<i32>} : memref<64x768xf32, #tpu.memory_space<vmem>>, vector<1x16xf32>,
      %get3A_654 = vector.shape_cast %get3A_653 : vector<1x16xf32> to vector<16xf32>
      %get3A_655 = arith.index_cast %scan3A_21 : i32 to index
      %get3A_656 = arith.constant 720 : index
      %get3A_657 = tpu.vector_load %arg8[%get3A_655, %get3A_656] {strides = array<i32>} : memref<64x768xf32, #tpu.memory_space<vmem>>, vector<1x16xf32>,
      %get3A_658 = vector.shape_cast %get3A_657 : vector<1x16xf32> to vector<16xf32>
      %add3A_659 = arith.addf %get3A_654, %get3A_658 : vector<16xf32>
      %swap3A_660 = arith.index_cast %scan3A_21 : i32 to index
      %swap3A_661 = arith.constant 720 : index
      %swap3A_662 = tpu.vector_load %arg7[%swap3A_660, %swap3A_661] {strides = array<i32>} : memref<64x768xf32, #tpu.memory_space<vmem>>, vector<1x16xf32>,
      %swap3A_663 = vector.shape_cast %swap3A_662 : vector<1x16xf32> to vector<16xf32>
      %swap3A_664 = vector.shape_cast %add3A_659 : vector<16xf32> to vector<1x16xf32>
      tpu.vector_store %arg7[%swap3A_660, %swap3A_661], %swap3A_664 {strides = array<i32>} : memref<64x768xf32, #tpu.memory_space<vmem>>, vector<1x16xf32>,
      %get3A_665 = arith.index_cast %scan3A_21 : i32 to index
      %get3A_666 = arith.constant 736 : index
      %get3A_667 = tpu.vector_load %arg7[%get3A_665, %get3A_666] {strides = array<i32>} : memref<64x768xf32, #tpu.memory_space<vmem>>, vector<1x16xf32>,
      %get3A_668 = vector.shape_cast %get3A_667 : vector<1x16xf32> to vector<16xf32>
      %get3A_669 = arith.index_cast %scan3A_21 : i32 to index
      %get3A_670 = arith.constant 736 : index
      %get3A_671 = tpu.vector_load %arg8[%get3A_669, %get3A_670] {strides = array<i32>} : memref<64x768xf32, #tpu.memory_space<vmem>>, vector<1x16xf32>,
      %get3A_672 = vector.shape_cast %get3A_671 : vector<1x16xf32> to vector<16xf32>
      %add3A_673 = arith.addf %get3A_668, %get3A_672 : vector<16xf32>
      %swap3A_674 = arith.index_cast %scan3A_21 : i32 to index
      %swap3A_675 = arith.constant 736 : index
      %swap3A_676 = tpu.vector_load %arg7[%swap3A_674, %swap3A_675] {strides = array<i32>} : memref<64x768xf32, #tpu.memory_space<vmem>>, vector<1x16xf32>,
      %swap3A_677 = vector.shape_cast %swap3A_676 : vector<1x16xf32> to vector<16xf32>
      %swap3A_678 = vector.shape_cast %add3A_673 : vector<16xf32> to vector<1x16xf32>
      tpu.vector_store %arg7[%swap3A_674, %swap3A_675], %swap3A_678 {strides = array<i32>} : memref<64x768xf32, #tpu.memory_space<vmem>>, vector<1x16xf32>,
      %get3A_679 = arith.index_cast %scan3A_21 : i32 to index
      %get3A_680 = arith.constant 752 : index
      %get3A_681 = tpu.vector_load %arg7[%get3A_679, %get3A_680] {strides = array<i32>} : memref<64x768xf32, #tpu.memory_space<vmem>>, vector<1x16xf32>,
      %get3A_682 = vector.shape_cast %get3A_681 : vector<1x16xf32> to vector<16xf32>
      %get3A_683 = arith.index_cast %scan3A_21 : i32 to index
      %get3A_684 = arith.constant 752 : index
      %get3A_685 = tpu.vector_load %arg8[%get3A_683, %get3A_684] {strides = array<i32>} : memref<64x768xf32, #tpu.memory_space<vmem>>, vector<1x16xf32>,
      %get3A_686 = vector.shape_cast %get3A_685 : vector<1x16xf32> to vector<16xf32>
      %add3A_687 = arith.addf %get3A_682, %get3A_686 : vector<16xf32>
      %swap3A_688 = arith.index_cast %scan3A_21 : i32 to index
      %swap3A_689 = arith.constant 752 : index
      %swap3A_690 = tpu.vector_load %arg7[%swap3A_688, %swap3A_689] {strides = array<i32>} : memref<64x768xf32, #tpu.memory_space<vmem>>, vector<1x16xf32>,
      %swap3A_691 = vector.shape_cast %swap3A_690 : vector<1x16xf32> to vector<16xf32>
      %swap3A_692 = vector.shape_cast %add3A_687 : vector<16xf32> to vector<1x16xf32>
      tpu.vector_store %arg7[%swap3A_688, %swap3A_689], %swap3A_692 {strides = array<i32>} : memref<64x768xf32, #tpu.memory_space<vmem>>, vector<1x16xf32>,
      %scan3A_693 = arith.constant 0 : i32
      scf.yield %scan3A_693 : i32
    }
    %scan3A_20 = arith.constant 64 : i32
    "tpu.region"() ({
      %run_scoped3A = tpu.sem_alloc : memref<!tpu.dma_semaphore, #tpu.memory_space<semaphore_mem>>
      %dma_start3A_21 = arith.constant 0 : i32
      %dma_start3A_22 = tpu.memref_slice %arg4[%mul3A_2, %dma_start3A_21] : memref<2048x768xf32, #tpu.memory_space<hbm>> -> memref<64x768xf32, #tpu.memory_space<hbm>>
      %dma_start3A_23 = arith.constant 0 : i32
      %dma_start3A_24 = tpu.memref_slice %arg4[%mul3A_2, %dma_start3A_23] : memref<2048x768xf32, #tpu.memory_space<hbm>> -> memref<64x768xf32, #tpu.memory_space<hbm>>
      tpu.enqueue_dma source(%arg7 : memref<64x768xf32, #tpu.memory_space<vmem>>) target(%dma_start3A_24 : memref<64x768xf32, #tpu.memory_space<hbm>>) target_semaphore(%run_scoped3A : memref<!tpu.dma_semaphore, #tpu.memory_space<semaphore_mem>>)
      %dma_wait3A_25 = arith.constant 0 : i32
      %dma_wait3A_26 = tpu.memref_slice %arg4[%mul3A_2, %dma_wait3A_25] : memref<2048x768xf32, #tpu.memory_space<hbm>> -> memref<64x768xf32, #tpu.memory_space<hbm>>
      %dma_wait3A_27 = arith.constant 0 : i32
      %dma_wait3A_28 = tpu.memref_slice %arg4[%mul3A_2, %dma_wait3A_27] : memref<2048x768xf32, #tpu.memory_space<hbm>> -> memref<64x768xf32, #tpu.memory_space<hbm>>
      tpu.wait_dma2 semaphore(%run_scoped3A : memref<!tpu.dma_semaphore, #tpu.memory_space<semaphore_mem>>) src(%arg7 : memref<64x768xf32, #tpu.memory_space<vmem>>) dst(%dma_wait3A_28 : memref<64x768xf32, #tpu.memory_space<hbm>>)
      tpu.yield
    }) : () -> ()
    return
  }
}

#map = affine_map<(d0, d1) -> (0, 0)>
#map1 = affine_map<(d0, d1) -> (0)>
module attributes {stable_mosaic.version = 14 : i64} {
  func.func @_dispatch(%arg0: i32, %arg1: i32, %arg2: memref<2048x384xi32, #tpu.memory_space<hbm>>, %arg3: memref<4096xi32, #tpu.memory_space<hbm>>, %arg4: memref<4096xf32, #tpu.memory_space<hbm>>, %arg5: memref<5120x384xi32, #tpu.memory_space<hbm>>, %arg6: memref<5120xf32, #tpu.memory_space<hbm>>, %arg7: memref<8x16xi32, #tpu.memory_space<vmem>>, %arg8: memref<128xi32, #tpu.memory_space<vmem>>, %arg9: memref<128xf32, #tpu.memory_space<vmem>>, %arg10: memref<128x384xi32, #tpu.memory_space<vmem>>, %arg11: memref<!tpu.dma_semaphore, #tpu.memory_space<semaphore_mem>>, %arg12: memref<!tpu.dma_semaphore, #tpu.memory_space<semaphore_mem>>, %arg13: memref<!tpu.dma_semaphore, #tpu.memory_space<semaphore_mem>>, %arg14: memref<!tpu.dma_semaphore, #tpu.memory_space<semaphore_mem>>, %arg15: memref<!tpu.dma_semaphore, #tpu.memory_space<semaphore_mem>>, %arg16: memref<!tpu.dma_semaphore, #tpu.memory_space<semaphore_mem>>, %arg17: memref<!tpu.dma_semaphore, #tpu.memory_space<semaphore_mem>>, %arg18: memref<!tpu.dma_semaphore, #tpu.memory_space<semaphore_mem>>, %arg19: memref<!tpu.dma_semaphore, #tpu.memory_space<semaphore_mem>>, %arg20: memref<!tpu.dma_semaphore, #tpu.memory_space<semaphore_mem>>) attributes {dimension_semantics = [#tpu.dimension_semantics<core_parallel>, #tpu.dimension_semantics<subcore_parallel>], iteration_bounds = array<i64: 2, 16>, scalar_prefetch = 0 : i64, scratch_operands = 14 : i64, tpu.core_type = #tpu.core_type<sc_vector_subcore>, window_params = [{transform_indices = #map}, {transform_indices = #map1}, {transform_indices = #map1}, {transform_indices = #map}, {transform_indices = #map1}]} {
    %mul3A = arith.constant 2 : i32
    %mul3A_0 = arith.muli %arg1, %mul3A : i32
    %add3A = arith.addi %mul3A_0, %arg0 : i32
    %mul3A_1 = arith.constant 128 : i32
    %mul3A_2 = arith.muli %add3A, %mul3A_1 : i32
    %jit3A = arith.constant 16 : i32
    %eq3A = arith.constant 0 : i32
    %eq3A_3 = arith.cmpi eq, %jit3A, %eq3A : i32
    %jit3A_4 = arith.constant 1 : i32
    %select_n3A = arith.select %eq3A_3, %jit3A_4, %jit3A : i32
    %rem3A = arith.remsi %add3A, %select_n3A : i32
    %ne3A = arith.constant 0 : i32
    %ne3A_5 = arith.cmpi ne, %rem3A, %ne3A : i32
    %lt3A = arith.constant 0 : i32
    %lt3A_6 = arith.cmpi slt, %rem3A, %lt3A : i32
    %lt3A_7 = arith.constant 0 : i32
    %lt3A_8 = arith.cmpi slt, %select_n3A, %lt3A_7 : i32
    %ne3A_9 = arith.xori %lt3A_6, %lt3A_8 : i1
    %and3A = arith.andi %ne3A_9, %ne3A_5 : i1
    %add3A_10 = arith.addi %rem3A, %select_n3A : i32
    %select_n3A_11 = arith.select %and3A, %add3A_10, %rem3A : i32
    %mul3A_12 = arith.constant 128 : i32
    %mul3A_13 = arith.muli %select_n3A_11, %mul3A_12 : i32
    %add3A_14 = arith.constant 0 : i32
    %add3A_15 = arith.addi %mul3A_2, %add3A_14 : i32
    %dma_start3A = arith.constant 0 : i32
    %dma_start3A_16 = arith.constant 0 : i32
    %dma_start3A_17 = tpu.memref_slice %arg7[%dma_start3A, %dma_start3A_16] : memref<8x16xi32, #tpu.memory_space<vmem>> -> memref<1x16xi32, #tpu.memory_space<vmem>>
    %dma_start3A_18 = tpu.memref_squeeze %dma_start3A_17 : memref<1x16xi32, #tpu.memory_space<vmem>> -> memref<16xi32, #tpu.memory_space<vmem>>
    %dma_start3A_19 = tpu.memref_slice %arg3[%add3A_15] : memref<4096xi32, #tpu.memory_space<hbm>> -> memref<16xi32, #tpu.memory_space<hbm>>
    %dma_start3A_20 = arith.constant 0 : i32
    %dma_start3A_21 = tpu.memref_slice %arg7[%dma_start3A, %dma_start3A_20] : memref<8x16xi32, #tpu.memory_space<vmem>> -> memref<1x16xi32, #tpu.memory_space<vmem>>
    %dma_start3A_22 = tpu.memref_squeeze %dma_start3A_21 : memref<1x16xi32, #tpu.memory_space<vmem>> -> memref<16xi32, #tpu.memory_space<vmem>>
    %dma_start3A_23 = tpu.memref_slice %arg3[%add3A_15] : memref<4096xi32, #tpu.memory_space<hbm>> -> memref<16xi32, #tpu.memory_space<hbm>>
    tpu.enqueue_dma source(%dma_start3A_23 : memref<16xi32, #tpu.memory_space<hbm>>) target(%dma_start3A_22 : memref<16xi32, #tpu.memory_space<vmem>>) target_semaphore(%arg20 : memref<!tpu.dma_semaphore, #tpu.memory_space<semaphore_mem>>)
    %add3A_24 = arith.constant 16 : i32
    %add3A_25 = arith.addi %mul3A_2, %add3A_24 : i32
    %dma_start3A_26 = arith.constant 1 : i32
    %dma_start3A_27 = arith.constant 0 : i32
    %dma_start3A_28 = tpu.memref_slice %arg7[%dma_start3A_26, %dma_start3A_27] : memref<8x16xi32, #tpu.memory_space<vmem>> -> memref<1x16xi32, #tpu.memory_space<vmem>>
    %dma_start3A_29 = tpu.memref_squeeze %dma_start3A_28 : memref<1x16xi32, #tpu.memory_space<vmem>> -> memref<16xi32, #tpu.memory_space<vmem>>
    %dma_start3A_30 = tpu.memref_slice %arg3[%add3A_25] : memref<4096xi32, #tpu.memory_space<hbm>> -> memref<16xi32, #tpu.memory_space<hbm>>
    %dma_start3A_31 = arith.constant 0 : i32
    %dma_start3A_32 = tpu.memref_slice %arg7[%dma_start3A_26, %dma_start3A_31] : memref<8x16xi32, #tpu.memory_space<vmem>> -> memref<1x16xi32, #tpu.memory_space<vmem>>
    %dma_start3A_33 = tpu.memref_squeeze %dma_start3A_32 : memref<1x16xi32, #tpu.memory_space<vmem>> -> memref<16xi32, #tpu.memory_space<vmem>>
    %dma_start3A_34 = tpu.memref_slice %arg3[%add3A_25] : memref<4096xi32, #tpu.memory_space<hbm>> -> memref<16xi32, #tpu.memory_space<hbm>>
    tpu.enqueue_dma source(%dma_start3A_34 : memref<16xi32, #tpu.memory_space<hbm>>) target(%dma_start3A_33 : memref<16xi32, #tpu.memory_space<vmem>>) target_semaphore(%arg20 : memref<!tpu.dma_semaphore, #tpu.memory_space<semaphore_mem>>)
    %add3A_35 = arith.constant 32 : i32
    %add3A_36 = arith.addi %mul3A_2, %add3A_35 : i32
    %dma_start3A_37 = arith.constant 2 : i32
    %dma_start3A_38 = arith.constant 0 : i32
    %dma_start3A_39 = tpu.memref_slice %arg7[%dma_start3A_37, %dma_start3A_38] : memref<8x16xi32, #tpu.memory_space<vmem>> -> memref<1x16xi32, #tpu.memory_space<vmem>>
    %dma_start3A_40 = tpu.memref_squeeze %dma_start3A_39 : memref<1x16xi32, #tpu.memory_space<vmem>> -> memref<16xi32, #tpu.memory_space<vmem>>
    %dma_start3A_41 = tpu.memref_slice %arg3[%add3A_36] : memref<4096xi32, #tpu.memory_space<hbm>> -> memref<16xi32, #tpu.memory_space<hbm>>
    %dma_start3A_42 = arith.constant 0 : i32
    %dma_start3A_43 = tpu.memref_slice %arg7[%dma_start3A_37, %dma_start3A_42] : memref<8x16xi32, #tpu.memory_space<vmem>> -> memref<1x16xi32, #tpu.memory_space<vmem>>
    %dma_start3A_44 = tpu.memref_squeeze %dma_start3A_43 : memref<1x16xi32, #tpu.memory_space<vmem>> -> memref<16xi32, #tpu.memory_space<vmem>>
    %dma_start3A_45 = tpu.memref_slice %arg3[%add3A_36] : memref<4096xi32, #tpu.memory_space<hbm>> -> memref<16xi32, #tpu.memory_space<hbm>>
    tpu.enqueue_dma source(%dma_start3A_45 : memref<16xi32, #tpu.memory_space<hbm>>) target(%dma_start3A_44 : memref<16xi32, #tpu.memory_space<vmem>>) target_semaphore(%arg20 : memref<!tpu.dma_semaphore, #tpu.memory_space<semaphore_mem>>)
    %add3A_46 = arith.constant 48 : i32
    %add3A_47 = arith.addi %mul3A_2, %add3A_46 : i32
    %dma_start3A_48 = arith.constant 3 : i32
    %dma_start3A_49 = arith.constant 0 : i32
    %dma_start3A_50 = tpu.memref_slice %arg7[%dma_start3A_48, %dma_start3A_49] : memref<8x16xi32, #tpu.memory_space<vmem>> -> memref<1x16xi32, #tpu.memory_space<vmem>>
    %dma_start3A_51 = tpu.memref_squeeze %dma_start3A_50 : memref<1x16xi32, #tpu.memory_space<vmem>> -> memref<16xi32, #tpu.memory_space<vmem>>
    %dma_start3A_52 = tpu.memref_slice %arg3[%add3A_47] : memref<4096xi32, #tpu.memory_space<hbm>> -> memref<16xi32, #tpu.memory_space<hbm>>
    %dma_start3A_53 = arith.constant 0 : i32
    %dma_start3A_54 = tpu.memref_slice %arg7[%dma_start3A_48, %dma_start3A_53] : memref<8x16xi32, #tpu.memory_space<vmem>> -> memref<1x16xi32, #tpu.memory_space<vmem>>
    %dma_start3A_55 = tpu.memref_squeeze %dma_start3A_54 : memref<1x16xi32, #tpu.memory_space<vmem>> -> memref<16xi32, #tpu.memory_space<vmem>>
    %dma_start3A_56 = tpu.memref_slice %arg3[%add3A_47] : memref<4096xi32, #tpu.memory_space<hbm>> -> memref<16xi32, #tpu.memory_space<hbm>>
    tpu.enqueue_dma source(%dma_start3A_56 : memref<16xi32, #tpu.memory_space<hbm>>) target(%dma_start3A_55 : memref<16xi32, #tpu.memory_space<vmem>>) target_semaphore(%arg20 : memref<!tpu.dma_semaphore, #tpu.memory_space<semaphore_mem>>)
    %add3A_57 = arith.constant 64 : i32
    %add3A_58 = arith.addi %mul3A_2, %add3A_57 : i32
    %dma_start3A_59 = arith.constant 4 : i32
    %dma_start3A_60 = arith.constant 0 : i32
    %dma_start3A_61 = tpu.memref_slice %arg7[%dma_start3A_59, %dma_start3A_60] : memref<8x16xi32, #tpu.memory_space<vmem>> -> memref<1x16xi32, #tpu.memory_space<vmem>>
    %dma_start3A_62 = tpu.memref_squeeze %dma_start3A_61 : memref<1x16xi32, #tpu.memory_space<vmem>> -> memref<16xi32, #tpu.memory_space<vmem>>
    %dma_start3A_63 = tpu.memref_slice %arg3[%add3A_58] : memref<4096xi32, #tpu.memory_space<hbm>> -> memref<16xi32, #tpu.memory_space<hbm>>
    %dma_start3A_64 = arith.constant 0 : i32
    %dma_start3A_65 = tpu.memref_slice %arg7[%dma_start3A_59, %dma_start3A_64] : memref<8x16xi32, #tpu.memory_space<vmem>> -> memref<1x16xi32, #tpu.memory_space<vmem>>
    %dma_start3A_66 = tpu.memref_squeeze %dma_start3A_65 : memref<1x16xi32, #tpu.memory_space<vmem>> -> memref<16xi32, #tpu.memory_space<vmem>>
    %dma_start3A_67 = tpu.memref_slice %arg3[%add3A_58] : memref<4096xi32, #tpu.memory_space<hbm>> -> memref<16xi32, #tpu.memory_space<hbm>>
    tpu.enqueue_dma source(%dma_start3A_67 : memref<16xi32, #tpu.memory_space<hbm>>) target(%dma_start3A_66 : memref<16xi32, #tpu.memory_space<vmem>>) target_semaphore(%arg20 : memref<!tpu.dma_semaphore, #tpu.memory_space<semaphore_mem>>)
    %add3A_68 = arith.constant 80 : i32
    %add3A_69 = arith.addi %mul3A_2, %add3A_68 : i32
    %dma_start3A_70 = arith.constant 5 : i32
    %dma_start3A_71 = arith.constant 0 : i32
    %dma_start3A_72 = tpu.memref_slice %arg7[%dma_start3A_70, %dma_start3A_71] : memref<8x16xi32, #tpu.memory_space<vmem>> -> memref<1x16xi32, #tpu.memory_space<vmem>>
    %dma_start3A_73 = tpu.memref_squeeze %dma_start3A_72 : memref<1x16xi32, #tpu.memory_space<vmem>> -> memref<16xi32, #tpu.memory_space<vmem>>
    %dma_start3A_74 = tpu.memref_slice %arg3[%add3A_69] : memref<4096xi32, #tpu.memory_space<hbm>> -> memref<16xi32, #tpu.memory_space<hbm>>
    %dma_start3A_75 = arith.constant 0 : i32
    %dma_start3A_76 = tpu.memref_slice %arg7[%dma_start3A_70, %dma_start3A_75] : memref<8x16xi32, #tpu.memory_space<vmem>> -> memref<1x16xi32, #tpu.memory_space<vmem>>
    %dma_start3A_77 = tpu.memref_squeeze %dma_start3A_76 : memref<1x16xi32, #tpu.memory_space<vmem>> -> memref<16xi32, #tpu.memory_space<vmem>>
    %dma_start3A_78 = tpu.memref_slice %arg3[%add3A_69] : memref<4096xi32, #tpu.memory_space<hbm>> -> memref<16xi32, #tpu.memory_space<hbm>>
    tpu.enqueue_dma source(%dma_start3A_78 : memref<16xi32, #tpu.memory_space<hbm>>) target(%dma_start3A_77 : memref<16xi32, #tpu.memory_space<vmem>>) target_semaphore(%arg20 : memref<!tpu.dma_semaphore, #tpu.memory_space<semaphore_mem>>)
    %add3A_79 = arith.constant 96 : i32
    %add3A_80 = arith.addi %mul3A_2, %add3A_79 : i32
    %dma_start3A_81 = arith.constant 6 : i32
    %dma_start3A_82 = arith.constant 0 : i32
    %dma_start3A_83 = tpu.memref_slice %arg7[%dma_start3A_81, %dma_start3A_82] : memref<8x16xi32, #tpu.memory_space<vmem>> -> memref<1x16xi32, #tpu.memory_space<vmem>>
    %dma_start3A_84 = tpu.memref_squeeze %dma_start3A_83 : memref<1x16xi32, #tpu.memory_space<vmem>> -> memref<16xi32, #tpu.memory_space<vmem>>
    %dma_start3A_85 = tpu.memref_slice %arg3[%add3A_80] : memref<4096xi32, #tpu.memory_space<hbm>> -> memref<16xi32, #tpu.memory_space<hbm>>
    %dma_start3A_86 = arith.constant 0 : i32
    %dma_start3A_87 = tpu.memref_slice %arg7[%dma_start3A_81, %dma_start3A_86] : memref<8x16xi32, #tpu.memory_space<vmem>> -> memref<1x16xi32, #tpu.memory_space<vmem>>
    %dma_start3A_88 = tpu.memref_squeeze %dma_start3A_87 : memref<1x16xi32, #tpu.memory_space<vmem>> -> memref<16xi32, #tpu.memory_space<vmem>>
    %dma_start3A_89 = tpu.memref_slice %arg3[%add3A_80] : memref<4096xi32, #tpu.memory_space<hbm>> -> memref<16xi32, #tpu.memory_space<hbm>>
    tpu.enqueue_dma source(%dma_start3A_89 : memref<16xi32, #tpu.memory_space<hbm>>) target(%dma_start3A_88 : memref<16xi32, #tpu.memory_space<vmem>>) target_semaphore(%arg20 : memref<!tpu.dma_semaphore, #tpu.memory_space<semaphore_mem>>)
    %add3A_90 = arith.constant 112 : i32
    %add3A_91 = arith.addi %mul3A_2, %add3A_90 : i32
    %dma_start3A_92 = arith.constant 7 : i32
    %dma_start3A_93 = arith.constant 0 : i32
    %dma_start3A_94 = tpu.memref_slice %arg7[%dma_start3A_92, %dma_start3A_93] : memref<8x16xi32, #tpu.memory_space<vmem>> -> memref<1x16xi32, #tpu.memory_space<vmem>>
    %dma_start3A_95 = tpu.memref_squeeze %dma_start3A_94 : memref<1x16xi32, #tpu.memory_space<vmem>> -> memref<16xi32, #tpu.memory_space<vmem>>
    %dma_start3A_96 = tpu.memref_slice %arg3[%add3A_91] : memref<4096xi32, #tpu.memory_space<hbm>> -> memref<16xi32, #tpu.memory_space<hbm>>
    %dma_start3A_97 = arith.constant 0 : i32
    %dma_start3A_98 = tpu.memref_slice %arg7[%dma_start3A_92, %dma_start3A_97] : memref<8x16xi32, #tpu.memory_space<vmem>> -> memref<1x16xi32, #tpu.memory_space<vmem>>
    %dma_start3A_99 = tpu.memref_squeeze %dma_start3A_98 : memref<1x16xi32, #tpu.memory_space<vmem>> -> memref<16xi32, #tpu.memory_space<vmem>>
    %dma_start3A_100 = tpu.memref_slice %arg3[%add3A_91] : memref<4096xi32, #tpu.memory_space<hbm>> -> memref<16xi32, #tpu.memory_space<hbm>>
    tpu.enqueue_dma source(%dma_start3A_100 : memref<16xi32, #tpu.memory_space<hbm>>) target(%dma_start3A_99 : memref<16xi32, #tpu.memory_space<vmem>>) target_semaphore(%arg20 : memref<!tpu.dma_semaphore, #tpu.memory_space<semaphore_mem>>)
    %dma_start3A_101 = tpu.memref_slice %arg3[%mul3A_2] : memref<4096xi32, #tpu.memory_space<hbm>> -> memref<128xi32, #tpu.memory_space<hbm>>
    %dma_start3A_102 = tpu.memref_slice %arg3[%mul3A_2] : memref<4096xi32, #tpu.memory_space<hbm>> -> memref<128xi32, #tpu.memory_space<hbm>>
    tpu.enqueue_dma source(%dma_start3A_102 : memref<128xi32, #tpu.memory_space<hbm>>) target(%arg8 : memref<128xi32, #tpu.memory_space<vmem>>) target_semaphore(%arg20 : memref<!tpu.dma_semaphore, #tpu.memory_space<semaphore_mem>>)
    %dma_start3A_103 = tpu.memref_slice %arg4[%mul3A_2] : memref<4096xf32, #tpu.memory_space<hbm>> -> memref<128xf32, #tpu.memory_space<hbm>>
    %dma_start3A_104 = tpu.memref_slice %arg4[%mul3A_2] : memref<4096xf32, #tpu.memory_space<hbm>> -> memref<128xf32, #tpu.memory_space<hbm>>
    tpu.enqueue_dma source(%dma_start3A_104 : memref<128xf32, #tpu.memory_space<hbm>>) target(%arg9 : memref<128xf32, #tpu.memory_space<vmem>>) target_semaphore(%arg20 : memref<!tpu.dma_semaphore, #tpu.memory_space<semaphore_mem>>)
    %add3A_105 = arith.constant 0 : i32
    %add3A_106 = arith.addi %mul3A_13, %add3A_105 : i32
    %dma_start3A_107 = arith.constant 0 : i32
    %dma_start3A_108 = arith.constant 0 : i32
    %dma_start3A_109 = tpu.memref_slice %arg10[%dma_start3A_107, %dma_start3A_108] : memref<128x384xi32, #tpu.memory_space<vmem>> -> memref<16x384xi32, #tpu.memory_space<vmem>>
    %dma_start3A_110 = arith.constant 0 : i32
    %dma_start3A_111 = tpu.memref_slice %arg2[%add3A_106, %dma_start3A_110] : memref<2048x384xi32, #tpu.memory_space<hbm>> -> memref<16x384xi32, #tpu.memory_space<hbm>>
    %dma_start3A_112 = arith.constant 0 : i32
    %dma_start3A_113 = arith.constant 0 : i32
    %dma_start3A_114 = tpu.memref_slice %arg10[%dma_start3A_112, %dma_start3A_113] : memref<128x384xi32, #tpu.memory_space<vmem>> -> memref<16x384xi32, #tpu.memory_space<vmem>>
    %dma_start3A_115 = arith.constant 0 : i32
    %dma_start3A_116 = tpu.memref_slice %arg2[%add3A_106, %dma_start3A_115] : memref<2048x384xi32, #tpu.memory_space<hbm>> -> memref<16x384xi32, #tpu.memory_space<hbm>>
    tpu.enqueue_dma source(%dma_start3A_116 : memref<16x384xi32, #tpu.memory_space<hbm>>) target(%dma_start3A_114 : memref<16x384xi32, #tpu.memory_space<vmem>>) target_semaphore(%arg11 : memref<!tpu.dma_semaphore, #tpu.memory_space<semaphore_mem>>)
    %add3A_117 = arith.constant 16 : i32
    %add3A_118 = arith.addi %mul3A_13, %add3A_117 : i32
    %dma_start3A_119 = arith.constant 16 : i32
    %dma_start3A_120 = arith.constant 0 : i32
    %dma_start3A_121 = tpu.memref_slice %arg10[%dma_start3A_119, %dma_start3A_120] : memref<128x384xi32, #tpu.memory_space<vmem>> -> memref<16x384xi32, #tpu.memory_space<vmem>>
    %dma_start3A_122 = arith.constant 0 : i32
    %dma_start3A_123 = tpu.memref_slice %arg2[%add3A_118, %dma_start3A_122] : memref<2048x384xi32, #tpu.memory_space<hbm>> -> memref<16x384xi32, #tpu.memory_space<hbm>>
    %dma_start3A_124 = arith.constant 16 : i32
    %dma_start3A_125 = arith.constant 0 : i32
    %dma_start3A_126 = tpu.memref_slice %arg10[%dma_start3A_124, %dma_start3A_125] : memref<128x384xi32, #tpu.memory_space<vmem>> -> memref<16x384xi32, #tpu.memory_space<vmem>>
    %dma_start3A_127 = arith.constant 0 : i32
    %dma_start3A_128 = tpu.memref_slice %arg2[%add3A_118, %dma_start3A_127] : memref<2048x384xi32, #tpu.memory_space<hbm>> -> memref<16x384xi32, #tpu.memory_space<hbm>>
    tpu.enqueue_dma source(%dma_start3A_128 : memref<16x384xi32, #tpu.memory_space<hbm>>) target(%dma_start3A_126 : memref<16x384xi32, #tpu.memory_space<vmem>>) target_semaphore(%arg12 : memref<!tpu.dma_semaphore, #tpu.memory_space<semaphore_mem>>)
    %add3A_129 = arith.constant 32 : i32
    %add3A_130 = arith.addi %mul3A_13, %add3A_129 : i32
    %dma_start3A_131 = arith.constant 32 : i32
    %dma_start3A_132 = arith.constant 0 : i32
    %dma_start3A_133 = tpu.memref_slice %arg10[%dma_start3A_131, %dma_start3A_132] : memref<128x384xi32, #tpu.memory_space<vmem>> -> memref<16x384xi32, #tpu.memory_space<vmem>>
    %dma_start3A_134 = arith.constant 0 : i32
    %dma_start3A_135 = tpu.memref_slice %arg2[%add3A_130, %dma_start3A_134] : memref<2048x384xi32, #tpu.memory_space<hbm>> -> memref<16x384xi32, #tpu.memory_space<hbm>>
    %dma_start3A_136 = arith.constant 32 : i32
    %dma_start3A_137 = arith.constant 0 : i32
    %dma_start3A_138 = tpu.memref_slice %arg10[%dma_start3A_136, %dma_start3A_137] : memref<128x384xi32, #tpu.memory_space<vmem>> -> memref<16x384xi32, #tpu.memory_space<vmem>>
    %dma_start3A_139 = arith.constant 0 : i32
    %dma_start3A_140 = tpu.memref_slice %arg2[%add3A_130, %dma_start3A_139] : memref<2048x384xi32, #tpu.memory_space<hbm>> -> memref<16x384xi32, #tpu.memory_space<hbm>>
    tpu.enqueue_dma source(%dma_start3A_140 : memref<16x384xi32, #tpu.memory_space<hbm>>) target(%dma_start3A_138 : memref<16x384xi32, #tpu.memory_space<vmem>>) target_semaphore(%arg13 : memref<!tpu.dma_semaphore, #tpu.memory_space<semaphore_mem>>)
    %add3A_141 = arith.constant 48 : i32
    %add3A_142 = arith.addi %mul3A_13, %add3A_141 : i32
    %dma_start3A_143 = arith.constant 48 : i32
    %dma_start3A_144 = arith.constant 0 : i32
    %dma_start3A_145 = tpu.memref_slice %arg10[%dma_start3A_143, %dma_start3A_144] : memref<128x384xi32, #tpu.memory_space<vmem>> -> memref<16x384xi32, #tpu.memory_space<vmem>>
    %dma_start3A_146 = arith.constant 0 : i32
    %dma_start3A_147 = tpu.memref_slice %arg2[%add3A_142, %dma_start3A_146] : memref<2048x384xi32, #tpu.memory_space<hbm>> -> memref<16x384xi32, #tpu.memory_space<hbm>>
    %dma_start3A_148 = arith.constant 48 : i32
    %dma_start3A_149 = arith.constant 0 : i32
    %dma_start3A_150 = tpu.memref_slice %arg10[%dma_start3A_148, %dma_start3A_149] : memref<128x384xi32, #tpu.memory_space<vmem>> -> memref<16x384xi32, #tpu.memory_space<vmem>>
    %dma_start3A_151 = arith.constant 0 : i32
    %dma_start3A_152 = tpu.memref_slice %arg2[%add3A_142, %dma_start3A_151] : memref<2048x384xi32, #tpu.memory_space<hbm>> -> memref<16x384xi32, #tpu.memory_space<hbm>>
    tpu.enqueue_dma source(%dma_start3A_152 : memref<16x384xi32, #tpu.memory_space<hbm>>) target(%dma_start3A_150 : memref<16x384xi32, #tpu.memory_space<vmem>>) target_semaphore(%arg14 : memref<!tpu.dma_semaphore, #tpu.memory_space<semaphore_mem>>)
    %add3A_153 = arith.constant 64 : i32
    %add3A_154 = arith.addi %mul3A_13, %add3A_153 : i32
    %dma_start3A_155 = arith.constant 64 : i32
    %dma_start3A_156 = arith.constant 0 : i32
    %dma_start3A_157 = tpu.memref_slice %arg10[%dma_start3A_155, %dma_start3A_156] : memref<128x384xi32, #tpu.memory_space<vmem>> -> memref<16x384xi32, #tpu.memory_space<vmem>>
    %dma_start3A_158 = arith.constant 0 : i32
    %dma_start3A_159 = tpu.memref_slice %arg2[%add3A_154, %dma_start3A_158] : memref<2048x384xi32, #tpu.memory_space<hbm>> -> memref<16x384xi32, #tpu.memory_space<hbm>>
    %dma_start3A_160 = arith.constant 64 : i32
    %dma_start3A_161 = arith.constant 0 : i32
    %dma_start3A_162 = tpu.memref_slice %arg10[%dma_start3A_160, %dma_start3A_161] : memref<128x384xi32, #tpu.memory_space<vmem>> -> memref<16x384xi32, #tpu.memory_space<vmem>>
    %dma_start3A_163 = arith.constant 0 : i32
    %dma_start3A_164 = tpu.memref_slice %arg2[%add3A_154, %dma_start3A_163] : memref<2048x384xi32, #tpu.memory_space<hbm>> -> memref<16x384xi32, #tpu.memory_space<hbm>>
    tpu.enqueue_dma source(%dma_start3A_164 : memref<16x384xi32, #tpu.memory_space<hbm>>) target(%dma_start3A_162 : memref<16x384xi32, #tpu.memory_space<vmem>>) target_semaphore(%arg15 : memref<!tpu.dma_semaphore, #tpu.memory_space<semaphore_mem>>)
    %add3A_165 = arith.constant 80 : i32
    %add3A_166 = arith.addi %mul3A_13, %add3A_165 : i32
    %dma_start3A_167 = arith.constant 80 : i32
    %dma_start3A_168 = arith.constant 0 : i32
    %dma_start3A_169 = tpu.memref_slice %arg10[%dma_start3A_167, %dma_start3A_168] : memref<128x384xi32, #tpu.memory_space<vmem>> -> memref<16x384xi32, #tpu.memory_space<vmem>>
    %dma_start3A_170 = arith.constant 0 : i32
    %dma_start3A_171 = tpu.memref_slice %arg2[%add3A_166, %dma_start3A_170] : memref<2048x384xi32, #tpu.memory_space<hbm>> -> memref<16x384xi32, #tpu.memory_space<hbm>>
    %dma_start3A_172 = arith.constant 80 : i32
    %dma_start3A_173 = arith.constant 0 : i32
    %dma_start3A_174 = tpu.memref_slice %arg10[%dma_start3A_172, %dma_start3A_173] : memref<128x384xi32, #tpu.memory_space<vmem>> -> memref<16x384xi32, #tpu.memory_space<vmem>>
    %dma_start3A_175 = arith.constant 0 : i32
    %dma_start3A_176 = tpu.memref_slice %arg2[%add3A_166, %dma_start3A_175] : memref<2048x384xi32, #tpu.memory_space<hbm>> -> memref<16x384xi32, #tpu.memory_space<hbm>>
    tpu.enqueue_dma source(%dma_start3A_176 : memref<16x384xi32, #tpu.memory_space<hbm>>) target(%dma_start3A_174 : memref<16x384xi32, #tpu.memory_space<vmem>>) target_semaphore(%arg16 : memref<!tpu.dma_semaphore, #tpu.memory_space<semaphore_mem>>)
    %add3A_177 = arith.constant 96 : i32
    %add3A_178 = arith.addi %mul3A_13, %add3A_177 : i32
    %dma_start3A_179 = arith.constant 96 : i32
    %dma_start3A_180 = arith.constant 0 : i32
    %dma_start3A_181 = tpu.memref_slice %arg10[%dma_start3A_179, %dma_start3A_180] : memref<128x384xi32, #tpu.memory_space<vmem>> -> memref<16x384xi32, #tpu.memory_space<vmem>>
    %dma_start3A_182 = arith.constant 0 : i32
    %dma_start3A_183 = tpu.memref_slice %arg2[%add3A_178, %dma_start3A_182] : memref<2048x384xi32, #tpu.memory_space<hbm>> -> memref<16x384xi32, #tpu.memory_space<hbm>>
    %dma_start3A_184 = arith.constant 96 : i32
    %dma_start3A_185 = arith.constant 0 : i32
    %dma_start3A_186 = tpu.memref_slice %arg10[%dma_start3A_184, %dma_start3A_185] : memref<128x384xi32, #tpu.memory_space<vmem>> -> memref<16x384xi32, #tpu.memory_space<vmem>>
    %dma_start3A_187 = arith.constant 0 : i32
    %dma_start3A_188 = tpu.memref_slice %arg2[%add3A_178, %dma_start3A_187] : memref<2048x384xi32, #tpu.memory_space<hbm>> -> memref<16x384xi32, #tpu.memory_space<hbm>>
    tpu.enqueue_dma source(%dma_start3A_188 : memref<16x384xi32, #tpu.memory_space<hbm>>) target(%dma_start3A_186 : memref<16x384xi32, #tpu.memory_space<vmem>>) target_semaphore(%arg17 : memref<!tpu.dma_semaphore, #tpu.memory_space<semaphore_mem>>)
    %add3A_189 = arith.constant 112 : i32
    %add3A_190 = arith.addi %mul3A_13, %add3A_189 : i32
    %dma_start3A_191 = arith.constant 112 : i32
    %dma_start3A_192 = arith.constant 0 : i32
    %dma_start3A_193 = tpu.memref_slice %arg10[%dma_start3A_191, %dma_start3A_192] : memref<128x384xi32, #tpu.memory_space<vmem>> -> memref<16x384xi32, #tpu.memory_space<vmem>>
    %dma_start3A_194 = arith.constant 0 : i32
    %dma_start3A_195 = tpu.memref_slice %arg2[%add3A_190, %dma_start3A_194] : memref<2048x384xi32, #tpu.memory_space<hbm>> -> memref<16x384xi32, #tpu.memory_space<hbm>>
    %dma_start3A_196 = arith.constant 112 : i32
    %dma_start3A_197 = arith.constant 0 : i32
    %dma_start3A_198 = tpu.memref_slice %arg10[%dma_start3A_196, %dma_start3A_197] : memref<128x384xi32, #tpu.memory_space<vmem>> -> memref<16x384xi32, #tpu.memory_space<vmem>>
    %dma_start3A_199 = arith.constant 0 : i32
    %dma_start3A_200 = tpu.memref_slice %arg2[%add3A_190, %dma_start3A_199] : memref<2048x384xi32, #tpu.memory_space<hbm>> -> memref<16x384xi32, #tpu.memory_space<hbm>>
    tpu.enqueue_dma source(%dma_start3A_200 : memref<16x384xi32, #tpu.memory_space<hbm>>) target(%dma_start3A_198 : memref<16x384xi32, #tpu.memory_space<vmem>>) target_semaphore(%arg18 : memref<!tpu.dma_semaphore, #tpu.memory_space<semaphore_mem>>)
    %dma_wait3A = arith.constant 0 : i32
    %dma_wait3A_201 = arith.constant 0 : i32
    %dma_wait3A_202 = tpu.memref_slice %arg7[%dma_wait3A, %dma_wait3A_201] : memref<8x16xi32, #tpu.memory_space<vmem>> -> memref<1x16xi32, #tpu.memory_space<vmem>>
    %dma_wait3A_203 = tpu.memref_squeeze %dma_wait3A_202 : memref<1x16xi32, #tpu.memory_space<vmem>> -> memref<16xi32, #tpu.memory_space<vmem>>
    %dma_wait3A_204 = tpu.memref_slice %arg3[%add3A_15] : memref<4096xi32, #tpu.memory_space<hbm>> -> memref<16xi32, #tpu.memory_space<hbm>>
    %dma_wait3A_205 = arith.constant 0 : i32
    %dma_wait3A_206 = tpu.memref_slice %arg7[%dma_wait3A, %dma_wait3A_205] : memref<8x16xi32, #tpu.memory_space<vmem>> -> memref<1x16xi32, #tpu.memory_space<vmem>>
    %dma_wait3A_207 = tpu.memref_squeeze %dma_wait3A_206 : memref<1x16xi32, #tpu.memory_space<vmem>> -> memref<16xi32, #tpu.memory_space<vmem>>
    %dma_wait3A_208 = tpu.memref_slice %arg3[%add3A_15] : memref<4096xi32, #tpu.memory_space<hbm>> -> memref<16xi32, #tpu.memory_space<hbm>>
    tpu.wait_dma2 semaphore(%arg20 : memref<!tpu.dma_semaphore, #tpu.memory_space<semaphore_mem>>) src(%dma_wait3A_208 : memref<16xi32, #tpu.memory_space<hbm>>) dst(%dma_wait3A_207 : memref<16xi32, #tpu.memory_space<vmem>>)
    %dma_wait3A_209 = arith.constant 1 : i32
    %dma_wait3A_210 = arith.constant 0 : i32
    %dma_wait3A_211 = tpu.memref_slice %arg7[%dma_wait3A_209, %dma_wait3A_210] : memref<8x16xi32, #tpu.memory_space<vmem>> -> memref<1x16xi32, #tpu.memory_space<vmem>>
    %dma_wait3A_212 = tpu.memref_squeeze %dma_wait3A_211 : memref<1x16xi32, #tpu.memory_space<vmem>> -> memref<16xi32, #tpu.memory_space<vmem>>
    %dma_wait3A_213 = tpu.memref_slice %arg3[%add3A_25] : memref<4096xi32, #tpu.memory_space<hbm>> -> memref<16xi32, #tpu.memory_space<hbm>>
    %dma_wait3A_214 = arith.constant 0 : i32
    %dma_wait3A_215 = tpu.memref_slice %arg7[%dma_wait3A_209, %dma_wait3A_214] : memref<8x16xi32, #tpu.memory_space<vmem>> -> memref<1x16xi32, #tpu.memory_space<vmem>>
    %dma_wait3A_216 = tpu.memref_squeeze %dma_wait3A_215 : memref<1x16xi32, #tpu.memory_space<vmem>> -> memref<16xi32, #tpu.memory_space<vmem>>
    %dma_wait3A_217 = tpu.memref_slice %arg3[%add3A_25] : memref<4096xi32, #tpu.memory_space<hbm>> -> memref<16xi32, #tpu.memory_space<hbm>>
    tpu.wait_dma2 semaphore(%arg20 : memref<!tpu.dma_semaphore, #tpu.memory_space<semaphore_mem>>) src(%dma_wait3A_217 : memref<16xi32, #tpu.memory_space<hbm>>) dst(%dma_wait3A_216 : memref<16xi32, #tpu.memory_space<vmem>>)
    %dma_wait3A_218 = arith.constant 2 : i32
    %dma_wait3A_219 = arith.constant 0 : i32
    %dma_wait3A_220 = tpu.memref_slice %arg7[%dma_wait3A_218, %dma_wait3A_219] : memref<8x16xi32, #tpu.memory_space<vmem>> -> memref<1x16xi32, #tpu.memory_space<vmem>>
    %dma_wait3A_221 = tpu.memref_squeeze %dma_wait3A_220 : memref<1x16xi32, #tpu.memory_space<vmem>> -> memref<16xi32, #tpu.memory_space<vmem>>
    %dma_wait3A_222 = tpu.memref_slice %arg3[%add3A_36] : memref<4096xi32, #tpu.memory_space<hbm>> -> memref<16xi32, #tpu.memory_space<hbm>>
    %dma_wait3A_223 = arith.constant 0 : i32
    %dma_wait3A_224 = tpu.memref_slice %arg7[%dma_wait3A_218, %dma_wait3A_223] : memref<8x16xi32, #tpu.memory_space<vmem>> -> memref<1x16xi32, #tpu.memory_space<vmem>>
    %dma_wait3A_225 = tpu.memref_squeeze %dma_wait3A_224 : memref<1x16xi32, #tpu.memory_space<vmem>> -> memref<16xi32, #tpu.memory_space<vmem>>
    %dma_wait3A_226 = tpu.memref_slice %arg3[%add3A_36] : memref<4096xi32, #tpu.memory_space<hbm>> -> memref<16xi32, #tpu.memory_space<hbm>>
    tpu.wait_dma2 semaphore(%arg20 : memref<!tpu.dma_semaphore, #tpu.memory_space<semaphore_mem>>) src(%dma_wait3A_226 : memref<16xi32, #tpu.memory_space<hbm>>) dst(%dma_wait3A_225 : memref<16xi32, #tpu.memory_space<vmem>>)
    %dma_wait3A_227 = arith.constant 3 : i32
    %dma_wait3A_228 = arith.constant 0 : i32
    %dma_wait3A_229 = tpu.memref_slice %arg7[%dma_wait3A_227, %dma_wait3A_228] : memref<8x16xi32, #tpu.memory_space<vmem>> -> memref<1x16xi32, #tpu.memory_space<vmem>>
    %dma_wait3A_230 = tpu.memref_squeeze %dma_wait3A_229 : memref<1x16xi32, #tpu.memory_space<vmem>> -> memref<16xi32, #tpu.memory_space<vmem>>
    %dma_wait3A_231 = tpu.memref_slice %arg3[%add3A_47] : memref<4096xi32, #tpu.memory_space<hbm>> -> memref<16xi32, #tpu.memory_space<hbm>>
    %dma_wait3A_232 = arith.constant 0 : i32
    %dma_wait3A_233 = tpu.memref_slice %arg7[%dma_wait3A_227, %dma_wait3A_232] : memref<8x16xi32, #tpu.memory_space<vmem>> -> memref<1x16xi32, #tpu.memory_space<vmem>>
    %dma_wait3A_234 = tpu.memref_squeeze %dma_wait3A_233 : memref<1x16xi32, #tpu.memory_space<vmem>> -> memref<16xi32, #tpu.memory_space<vmem>>
    %dma_wait3A_235 = tpu.memref_slice %arg3[%add3A_47] : memref<4096xi32, #tpu.memory_space<hbm>> -> memref<16xi32, #tpu.memory_space<hbm>>
    tpu.wait_dma2 semaphore(%arg20 : memref<!tpu.dma_semaphore, #tpu.memory_space<semaphore_mem>>) src(%dma_wait3A_235 : memref<16xi32, #tpu.memory_space<hbm>>) dst(%dma_wait3A_234 : memref<16xi32, #tpu.memory_space<vmem>>)
    %dma_wait3A_236 = arith.constant 4 : i32
    %dma_wait3A_237 = arith.constant 0 : i32
    %dma_wait3A_238 = tpu.memref_slice %arg7[%dma_wait3A_236, %dma_wait3A_237] : memref<8x16xi32, #tpu.memory_space<vmem>> -> memref<1x16xi32, #tpu.memory_space<vmem>>
    %dma_wait3A_239 = tpu.memref_squeeze %dma_wait3A_238 : memref<1x16xi32, #tpu.memory_space<vmem>> -> memref<16xi32, #tpu.memory_space<vmem>>
    %dma_wait3A_240 = tpu.memref_slice %arg3[%add3A_58] : memref<4096xi32, #tpu.memory_space<hbm>> -> memref<16xi32, #tpu.memory_space<hbm>>
    %dma_wait3A_241 = arith.constant 0 : i32
    %dma_wait3A_242 = tpu.memref_slice %arg7[%dma_wait3A_236, %dma_wait3A_241] : memref<8x16xi32, #tpu.memory_space<vmem>> -> memref<1x16xi32, #tpu.memory_space<vmem>>
    %dma_wait3A_243 = tpu.memref_squeeze %dma_wait3A_242 : memref<1x16xi32, #tpu.memory_space<vmem>> -> memref<16xi32, #tpu.memory_space<vmem>>
    %dma_wait3A_244 = tpu.memref_slice %arg3[%add3A_58] : memref<4096xi32, #tpu.memory_space<hbm>> -> memref<16xi32, #tpu.memory_space<hbm>>
    tpu.wait_dma2 semaphore(%arg20 : memref<!tpu.dma_semaphore, #tpu.memory_space<semaphore_mem>>) src(%dma_wait3A_244 : memref<16xi32, #tpu.memory_space<hbm>>) dst(%dma_wait3A_243 : memref<16xi32, #tpu.memory_space<vmem>>)
    %dma_wait3A_245 = arith.constant 5 : i32
    %dma_wait3A_246 = arith.constant 0 : i32
    %dma_wait3A_247 = tpu.memref_slice %arg7[%dma_wait3A_245, %dma_wait3A_246] : memref<8x16xi32, #tpu.memory_space<vmem>> -> memref<1x16xi32, #tpu.memory_space<vmem>>
    %dma_wait3A_248 = tpu.memref_squeeze %dma_wait3A_247 : memref<1x16xi32, #tpu.memory_space<vmem>> -> memref<16xi32, #tpu.memory_space<vmem>>
    %dma_wait3A_249 = tpu.memref_slice %arg3[%add3A_69] : memref<4096xi32, #tpu.memory_space<hbm>> -> memref<16xi32, #tpu.memory_space<hbm>>
    %dma_wait3A_250 = arith.constant 0 : i32
    %dma_wait3A_251 = tpu.memref_slice %arg7[%dma_wait3A_245, %dma_wait3A_250] : memref<8x16xi32, #tpu.memory_space<vmem>> -> memref<1x16xi32, #tpu.memory_space<vmem>>
    %dma_wait3A_252 = tpu.memref_squeeze %dma_wait3A_251 : memref<1x16xi32, #tpu.memory_space<vmem>> -> memref<16xi32, #tpu.memory_space<vmem>>
    %dma_wait3A_253 = tpu.memref_slice %arg3[%add3A_69] : memref<4096xi32, #tpu.memory_space<hbm>> -> memref<16xi32, #tpu.memory_space<hbm>>
    tpu.wait_dma2 semaphore(%arg20 : memref<!tpu.dma_semaphore, #tpu.memory_space<semaphore_mem>>) src(%dma_wait3A_253 : memref<16xi32, #tpu.memory_space<hbm>>) dst(%dma_wait3A_252 : memref<16xi32, #tpu.memory_space<vmem>>)
    %dma_wait3A_254 = arith.constant 6 : i32
    %dma_wait3A_255 = arith.constant 0 : i32
    %dma_wait3A_256 = tpu.memref_slice %arg7[%dma_wait3A_254, %dma_wait3A_255] : memref<8x16xi32, #tpu.memory_space<vmem>> -> memref<1x16xi32, #tpu.memory_space<vmem>>
    %dma_wait3A_257 = tpu.memref_squeeze %dma_wait3A_256 : memref<1x16xi32, #tpu.memory_space<vmem>> -> memref<16xi32, #tpu.memory_space<vmem>>
    %dma_wait3A_258 = tpu.memref_slice %arg3[%add3A_80] : memref<4096xi32, #tpu.memory_space<hbm>> -> memref<16xi32, #tpu.memory_space<hbm>>
    %dma_wait3A_259 = arith.constant 0 : i32
    %dma_wait3A_260 = tpu.memref_slice %arg7[%dma_wait3A_254, %dma_wait3A_259] : memref<8x16xi32, #tpu.memory_space<vmem>> -> memref<1x16xi32, #tpu.memory_space<vmem>>
    %dma_wait3A_261 = tpu.memref_squeeze %dma_wait3A_260 : memref<1x16xi32, #tpu.memory_space<vmem>> -> memref<16xi32, #tpu.memory_space<vmem>>
    %dma_wait3A_262 = tpu.memref_slice %arg3[%add3A_80] : memref<4096xi32, #tpu.memory_space<hbm>> -> memref<16xi32, #tpu.memory_space<hbm>>
    tpu.wait_dma2 semaphore(%arg20 : memref<!tpu.dma_semaphore, #tpu.memory_space<semaphore_mem>>) src(%dma_wait3A_262 : memref<16xi32, #tpu.memory_space<hbm>>) dst(%dma_wait3A_261 : memref<16xi32, #tpu.memory_space<vmem>>)
    %dma_wait3A_263 = arith.constant 7 : i32
    %dma_wait3A_264 = arith.constant 0 : i32
    %dma_wait3A_265 = tpu.memref_slice %arg7[%dma_wait3A_263, %dma_wait3A_264] : memref<8x16xi32, #tpu.memory_space<vmem>> -> memref<1x16xi32, #tpu.memory_space<vmem>>
    %dma_wait3A_266 = tpu.memref_squeeze %dma_wait3A_265 : memref<1x16xi32, #tpu.memory_space<vmem>> -> memref<16xi32, #tpu.memory_space<vmem>>
    %dma_wait3A_267 = tpu.memref_slice %arg3[%add3A_91] : memref<4096xi32, #tpu.memory_space<hbm>> -> memref<16xi32, #tpu.memory_space<hbm>>
    %dma_wait3A_268 = arith.constant 0 : i32
    %dma_wait3A_269 = tpu.memref_slice %arg7[%dma_wait3A_263, %dma_wait3A_268] : memref<8x16xi32, #tpu.memory_space<vmem>> -> memref<1x16xi32, #tpu.memory_space<vmem>>
    %dma_wait3A_270 = tpu.memref_squeeze %dma_wait3A_269 : memref<1x16xi32, #tpu.memory_space<vmem>> -> memref<16xi32, #tpu.memory_space<vmem>>
    %dma_wait3A_271 = tpu.memref_slice %arg3[%add3A_91] : memref<4096xi32, #tpu.memory_space<hbm>> -> memref<16xi32, #tpu.memory_space<hbm>>
    tpu.wait_dma2 semaphore(%arg20 : memref<!tpu.dma_semaphore, #tpu.memory_space<semaphore_mem>>) src(%dma_wait3A_271 : memref<16xi32, #tpu.memory_space<hbm>>) dst(%dma_wait3A_270 : memref<16xi32, #tpu.memory_space<vmem>>)
    %dma_wait3A_272 = tpu.memref_slice %arg3[%mul3A_2] : memref<4096xi32, #tpu.memory_space<hbm>> -> memref<128xi32, #tpu.memory_space<hbm>>
    %dma_wait3A_273 = tpu.memref_slice %arg3[%mul3A_2] : memref<4096xi32, #tpu.memory_space<hbm>> -> memref<128xi32, #tpu.memory_space<hbm>>
    tpu.wait_dma2 semaphore(%arg20 : memref<!tpu.dma_semaphore, #tpu.memory_space<semaphore_mem>>) src(%dma_wait3A_273 : memref<128xi32, #tpu.memory_space<hbm>>) dst(%arg8 : memref<128xi32, #tpu.memory_space<vmem>>)
    %dma_wait3A_274 = tpu.memref_slice %arg4[%mul3A_2] : memref<4096xf32, #tpu.memory_space<hbm>> -> memref<128xf32, #tpu.memory_space<hbm>>
    %dma_wait3A_275 = tpu.memref_slice %arg4[%mul3A_2] : memref<4096xf32, #tpu.memory_space<hbm>> -> memref<128xf32, #tpu.memory_space<hbm>>
    tpu.wait_dma2 semaphore(%arg20 : memref<!tpu.dma_semaphore, #tpu.memory_space<semaphore_mem>>) src(%dma_wait3A_275 : memref<128xf32, #tpu.memory_space<hbm>>) dst(%arg9 : memref<128xf32, #tpu.memory_space<vmem>>)
    %dma_start3A_276 = arith.constant 0 : i32
    %dma_start3A_277 = tpu.memref_slice %arg6[%dma_start3A_276] : memref<5120xf32, #tpu.memory_space<hbm>> -> memref<5120xf32, #tpu.memory_space<hbm>>
    tpu.enqueue_indirect_dma source(%arg9 : memref<128xf32, #tpu.memory_space<vmem>>) target(%dma_start3A_277 : memref<5120xf32, #tpu.memory_space<hbm>>) offsets(%arg8 : memref<128xi32, #tpu.memory_space<vmem>>) semaphore(%arg19 : memref<!tpu.dma_semaphore, #tpu.memory_space<semaphore_mem>>)
    %dma_wait3A_278 = arith.constant 0 : i32
    %dma_wait3A_279 = arith.constant 0 : i32
    %dma_wait3A_280 = tpu.memref_slice %arg10[%dma_wait3A_278, %dma_wait3A_279] : memref<128x384xi32, #tpu.memory_space<vmem>> -> memref<16x384xi32, #tpu.memory_space<vmem>>
    %dma_wait3A_281 = arith.constant 0 : i32
    %dma_wait3A_282 = tpu.memref_slice %arg2[%add3A_106, %dma_wait3A_281] : memref<2048x384xi32, #tpu.memory_space<hbm>> -> memref<16x384xi32, #tpu.memory_space<hbm>>
    %dma_wait3A_283 = arith.constant 0 : i32
    %dma_wait3A_284 = arith.constant 0 : i32
    %dma_wait3A_285 = tpu.memref_slice %arg10[%dma_wait3A_283, %dma_wait3A_284] : memref<128x384xi32, #tpu.memory_space<vmem>> -> memref<16x384xi32, #tpu.memory_space<vmem>>
    %dma_wait3A_286 = arith.constant 0 : i32
    %dma_wait3A_287 = tpu.memref_slice %arg2[%add3A_106, %dma_wait3A_286] : memref<2048x384xi32, #tpu.memory_space<hbm>> -> memref<16x384xi32, #tpu.memory_space<hbm>>
    tpu.wait_dma2 semaphore(%arg11 : memref<!tpu.dma_semaphore, #tpu.memory_space<semaphore_mem>>) src(%dma_wait3A_287 : memref<16x384xi32, #tpu.memory_space<hbm>>) dst(%dma_wait3A_285 : memref<16x384xi32, #tpu.memory_space<vmem>>)
    %dma_start3A_288 = arith.constant 0 : i32
    %dma_start3A_289 = arith.constant 0 : i32
    %dma_start3A_290 = arith.constant 0 : i32
    %dma_start3A_291 = tpu.memref_slice %arg10[%dma_start3A_289, %dma_start3A_290] : memref<128x384xi32, #tpu.memory_space<vmem>> -> memref<16x384xi32, #tpu.memory_space<vmem>>
    %dma_start3A_292 = arith.constant 0 : i32
    %dma_start3A_293 = tpu.memref_slice %arg7[%dma_start3A_288, %dma_start3A_292] : memref<8x16xi32, #tpu.memory_space<vmem>> -> memref<1x16xi32, #tpu.memory_space<vmem>>
    %dma_start3A_294 = tpu.memref_squeeze %dma_start3A_293 : memref<1x16xi32, #tpu.memory_space<vmem>> -> memref<16xi32, #tpu.memory_space<vmem>>
    %dma_start3A_295 = arith.constant 0 : i32
    %dma_start3A_296 = arith.constant 0 : i32
    %dma_start3A_297 = tpu.memref_slice %arg5[%dma_start3A_295, %dma_start3A_296] : memref<5120x384xi32, #tpu.memory_space<hbm>> -> memref<5120x384xi32, #tpu.memory_space<hbm>>
    tpu.enqueue_indirect_dma source(%dma_start3A_291 : memref<16x384xi32, #tpu.memory_space<vmem>>) target(%dma_start3A_297 : memref<5120x384xi32, #tpu.memory_space<hbm>>) offsets(%dma_start3A_294 : memref<16xi32, #tpu.memory_space<vmem>>) semaphore(%arg19 : memref<!tpu.dma_semaphore, #tpu.memory_space<semaphore_mem>>)
    %dma_wait3A_298 = arith.constant 16 : i32
    %dma_wait3A_299 = arith.constant 0 : i32
    %dma_wait3A_300 = tpu.memref_slice %arg10[%dma_wait3A_298, %dma_wait3A_299] : memref<128x384xi32, #tpu.memory_space<vmem>> -> memref<16x384xi32, #tpu.memory_space<vmem>>
    %dma_wait3A_301 = arith.constant 0 : i32
    %dma_wait3A_302 = tpu.memref_slice %arg2[%add3A_118, %dma_wait3A_301] : memref<2048x384xi32, #tpu.memory_space<hbm>> -> memref<16x384xi32, #tpu.memory_space<hbm>>
    %dma_wait3A_303 = arith.constant 16 : i32
    %dma_wait3A_304 = arith.constant 0 : i32
    %dma_wait3A_305 = tpu.memref_slice %arg10[%dma_wait3A_303, %dma_wait3A_304] : memref<128x384xi32, #tpu.memory_space<vmem>> -> memref<16x384xi32, #tpu.memory_space<vmem>>
    %dma_wait3A_306 = arith.constant 0 : i32
    %dma_wait3A_307 = tpu.memref_slice %arg2[%add3A_118, %dma_wait3A_306] : memref<2048x384xi32, #tpu.memory_space<hbm>> -> memref<16x384xi32, #tpu.memory_space<hbm>>
    tpu.wait_dma2 semaphore(%arg12 : memref<!tpu.dma_semaphore, #tpu.memory_space<semaphore_mem>>) src(%dma_wait3A_307 : memref<16x384xi32, #tpu.memory_space<hbm>>) dst(%dma_wait3A_305 : memref<16x384xi32, #tpu.memory_space<vmem>>)
    %dma_start3A_308 = arith.constant 1 : i32
    %dma_start3A_309 = arith.constant 16 : i32
    %dma_start3A_310 = arith.constant 0 : i32
    %dma_start3A_311 = tpu.memref_slice %arg10[%dma_start3A_309, %dma_start3A_310] : memref<128x384xi32, #tpu.memory_space<vmem>> -> memref<16x384xi32, #tpu.memory_space<vmem>>
    %dma_start3A_312 = arith.constant 0 : i32
    %dma_start3A_313 = tpu.memref_slice %arg7[%dma_start3A_308, %dma_start3A_312] : memref<8x16xi32, #tpu.memory_space<vmem>> -> memref<1x16xi32, #tpu.memory_space<vmem>>
    %dma_start3A_314 = tpu.memref_squeeze %dma_start3A_313 : memref<1x16xi32, #tpu.memory_space<vmem>> -> memref<16xi32, #tpu.memory_space<vmem>>
    %dma_start3A_315 = arith.constant 0 : i32
    %dma_start3A_316 = arith.constant 0 : i32
    %dma_start3A_317 = tpu.memref_slice %arg5[%dma_start3A_315, %dma_start3A_316] : memref<5120x384xi32, #tpu.memory_space<hbm>> -> memref<5120x384xi32, #tpu.memory_space<hbm>>
    tpu.enqueue_indirect_dma source(%dma_start3A_311 : memref<16x384xi32, #tpu.memory_space<vmem>>) target(%dma_start3A_317 : memref<5120x384xi32, #tpu.memory_space<hbm>>) offsets(%dma_start3A_314 : memref<16xi32, #tpu.memory_space<vmem>>) semaphore(%arg19 : memref<!tpu.dma_semaphore, #tpu.memory_space<semaphore_mem>>)
    %dma_wait3A_318 = arith.constant 32 : i32
    %dma_wait3A_319 = arith.constant 0 : i32
    %dma_wait3A_320 = tpu.memref_slice %arg10[%dma_wait3A_318, %dma_wait3A_319] : memref<128x384xi32, #tpu.memory_space<vmem>> -> memref<16x384xi32, #tpu.memory_space<vmem>>
    %dma_wait3A_321 = arith.constant 0 : i32
    %dma_wait3A_322 = tpu.memref_slice %arg2[%add3A_130, %dma_wait3A_321] : memref<2048x384xi32, #tpu.memory_space<hbm>> -> memref<16x384xi32, #tpu.memory_space<hbm>>
    %dma_wait3A_323 = arith.constant 32 : i32
    %dma_wait3A_324 = arith.constant 0 : i32
    %dma_wait3A_325 = tpu.memref_slice %arg10[%dma_wait3A_323, %dma_wait3A_324] : memref<128x384xi32, #tpu.memory_space<vmem>> -> memref<16x384xi32, #tpu.memory_space<vmem>>
    %dma_wait3A_326 = arith.constant 0 : i32
    %dma_wait3A_327 = tpu.memref_slice %arg2[%add3A_130, %dma_wait3A_326] : memref<2048x384xi32, #tpu.memory_space<hbm>> -> memref<16x384xi32, #tpu.memory_space<hbm>>
    tpu.wait_dma2 semaphore(%arg13 : memref<!tpu.dma_semaphore, #tpu.memory_space<semaphore_mem>>) src(%dma_wait3A_327 : memref<16x384xi32, #tpu.memory_space<hbm>>) dst(%dma_wait3A_325 : memref<16x384xi32, #tpu.memory_space<vmem>>)
    %dma_start3A_328 = arith.constant 2 : i32
    %dma_start3A_329 = arith.constant 32 : i32
    %dma_start3A_330 = arith.constant 0 : i32
    %dma_start3A_331 = tpu.memref_slice %arg10[%dma_start3A_329, %dma_start3A_330] : memref<128x384xi32, #tpu.memory_space<vmem>> -> memref<16x384xi32, #tpu.memory_space<vmem>>
    %dma_start3A_332 = arith.constant 0 : i32
    %dma_start3A_333 = tpu.memref_slice %arg7[%dma_start3A_328, %dma_start3A_332] : memref<8x16xi32, #tpu.memory_space<vmem>> -> memref<1x16xi32, #tpu.memory_space<vmem>>
    %dma_start3A_334 = tpu.memref_squeeze %dma_start3A_333 : memref<1x16xi32, #tpu.memory_space<vmem>> -> memref<16xi32, #tpu.memory_space<vmem>>
    %dma_start3A_335 = arith.constant 0 : i32
    %dma_start3A_336 = arith.constant 0 : i32
    %dma_start3A_337 = tpu.memref_slice %arg5[%dma_start3A_335, %dma_start3A_336] : memref<5120x384xi32, #tpu.memory_space<hbm>> -> memref<5120x384xi32, #tpu.memory_space<hbm>>
    tpu.enqueue_indirect_dma source(%dma_start3A_331 : memref<16x384xi32, #tpu.memory_space<vmem>>) target(%dma_start3A_337 : memref<5120x384xi32, #tpu.memory_space<hbm>>) offsets(%dma_start3A_334 : memref<16xi32, #tpu.memory_space<vmem>>) semaphore(%arg19 : memref<!tpu.dma_semaphore, #tpu.memory_space<semaphore_mem>>)
    %dma_wait3A_338 = arith.constant 48 : i32
    %dma_wait3A_339 = arith.constant 0 : i32
    %dma_wait3A_340 = tpu.memref_slice %arg10[%dma_wait3A_338, %dma_wait3A_339] : memref<128x384xi32, #tpu.memory_space<vmem>> -> memref<16x384xi32, #tpu.memory_space<vmem>>
    %dma_wait3A_341 = arith.constant 0 : i32
    %dma_wait3A_342 = tpu.memref_slice %arg2[%add3A_142, %dma_wait3A_341] : memref<2048x384xi32, #tpu.memory_space<hbm>> -> memref<16x384xi32, #tpu.memory_space<hbm>>
    %dma_wait3A_343 = arith.constant 48 : i32
    %dma_wait3A_344 = arith.constant 0 : i32
    %dma_wait3A_345 = tpu.memref_slice %arg10[%dma_wait3A_343, %dma_wait3A_344] : memref<128x384xi32, #tpu.memory_space<vmem>> -> memref<16x384xi32, #tpu.memory_space<vmem>>
    %dma_wait3A_346 = arith.constant 0 : i32
    %dma_wait3A_347 = tpu.memref_slice %arg2[%add3A_142, %dma_wait3A_346] : memref<2048x384xi32, #tpu.memory_space<hbm>> -> memref<16x384xi32, #tpu.memory_space<hbm>>
    tpu.wait_dma2 semaphore(%arg14 : memref<!tpu.dma_semaphore, #tpu.memory_space<semaphore_mem>>) src(%dma_wait3A_347 : memref<16x384xi32, #tpu.memory_space<hbm>>) dst(%dma_wait3A_345 : memref<16x384xi32, #tpu.memory_space<vmem>>)
    %dma_start3A_348 = arith.constant 3 : i32
    %dma_start3A_349 = arith.constant 48 : i32
    %dma_start3A_350 = arith.constant 0 : i32
    %dma_start3A_351 = tpu.memref_slice %arg10[%dma_start3A_349, %dma_start3A_350] : memref<128x384xi32, #tpu.memory_space<vmem>> -> memref<16x384xi32, #tpu.memory_space<vmem>>
    %dma_start3A_352 = arith.constant 0 : i32
    %dma_start3A_353 = tpu.memref_slice %arg7[%dma_start3A_348, %dma_start3A_352] : memref<8x16xi32, #tpu.memory_space<vmem>> -> memref<1x16xi32, #tpu.memory_space<vmem>>
    %dma_start3A_354 = tpu.memref_squeeze %dma_start3A_353 : memref<1x16xi32, #tpu.memory_space<vmem>> -> memref<16xi32, #tpu.memory_space<vmem>>
    %dma_start3A_355 = arith.constant 0 : i32
    %dma_start3A_356 = arith.constant 0 : i32
    %dma_start3A_357 = tpu.memref_slice %arg5[%dma_start3A_355, %dma_start3A_356] : memref<5120x384xi32, #tpu.memory_space<hbm>> -> memref<5120x384xi32, #tpu.memory_space<hbm>>
    tpu.enqueue_indirect_dma source(%dma_start3A_351 : memref<16x384xi32, #tpu.memory_space<vmem>>) target(%dma_start3A_357 : memref<5120x384xi32, #tpu.memory_space<hbm>>) offsets(%dma_start3A_354 : memref<16xi32, #tpu.memory_space<vmem>>) semaphore(%arg19 : memref<!tpu.dma_semaphore, #tpu.memory_space<semaphore_mem>>)
    %dma_wait3A_358 = arith.constant 64 : i32
    %dma_wait3A_359 = arith.constant 0 : i32
    %dma_wait3A_360 = tpu.memref_slice %arg10[%dma_wait3A_358, %dma_wait3A_359] : memref<128x384xi32, #tpu.memory_space<vmem>> -> memref<16x384xi32, #tpu.memory_space<vmem>>
    %dma_wait3A_361 = arith.constant 0 : i32
    %dma_wait3A_362 = tpu.memref_slice %arg2[%add3A_154, %dma_wait3A_361] : memref<2048x384xi32, #tpu.memory_space<hbm>> -> memref<16x384xi32, #tpu.memory_space<hbm>>
    %dma_wait3A_363 = arith.constant 64 : i32
    %dma_wait3A_364 = arith.constant 0 : i32
    %dma_wait3A_365 = tpu.memref_slice %arg10[%dma_wait3A_363, %dma_wait3A_364] : memref<128x384xi32, #tpu.memory_space<vmem>> -> memref<16x384xi32, #tpu.memory_space<vmem>>
    %dma_wait3A_366 = arith.constant 0 : i32
    %dma_wait3A_367 = tpu.memref_slice %arg2[%add3A_154, %dma_wait3A_366] : memref<2048x384xi32, #tpu.memory_space<hbm>> -> memref<16x384xi32, #tpu.memory_space<hbm>>
    tpu.wait_dma2 semaphore(%arg15 : memref<!tpu.dma_semaphore, #tpu.memory_space<semaphore_mem>>) src(%dma_wait3A_367 : memref<16x384xi32, #tpu.memory_space<hbm>>) dst(%dma_wait3A_365 : memref<16x384xi32, #tpu.memory_space<vmem>>)
    %dma_start3A_368 = arith.constant 4 : i32
    %dma_start3A_369 = arith.constant 64 : i32
    %dma_start3A_370 = arith.constant 0 : i32
    %dma_start3A_371 = tpu.memref_slice %arg10[%dma_start3A_369, %dma_start3A_370] : memref<128x384xi32, #tpu.memory_space<vmem>> -> memref<16x384xi32, #tpu.memory_space<vmem>>
    %dma_start3A_372 = arith.constant 0 : i32
    %dma_start3A_373 = tpu.memref_slice %arg7[%dma_start3A_368, %dma_start3A_372] : memref<8x16xi32, #tpu.memory_space<vmem>> -> memref<1x16xi32, #tpu.memory_space<vmem>>
    %dma_start3A_374 = tpu.memref_squeeze %dma_start3A_373 : memref<1x16xi32, #tpu.memory_space<vmem>> -> memref<16xi32, #tpu.memory_space<vmem>>
    %dma_start3A_375 = arith.constant 0 : i32
    %dma_start3A_376 = arith.constant 0 : i32
    %dma_start3A_377 = tpu.memref_slice %arg5[%dma_start3A_375, %dma_start3A_376] : memref<5120x384xi32, #tpu.memory_space<hbm>> -> memref<5120x384xi32, #tpu.memory_space<hbm>>
    tpu.enqueue_indirect_dma source(%dma_start3A_371 : memref<16x384xi32, #tpu.memory_space<vmem>>) target(%dma_start3A_377 : memref<5120x384xi32, #tpu.memory_space<hbm>>) offsets(%dma_start3A_374 : memref<16xi32, #tpu.memory_space<vmem>>) semaphore(%arg19 : memref<!tpu.dma_semaphore, #tpu.memory_space<semaphore_mem>>)
    %dma_wait3A_378 = arith.constant 80 : i32
    %dma_wait3A_379 = arith.constant 0 : i32
    %dma_wait3A_380 = tpu.memref_slice %arg10[%dma_wait3A_378, %dma_wait3A_379] : memref<128x384xi32, #tpu.memory_space<vmem>> -> memref<16x384xi32, #tpu.memory_space<vmem>>
    %dma_wait3A_381 = arith.constant 0 : i32
    %dma_wait3A_382 = tpu.memref_slice %arg2[%add3A_166, %dma_wait3A_381] : memref<2048x384xi32, #tpu.memory_space<hbm>> -> memref<16x384xi32, #tpu.memory_space<hbm>>
    %dma_wait3A_383 = arith.constant 80 : i32
    %dma_wait3A_384 = arith.constant 0 : i32
    %dma_wait3A_385 = tpu.memref_slice %arg10[%dma_wait3A_383, %dma_wait3A_384] : memref<128x384xi32, #tpu.memory_space<vmem>> -> memref<16x384xi32, #tpu.memory_space<vmem>>
    %dma_wait3A_386 = arith.constant 0 : i32
    %dma_wait3A_387 = tpu.memref_slice %arg2[%add3A_166, %dma_wait3A_386] : memref<2048x384xi32, #tpu.memory_space<hbm>> -> memref<16x384xi32, #tpu.memory_space<hbm>>
    tpu.wait_dma2 semaphore(%arg16 : memref<!tpu.dma_semaphore, #tpu.memory_space<semaphore_mem>>) src(%dma_wait3A_387 : memref<16x384xi32, #tpu.memory_space<hbm>>) dst(%dma_wait3A_385 : memref<16x384xi32, #tpu.memory_space<vmem>>)
    %dma_start3A_388 = arith.constant 5 : i32
    %dma_start3A_389 = arith.constant 80 : i32
    %dma_start3A_390 = arith.constant 0 : i32
    %dma_start3A_391 = tpu.memref_slice %arg10[%dma_start3A_389, %dma_start3A_390] : memref<128x384xi32, #tpu.memory_space<vmem>> -> memref<16x384xi32, #tpu.memory_space<vmem>>
    %dma_start3A_392 = arith.constant 0 : i32
    %dma_start3A_393 = tpu.memref_slice %arg7[%dma_start3A_388, %dma_start3A_392] : memref<8x16xi32, #tpu.memory_space<vmem>> -> memref<1x16xi32, #tpu.memory_space<vmem>>
    %dma_start3A_394 = tpu.memref_squeeze %dma_start3A_393 : memref<1x16xi32, #tpu.memory_space<vmem>> -> memref<16xi32, #tpu.memory_space<vmem>>
    %dma_start3A_395 = arith.constant 0 : i32
    %dma_start3A_396 = arith.constant 0 : i32
    %dma_start3A_397 = tpu.memref_slice %arg5[%dma_start3A_395, %dma_start3A_396] : memref<5120x384xi32, #tpu.memory_space<hbm>> -> memref<5120x384xi32, #tpu.memory_space<hbm>>
    tpu.enqueue_indirect_dma source(%dma_start3A_391 : memref<16x384xi32, #tpu.memory_space<vmem>>) target(%dma_start3A_397 : memref<5120x384xi32, #tpu.memory_space<hbm>>) offsets(%dma_start3A_394 : memref<16xi32, #tpu.memory_space<vmem>>) semaphore(%arg19 : memref<!tpu.dma_semaphore, #tpu.memory_space<semaphore_mem>>)
    %dma_wait3A_398 = arith.constant 96 : i32
    %dma_wait3A_399 = arith.constant 0 : i32
    %dma_wait3A_400 = tpu.memref_slice %arg10[%dma_wait3A_398, %dma_wait3A_399] : memref<128x384xi32, #tpu.memory_space<vmem>> -> memref<16x384xi32, #tpu.memory_space<vmem>>
    %dma_wait3A_401 = arith.constant 0 : i32
    %dma_wait3A_402 = tpu.memref_slice %arg2[%add3A_178, %dma_wait3A_401] : memref<2048x384xi32, #tpu.memory_space<hbm>> -> memref<16x384xi32, #tpu.memory_space<hbm>>
    %dma_wait3A_403 = arith.constant 96 : i32
    %dma_wait3A_404 = arith.constant 0 : i32
    %dma_wait3A_405 = tpu.memref_slice %arg10[%dma_wait3A_403, %dma_wait3A_404] : memref<128x384xi32, #tpu.memory_space<vmem>> -> memref<16x384xi32, #tpu.memory_space<vmem>>
    %dma_wait3A_406 = arith.constant 0 : i32
    %dma_wait3A_407 = tpu.memref_slice %arg2[%add3A_178, %dma_wait3A_406] : memref<2048x384xi32, #tpu.memory_space<hbm>> -> memref<16x384xi32, #tpu.memory_space<hbm>>
    tpu.wait_dma2 semaphore(%arg17 : memref<!tpu.dma_semaphore, #tpu.memory_space<semaphore_mem>>) src(%dma_wait3A_407 : memref<16x384xi32, #tpu.memory_space<hbm>>) dst(%dma_wait3A_405 : memref<16x384xi32, #tpu.memory_space<vmem>>)
    %dma_start3A_408 = arith.constant 6 : i32
    %dma_start3A_409 = arith.constant 96 : i32
    %dma_start3A_410 = arith.constant 0 : i32
    %dma_start3A_411 = tpu.memref_slice %arg10[%dma_start3A_409, %dma_start3A_410] : memref<128x384xi32, #tpu.memory_space<vmem>> -> memref<16x384xi32, #tpu.memory_space<vmem>>
    %dma_start3A_412 = arith.constant 0 : i32
    %dma_start3A_413 = tpu.memref_slice %arg7[%dma_start3A_408, %dma_start3A_412] : memref<8x16xi32, #tpu.memory_space<vmem>> -> memref<1x16xi32, #tpu.memory_space<vmem>>
    %dma_start3A_414 = tpu.memref_squeeze %dma_start3A_413 : memref<1x16xi32, #tpu.memory_space<vmem>> -> memref<16xi32, #tpu.memory_space<vmem>>
    %dma_start3A_415 = arith.constant 0 : i32
    %dma_start3A_416 = arith.constant 0 : i32
    %dma_start3A_417 = tpu.memref_slice %arg5[%dma_start3A_415, %dma_start3A_416] : memref<5120x384xi32, #tpu.memory_space<hbm>> -> memref<5120x384xi32, #tpu.memory_space<hbm>>
    tpu.enqueue_indirect_dma source(%dma_start3A_411 : memref<16x384xi32, #tpu.memory_space<vmem>>) target(%dma_start3A_417 : memref<5120x384xi32, #tpu.memory_space<hbm>>) offsets(%dma_start3A_414 : memref<16xi32, #tpu.memory_space<vmem>>) semaphore(%arg19 : memref<!tpu.dma_semaphore, #tpu.memory_space<semaphore_mem>>)
    %dma_wait3A_418 = arith.constant 112 : i32
    %dma_wait3A_419 = arith.constant 0 : i32
    %dma_wait3A_420 = tpu.memref_slice %arg10[%dma_wait3A_418, %dma_wait3A_419] : memref<128x384xi32, #tpu.memory_space<vmem>> -> memref<16x384xi32, #tpu.memory_space<vmem>>
    %dma_wait3A_421 = arith.constant 0 : i32
    %dma_wait3A_422 = tpu.memref_slice %arg2[%add3A_190, %dma_wait3A_421] : memref<2048x384xi32, #tpu.memory_space<hbm>> -> memref<16x384xi32, #tpu.memory_space<hbm>>
    %dma_wait3A_423 = arith.constant 112 : i32
    %dma_wait3A_424 = arith.constant 0 : i32
    %dma_wait3A_425 = tpu.memref_slice %arg10[%dma_wait3A_423, %dma_wait3A_424] : memref<128x384xi32, #tpu.memory_space<vmem>> -> memref<16x384xi32, #tpu.memory_space<vmem>>
    %dma_wait3A_426 = arith.constant 0 : i32
    %dma_wait3A_427 = tpu.memref_slice %arg2[%add3A_190, %dma_wait3A_426] : memref<2048x384xi32, #tpu.memory_space<hbm>> -> memref<16x384xi32, #tpu.memory_space<hbm>>
    tpu.wait_dma2 semaphore(%arg18 : memref<!tpu.dma_semaphore, #tpu.memory_space<semaphore_mem>>) src(%dma_wait3A_427 : memref<16x384xi32, #tpu.memory_space<hbm>>) dst(%dma_wait3A_425 : memref<16x384xi32, #tpu.memory_space<vmem>>)
    %dma_start3A_428 = arith.constant 7 : i32
    %dma_start3A_429 = arith.constant 112 : i32
    %dma_start3A_430 = arith.constant 0 : i32
    %dma_start3A_431 = tpu.memref_slice %arg10[%dma_start3A_429, %dma_start3A_430] : memref<128x384xi32, #tpu.memory_space<vmem>> -> memref<16x384xi32, #tpu.memory_space<vmem>>
    %dma_start3A_432 = arith.constant 0 : i32
    %dma_start3A_433 = tpu.memref_slice %arg7[%dma_start3A_428, %dma_start3A_432] : memref<8x16xi32, #tpu.memory_space<vmem>> -> memref<1x16xi32, #tpu.memory_space<vmem>>
    %dma_start3A_434 = tpu.memref_squeeze %dma_start3A_433 : memref<1x16xi32, #tpu.memory_space<vmem>> -> memref<16xi32, #tpu.memory_space<vmem>>
    %dma_start3A_435 = arith.constant 0 : i32
    %dma_start3A_436 = arith.constant 0 : i32
    %dma_start3A_437 = tpu.memref_slice %arg5[%dma_start3A_435, %dma_start3A_436] : memref<5120x384xi32, #tpu.memory_space<hbm>> -> memref<5120x384xi32, #tpu.memory_space<hbm>>
    tpu.enqueue_indirect_dma source(%dma_start3A_431 : memref<16x384xi32, #tpu.memory_space<vmem>>) target(%dma_start3A_437 : memref<5120x384xi32, #tpu.memory_space<hbm>>) offsets(%dma_start3A_434 : memref<16xi32, #tpu.memory_space<vmem>>) semaphore(%arg19 : memref<!tpu.dma_semaphore, #tpu.memory_space<semaphore_mem>>)
    %dma_wait3A_438 = arith.constant 0 : i32
    %dma_wait3A_439 = arith.constant 0 : i32
    %dma_wait3A_440 = arith.constant 0 : i32
    %dma_wait3A_441 = tpu.memref_slice %arg10[%dma_wait3A_439, %dma_wait3A_440] : memref<128x384xi32, #tpu.memory_space<vmem>> -> memref<16x384xi32, #tpu.memory_space<vmem>>
    %dma_wait3A_442 = arith.constant 0 : i32
    %dma_wait3A_443 = tpu.memref_slice %arg7[%dma_wait3A_438, %dma_wait3A_442] : memref<8x16xi32, #tpu.memory_space<vmem>> -> memref<1x16xi32, #tpu.memory_space<vmem>>
    %dma_wait3A_444 = tpu.memref_squeeze %dma_wait3A_443 : memref<1x16xi32, #tpu.memory_space<vmem>> -> memref<16xi32, #tpu.memory_space<vmem>>
    %dma_wait3A_445 = arith.constant 0 : i32
    %dma_wait3A_446 = arith.constant 0 : i32
    %dma_wait3A_447 = tpu.memref_slice %arg5[%dma_wait3A_445, %dma_wait3A_446] : memref<5120x384xi32, #tpu.memory_space<hbm>> -> memref<5120x384xi32, #tpu.memory_space<hbm>>
    tpu.wait_indirect_dma semaphore(%arg19 : memref<!tpu.dma_semaphore, #tpu.memory_space<semaphore_mem>>) src(%dma_wait3A_441 : memref<16x384xi32, #tpu.memory_space<vmem>>) dst(%dma_wait3A_447 : memref<5120x384xi32, #tpu.memory_space<hbm>>)
    %dma_wait3A_448 = arith.constant 1 : i32
    %dma_wait3A_449 = arith.constant 16 : i32
    %dma_wait3A_450 = arith.constant 0 : i32
    %dma_wait3A_451 = tpu.memref_slice %arg10[%dma_wait3A_449, %dma_wait3A_450] : memref<128x384xi32, #tpu.memory_space<vmem>> -> memref<16x384xi32, #tpu.memory_space<vmem>>
    %dma_wait3A_452 = arith.constant 0 : i32
    %dma_wait3A_453 = tpu.memref_slice %arg7[%dma_wait3A_448, %dma_wait3A_452] : memref<8x16xi32, #tpu.memory_space<vmem>> -> memref<1x16xi32, #tpu.memory_space<vmem>>
    %dma_wait3A_454 = tpu.memref_squeeze %dma_wait3A_453 : memref<1x16xi32, #tpu.memory_space<vmem>> -> memref<16xi32, #tpu.memory_space<vmem>>
    %dma_wait3A_455 = arith.constant 0 : i32
    %dma_wait3A_456 = arith.constant 0 : i32
    %dma_wait3A_457 = tpu.memref_slice %arg5[%dma_wait3A_455, %dma_wait3A_456] : memref<5120x384xi32, #tpu.memory_space<hbm>> -> memref<5120x384xi32, #tpu.memory_space<hbm>>
    tpu.wait_indirect_dma semaphore(%arg19 : memref<!tpu.dma_semaphore, #tpu.memory_space<semaphore_mem>>) src(%dma_wait3A_451 : memref<16x384xi32, #tpu.memory_space<vmem>>) dst(%dma_wait3A_457 : memref<5120x384xi32, #tpu.memory_space<hbm>>)
    %dma_wait3A_458 = arith.constant 2 : i32
    %dma_wait3A_459 = arith.constant 32 : i32
    %dma_wait3A_460 = arith.constant 0 : i32
    %dma_wait3A_461 = tpu.memref_slice %arg10[%dma_wait3A_459, %dma_wait3A_460] : memref<128x384xi32, #tpu.memory_space<vmem>> -> memref<16x384xi32, #tpu.memory_space<vmem>>
    %dma_wait3A_462 = arith.constant 0 : i32
    %dma_wait3A_463 = tpu.memref_slice %arg7[%dma_wait3A_458, %dma_wait3A_462] : memref<8x16xi32, #tpu.memory_space<vmem>> -> memref<1x16xi32, #tpu.memory_space<vmem>>
    %dma_wait3A_464 = tpu.memref_squeeze %dma_wait3A_463 : memref<1x16xi32, #tpu.memory_space<vmem>> -> memref<16xi32, #tpu.memory_space<vmem>>
    %dma_wait3A_465 = arith.constant 0 : i32
    %dma_wait3A_466 = arith.constant 0 : i32
    %dma_wait3A_467 = tpu.memref_slice %arg5[%dma_wait3A_465, %dma_wait3A_466] : memref<5120x384xi32, #tpu.memory_space<hbm>> -> memref<5120x384xi32, #tpu.memory_space<hbm>>
    tpu.wait_indirect_dma semaphore(%arg19 : memref<!tpu.dma_semaphore, #tpu.memory_space<semaphore_mem>>) src(%dma_wait3A_461 : memref<16x384xi32, #tpu.memory_space<vmem>>) dst(%dma_wait3A_467 : memref<5120x384xi32, #tpu.memory_space<hbm>>)
    %dma_wait3A_468 = arith.constant 3 : i32
    %dma_wait3A_469 = arith.constant 48 : i32
    %dma_wait3A_470 = arith.constant 0 : i32
    %dma_wait3A_471 = tpu.memref_slice %arg10[%dma_wait3A_469, %dma_wait3A_470] : memref<128x384xi32, #tpu.memory_space<vmem>> -> memref<16x384xi32, #tpu.memory_space<vmem>>
    %dma_wait3A_472 = arith.constant 0 : i32
    %dma_wait3A_473 = tpu.memref_slice %arg7[%dma_wait3A_468, %dma_wait3A_472] : memref<8x16xi32, #tpu.memory_space<vmem>> -> memref<1x16xi32, #tpu.memory_space<vmem>>
    %dma_wait3A_474 = tpu.memref_squeeze %dma_wait3A_473 : memref<1x16xi32, #tpu.memory_space<vmem>> -> memref<16xi32, #tpu.memory_space<vmem>>
    %dma_wait3A_475 = arith.constant 0 : i32
    %dma_wait3A_476 = arith.constant 0 : i32
    %dma_wait3A_477 = tpu.memref_slice %arg5[%dma_wait3A_475, %dma_wait3A_476] : memref<5120x384xi32, #tpu.memory_space<hbm>> -> memref<5120x384xi32, #tpu.memory_space<hbm>>
    tpu.wait_indirect_dma semaphore(%arg19 : memref<!tpu.dma_semaphore, #tpu.memory_space<semaphore_mem>>) src(%dma_wait3A_471 : memref<16x384xi32, #tpu.memory_space<vmem>>) dst(%dma_wait3A_477 : memref<5120x384xi32, #tpu.memory_space<hbm>>)
    %dma_wait3A_478 = arith.constant 4 : i32
    %dma_wait3A_479 = arith.constant 64 : i32
    %dma_wait3A_480 = arith.constant 0 : i32
    %dma_wait3A_481 = tpu.memref_slice %arg10[%dma_wait3A_479, %dma_wait3A_480] : memref<128x384xi32, #tpu.memory_space<vmem>> -> memref<16x384xi32, #tpu.memory_space<vmem>>
    %dma_wait3A_482 = arith.constant 0 : i32
    %dma_wait3A_483 = tpu.memref_slice %arg7[%dma_wait3A_478, %dma_wait3A_482] : memref<8x16xi32, #tpu.memory_space<vmem>> -> memref<1x16xi32, #tpu.memory_space<vmem>>
    %dma_wait3A_484 = tpu.memref_squeeze %dma_wait3A_483 : memref<1x16xi32, #tpu.memory_space<vmem>> -> memref<16xi32, #tpu.memory_space<vmem>>
    %dma_wait3A_485 = arith.constant 0 : i32
    %dma_wait3A_486 = arith.constant 0 : i32
    %dma_wait3A_487 = tpu.memref_slice %arg5[%dma_wait3A_485, %dma_wait3A_486] : memref<5120x384xi32, #tpu.memory_space<hbm>> -> memref<5120x384xi32, #tpu.memory_space<hbm>>
    tpu.wait_indirect_dma semaphore(%arg19 : memref<!tpu.dma_semaphore, #tpu.memory_space<semaphore_mem>>) src(%dma_wait3A_481 : memref<16x384xi32, #tpu.memory_space<vmem>>) dst(%dma_wait3A_487 : memref<5120x384xi32, #tpu.memory_space<hbm>>)
    %dma_wait3A_488 = arith.constant 5 : i32
    %dma_wait3A_489 = arith.constant 80 : i32
    %dma_wait3A_490 = arith.constant 0 : i32
    %dma_wait3A_491 = tpu.memref_slice %arg10[%dma_wait3A_489, %dma_wait3A_490] : memref<128x384xi32, #tpu.memory_space<vmem>> -> memref<16x384xi32, #tpu.memory_space<vmem>>
    %dma_wait3A_492 = arith.constant 0 : i32
    %dma_wait3A_493 = tpu.memref_slice %arg7[%dma_wait3A_488, %dma_wait3A_492] : memref<8x16xi32, #tpu.memory_space<vmem>> -> memref<1x16xi32, #tpu.memory_space<vmem>>
    %dma_wait3A_494 = tpu.memref_squeeze %dma_wait3A_493 : memref<1x16xi32, #tpu.memory_space<vmem>> -> memref<16xi32, #tpu.memory_space<vmem>>
    %dma_wait3A_495 = arith.constant 0 : i32
    %dma_wait3A_496 = arith.constant 0 : i32
    %dma_wait3A_497 = tpu.memref_slice %arg5[%dma_wait3A_495, %dma_wait3A_496] : memref<5120x384xi32, #tpu.memory_space<hbm>> -> memref<5120x384xi32, #tpu.memory_space<hbm>>
    tpu.wait_indirect_dma semaphore(%arg19 : memref<!tpu.dma_semaphore, #tpu.memory_space<semaphore_mem>>) src(%dma_wait3A_491 : memref<16x384xi32, #tpu.memory_space<vmem>>) dst(%dma_wait3A_497 : memref<5120x384xi32, #tpu.memory_space<hbm>>)
    %dma_wait3A_498 = arith.constant 6 : i32
    %dma_wait3A_499 = arith.constant 96 : i32
    %dma_wait3A_500 = arith.constant 0 : i32
    %dma_wait3A_501 = tpu.memref_slice %arg10[%dma_wait3A_499, %dma_wait3A_500] : memref<128x384xi32, #tpu.memory_space<vmem>> -> memref<16x384xi32, #tpu.memory_space<vmem>>
    %dma_wait3A_502 = arith.constant 0 : i32
    %dma_wait3A_503 = tpu.memref_slice %arg7[%dma_wait3A_498, %dma_wait3A_502] : memref<8x16xi32, #tpu.memory_space<vmem>> -> memref<1x16xi32, #tpu.memory_space<vmem>>
    %dma_wait3A_504 = tpu.memref_squeeze %dma_wait3A_503 : memref<1x16xi32, #tpu.memory_space<vmem>> -> memref<16xi32, #tpu.memory_space<vmem>>
    %dma_wait3A_505 = arith.constant 0 : i32
    %dma_wait3A_506 = arith.constant 0 : i32
    %dma_wait3A_507 = tpu.memref_slice %arg5[%dma_wait3A_505, %dma_wait3A_506] : memref<5120x384xi32, #tpu.memory_space<hbm>> -> memref<5120x384xi32, #tpu.memory_space<hbm>>
    tpu.wait_indirect_dma semaphore(%arg19 : memref<!tpu.dma_semaphore, #tpu.memory_space<semaphore_mem>>) src(%dma_wait3A_501 : memref<16x384xi32, #tpu.memory_space<vmem>>) dst(%dma_wait3A_507 : memref<5120x384xi32, #tpu.memory_space<hbm>>)
    %dma_wait3A_508 = arith.constant 7 : i32
    %dma_wait3A_509 = arith.constant 112 : i32
    %dma_wait3A_510 = arith.constant 0 : i32
    %dma_wait3A_511 = tpu.memref_slice %arg10[%dma_wait3A_509, %dma_wait3A_510] : memref<128x384xi32, #tpu.memory_space<vmem>> -> memref<16x384xi32, #tpu.memory_space<vmem>>
    %dma_wait3A_512 = arith.constant 0 : i32
    %dma_wait3A_513 = tpu.memref_slice %arg7[%dma_wait3A_508, %dma_wait3A_512] : memref<8x16xi32, #tpu.memory_space<vmem>> -> memref<1x16xi32, #tpu.memory_space<vmem>>
    %dma_wait3A_514 = tpu.memref_squeeze %dma_wait3A_513 : memref<1x16xi32, #tpu.memory_space<vmem>> -> memref<16xi32, #tpu.memory_space<vmem>>
    %dma_wait3A_515 = arith.constant 0 : i32
    %dma_wait3A_516 = arith.constant 0 : i32
    %dma_wait3A_517 = tpu.memref_slice %arg5[%dma_wait3A_515, %dma_wait3A_516] : memref<5120x384xi32, #tpu.memory_space<hbm>> -> memref<5120x384xi32, #tpu.memory_space<hbm>>
    tpu.wait_indirect_dma semaphore(%arg19 : memref<!tpu.dma_semaphore, #tpu.memory_space<semaphore_mem>>) src(%dma_wait3A_511 : memref<16x384xi32, #tpu.memory_space<vmem>>) dst(%dma_wait3A_517 : memref<5120x384xi32, #tpu.memory_space<hbm>>)
    %dma_wait3A_518 = arith.constant 0 : i32
    %dma_wait3A_519 = tpu.memref_slice %arg6[%dma_wait3A_518] : memref<5120xf32, #tpu.memory_space<hbm>> -> memref<5120xf32, #tpu.memory_space<hbm>>
    tpu.wait_indirect_dma semaphore(%arg19 : memref<!tpu.dma_semaphore, #tpu.memory_space<semaphore_mem>>) src(%arg9 : memref<128xf32, #tpu.memory_space<vmem>>) dst(%dma_wait3A_519 : memref<5120xf32, #tpu.memory_space<hbm>>)
    return
  }
}

module attributes {stable_mosaic.version = 14 : i64} {
  func.func @_route_body(%arg0: memref<2048x768xf32, #tpu.memory_space<vmem>>, %arg1: memref<8x768xf32, #tpu.memory_space<vmem>>, %arg2: memref<2x2048xi32, #tpu.memory_space<vmem>>, %arg3: memref<2x2048xf32, #tpu.memory_space<vmem>>, %arg4: memref<1x40xi32, #tpu.memory_space<vmem>>, %arg5: memref<1x40xi32, #tpu.memory_space<vmem>>, %arg6: memref<2048x384xi32, #tpu.memory_space<vmem>>) attributes {dimension_semantics = [], scalar_prefetch = 0 : i64, scratch_operands = 0 : i64, tpu.core_type = #tpu.core_type<tc>} {
    %get3A = arith.constant 0 : index
    %get3A_0 = arith.constant 0 : index
    %get3A_1 = vector.load %arg0[%get3A, %get3A_0] : memref<2048x768xf32, #tpu.memory_space<vmem>>, vector<2048x768xf32>
    %get3A_2 = arith.constant 0 : index
    %get3A_3 = arith.constant 0 : index
    %get3A_4 = vector.load %arg1[%get3A_2, %get3A_3] : memref<8x768xf32, #tpu.memory_space<vmem>>, vector<8x768xf32>
    %convert_element_type3A = arith.truncf %get3A_1 : vector<2048x768xf32> to vector<2048x768xbf16>
    %bitcast_convert_type3A = tpu.bitcast %convert_element_type3A : vector<2048x768xbf16> -> vector<2048x768xi16>
    %convert_element_type3A_5 = arith.extui %bitcast_convert_type3A : vector<2048x768xi16> to vector<2048x768xi32>
    %slice3A = vector.extract_strided_slice %convert_element_type3A_5 {offsets = [0, 0], sizes = [2048, 384], strides = [1, 1]} : vector<2048x768xi32> to vector<2048x384xi32>
    %slice3A_6 = vector.extract_strided_slice %convert_element_type3A_5 {offsets = [0, 384], sizes = [2048, 384], strides = [1, 1]} : vector<2048x768xi32> to vector<2048x384xi32>
    %shift_left3A = arith.constant 16 : i32
    %shift_left3A_7 = vector.broadcast %shift_left3A : i32 to vector<2048x384xi32>
    %shift_left3A_8 = arith.shli %slice3A_6, %shift_left3A_7 : vector<2048x384xi32>
    %or3A = arith.ori %slice3A, %shift_left3A_8 : vector<2048x384xi32>
    %swap3A = arith.constant 0 : index
    %swap3A_9 = arith.constant 0 : index
    %swap3A_10 = vector.load %arg6[%swap3A, %swap3A_9] : memref<2048x384xi32, #tpu.memory_space<vmem>>, vector<2048x384xi32>
    tpu.vector_store %arg6[%swap3A, %swap3A_9], %or3A {strides = array<i32>} : memref<2048x384xi32, #tpu.memory_space<vmem>>, vector<2048x384xi32>,
    %dot_general3A = arith.constant dense<0.000000e+00> : vector<8x2048xf32>
    %dot_general3A_11 = tpu.matmul %get3A_4, %get3A_1, %dot_general3A {dimension_numbers = #tpu.dot_dimension_numbers<[1], [1], [0], [0], [0, 0, 1, 0], [], []>, transpose_lhs_hint = false} : vector<8x768xf32>, vector<2048x768xf32>, vector<8x2048xf32> -> vector<8x2048xf32>
    %reduce_max3A = arith.constant dense<0xFF800000> : vector<2048xf32>
    %reduce_max3A_12 = vector.multi_reduction <maximumf>, %dot_general3A_11, %reduce_max3A [0] : vector<8x2048xf32> to vector<2048xf32>
    %broadcast_in_dim3A = vector.shape_cast %reduce_max3A_12 : vector<2048xf32> to vector<1x2048xf32>
    %sub3A = vector.broadcast %broadcast_in_dim3A : vector<1x2048xf32> to vector<8x2048xf32>
    %sub3A_13 = arith.subf %dot_general3A_11, %sub3A : vector<8x2048xf32>
    %exp3A = math.exp %sub3A_13 : vector<8x2048xf32>
    %reduce_sum3A = arith.constant dense<0.000000e+00> : vector<2048xf32>
    %reduce_sum3A_14 = vector.multi_reduction <add>, %exp3A, %reduce_sum3A [0] : vector<8x2048xf32> to vector<2048xf32>
    %broadcast_in_dim3A_15 = vector.shape_cast %reduce_sum3A_14 : vector<2048xf32> to vector<1x2048xf32>
    %div3A = vector.broadcast %broadcast_in_dim3A_15 : vector<1x2048xf32> to vector<8x2048xf32>
    %div3A_16 = arith.divf %exp3A, %div3A : vector<8x2048xf32>
    %iota3A = tpu.iota {dimensions = array<i32: 0>} : vector<8x2048xi32>
    %reduce_max3A_17 = arith.constant dense<0xFF800000> : vector<2048xf32>
    %reduce_max3A_18 = vector.multi_reduction <maximumf>, %div3A_16, %reduce_max3A_17 [0] : vector<8x2048xf32> to vector<2048xf32>
    %broadcast_in_dim3A_19 = vector.shape_cast %reduce_max3A_18 : vector<2048xf32> to vector<1x2048xf32>
    %eq3A = vector.broadcast %broadcast_in_dim3A_19 : vector<1x2048xf32> to vector<8x2048xf32>
    %eq3A_20 = arith.cmpf oeq, %div3A_16, %eq3A : vector<8x2048xf32>
    %jit3A = arith.constant 8 : i32
    %broadcast_in_dim3A_21 = vector.broadcast %jit3A : i32 to vector<8x2048xi32>
    %select_n3A = arith.select %eq3A_20, %iota3A, %broadcast_in_dim3A_21 : vector<8x2048xi1>, vector<8x2048xi32>
    %reduce_min3A = arith.constant dense<2147483647> : vector<2048xi32>
    %reduce_min3A_22 = vector.multi_reduction <minsi>, %select_n3A, %reduce_min3A [0] : vector<8x2048xi32> to vector<2048xi32>
    %broadcast_in_dim3A_23 = vector.shape_cast %reduce_min3A_22 : vector<2048xi32> to vector<1x2048xi32>
    %eq3A_24 = vector.broadcast %broadcast_in_dim3A_23 : vector<1x2048xi32> to vector<8x2048xi32>
    %eq3A_25 = arith.cmpi eq, %iota3A, %eq3A_24 : vector<8x2048xi32>
    %neg3A = arith.constant 0.000000e+00 : f32
    %neg3A_26 = arith.constant 0x7F800000 : f32
    %neg3A_27 = arith.subf %neg3A, %neg3A_26 : f32
    %broadcast_in_dim3A_28 = vector.broadcast %neg3A_27 : f32 to vector<8x2048xf32>
    %select_n3A_29 = arith.select %eq3A_25, %broadcast_in_dim3A_28, %div3A_16 : vector<8x2048xi1>, vector<8x2048xf32>
    %reduce_max3A_30 = arith.constant dense<0xFF800000> : vector<2048xf32>
    %reduce_max3A_31 = vector.multi_reduction <maximumf>, %select_n3A_29, %reduce_max3A_30 [0] : vector<8x2048xf32> to vector<2048xf32>
    %broadcast_in_dim3A_32 = vector.shape_cast %reduce_max3A_31 : vector<2048xf32> to vector<1x2048xf32>
    %eq3A_33 = vector.broadcast %broadcast_in_dim3A_32 : vector<1x2048xf32> to vector<8x2048xf32>
    %eq3A_34 = arith.cmpf oeq, %select_n3A_29, %eq3A_33 : vector<8x2048xf32>
    %jit3A_35 = arith.constant 8 : i32
    %broadcast_in_dim3A_36 = vector.broadcast %jit3A_35 : i32 to vector<8x2048xi32>
    %select_n3A_37 = arith.select %eq3A_34, %iota3A, %broadcast_in_dim3A_36 : vector<8x2048xi1>, vector<8x2048xi32>
    %reduce_min3A_38 = arith.constant dense<2147483647> : vector<2048xi32>
    %reduce_min3A_39 = vector.multi_reduction <minsi>, %select_n3A_37, %reduce_min3A_38 [0] : vector<8x2048xi32> to vector<2048xi32>
    %broadcast_in_dim3A_40 = vector.shape_cast %reduce_min3A_39 : vector<2048xi32> to vector<1x2048xi32>
    %eq3A_41 = vector.broadcast %broadcast_in_dim3A_23 : vector<1x2048xi32> to vector<8x2048xi32>
    %eq3A_42 = arith.cmpi eq, %iota3A, %eq3A_41 : vector<8x2048xi32>
    %convert_element_type3A_43 = arith.extui %eq3A_42 : vector<8x2048xi1> to vector<8x2048xi32>
    %convert_element_type3A_44 = arith.sitofp %convert_element_type3A_43 : vector<8x2048xi32> to vector<8x2048xf32>
    %eq3A_45 = vector.broadcast %broadcast_in_dim3A_40 : vector<1x2048xi32> to vector<8x2048xi32>
    %eq3A_46 = arith.cmpi eq, %iota3A, %eq3A_45 : vector<8x2048xi32>
    %convert_element_type3A_47 = arith.extui %eq3A_46 : vector<8x2048xi1> to vector<8x2048xi32>
    %convert_element_type3A_48 = arith.sitofp %convert_element_type3A_47 : vector<8x2048xi32> to vector<8x2048xf32>
    %iota3A_49 = tpu.iota {dimensions = array<i32: 0>} : vector<512x512xi32>
    %iota3A_50 = tpu.iota {dimensions = array<i32: 1>} : vector<512x512xi32>
    %lt3A = arith.cmpi slt, %iota3A_49, %iota3A_50 : vector<512x512xi32>
    %convert_element_type3A_51 = arith.extui %lt3A : vector<512x512xi1> to vector<512x512xi32>
    %convert_element_type3A_52 = arith.sitofp %convert_element_type3A_51 : vector<512x512xi32> to vector<512x512xf32>
    %broadcast_in_dim3A_53 = arith.constant 0.000000e+00 : f32
    %broadcast_in_dim3A_54 = vector.broadcast %broadcast_in_dim3A_53 : f32 to vector<8x1xf32>
    %slice3A_55 = vector.extract_strided_slice %convert_element_type3A_44 {offsets = [0, 0], sizes = [8, 512], strides = [1, 1]} : vector<8x2048xf32> to vector<8x512xf32>
    %dot_general3A_56 = arith.constant dense<0.000000e+00> : vector<8x512xf32>
    %dot_general3A_57 = tpu.matmul %slice3A_55, %convert_element_type3A_52, %dot_general3A_56 {dimension_numbers = #tpu.dot_dimension_numbers<[1], [0], [0], [1], [0, 0, 1, 1], [], []>, transpose_lhs_hint = false} : vector<8x512xf32>, vector<512x512xf32>, vector<8x512xf32> -> vector<8x512xf32>
    %add3A = vector.broadcast %broadcast_in_dim3A_54 : vector<8x1xf32> to vector<8x512xf32>
    %add3A_58 = arith.addf %add3A, %dot_general3A_57 : vector<8x512xf32>
    %reduce_sum3A_59 = arith.constant dense<0.000000e+00> : vector<8xf32>
    %reduce_sum3A_60 = vector.multi_reduction <add>, %slice3A_55, %reduce_sum3A_59 [1] : vector<8x512xf32> to vector<8xf32>
    %broadcast_in_dim3A_61 = vector.shape_cast %reduce_sum3A_60 : vector<8xf32> to vector<8x1xf32>
    %add3A_62 = arith.addf %broadcast_in_dim3A_54, %broadcast_in_dim3A_61 : vector<8x1xf32>
    %slice3A_63 = vector.extract_strided_slice %convert_element_type3A_44 {offsets = [0, 512], sizes = [8, 512], strides = [1, 1]} : vector<8x2048xf32> to vector<8x512xf32>
    %dot_general3A_64 = arith.constant dense<0.000000e+00> : vector<8x512xf32>
    %dot_general3A_65 = tpu.matmul %slice3A_63, %convert_element_type3A_52, %dot_general3A_64 {dimension_numbers = #tpu.dot_dimension_numbers<[1], [0], [0], [1], [0, 0, 1, 1], [], []>, transpose_lhs_hint = false} : vector<8x512xf32>, vector<512x512xf32>, vector<8x512xf32> -> vector<8x512xf32>
    %add3A_66 = vector.broadcast %add3A_62 : vector<8x1xf32> to vector<8x512xf32>
    %add3A_67 = arith.addf %add3A_66, %dot_general3A_65 : vector<8x512xf32>
    %reduce_sum3A_68 = arith.constant dense<0.000000e+00> : vector<8xf32>
    %reduce_sum3A_69 = vector.multi_reduction <add>, %slice3A_63, %reduce_sum3A_68 [1] : vector<8x512xf32> to vector<8xf32>
    %broadcast_in_dim3A_70 = vector.shape_cast %reduce_sum3A_69 : vector<8xf32> to vector<8x1xf32>
    %add3A_71 = arith.addf %add3A_62, %broadcast_in_dim3A_70 : vector<8x1xf32>
    %slice3A_72 = vector.extract_strided_slice %convert_element_type3A_44 {offsets = [0, 1024], sizes = [8, 512], strides = [1, 1]} : vector<8x2048xf32> to vector<8x512xf32>
    %dot_general3A_73 = arith.constant dense<0.000000e+00> : vector<8x512xf32>
    %dot_general3A_74 = tpu.matmul %slice3A_72, %convert_element_type3A_52, %dot_general3A_73 {dimension_numbers = #tpu.dot_dimension_numbers<[1], [0], [0], [1], [0, 0, 1, 1], [], []>, transpose_lhs_hint = false} : vector<8x512xf32>, vector<512x512xf32>, vector<8x512xf32> -> vector<8x512xf32>
    %add3A_75 = vector.broadcast %add3A_71 : vector<8x1xf32> to vector<8x512xf32>
    %add3A_76 = arith.addf %add3A_75, %dot_general3A_74 : vector<8x512xf32>
    %reduce_sum3A_77 = arith.constant dense<0.000000e+00> : vector<8xf32>
    %reduce_sum3A_78 = vector.multi_reduction <add>, %slice3A_72, %reduce_sum3A_77 [1] : vector<8x512xf32> to vector<8xf32>
    %broadcast_in_dim3A_79 = vector.shape_cast %reduce_sum3A_78 : vector<8xf32> to vector<8x1xf32>
    %add3A_80 = arith.addf %add3A_71, %broadcast_in_dim3A_79 : vector<8x1xf32>
    %slice3A_81 = vector.extract_strided_slice %convert_element_type3A_44 {offsets = [0, 1536], sizes = [8, 512], strides = [1, 1]} : vector<8x2048xf32> to vector<8x512xf32>
    %dot_general3A_82 = arith.constant dense<0.000000e+00> : vector<8x512xf32>
    %dot_general3A_83 = tpu.matmul %slice3A_81, %convert_element_type3A_52, %dot_general3A_82 {dimension_numbers = #tpu.dot_dimension_numbers<[1], [0], [0], [1], [0, 0, 1, 1], [], []>, transpose_lhs_hint = false} : vector<8x512xf32>, vector<512x512xf32>, vector<8x512xf32> -> vector<8x512xf32>
    %add3A_84 = vector.broadcast %add3A_80 : vector<8x1xf32> to vector<8x512xf32>
    %add3A_85 = arith.addf %add3A_84, %dot_general3A_83 : vector<8x512xf32>
    %reduce_sum3A_86 = arith.constant dense<0.000000e+00> : vector<8xf32>
    %reduce_sum3A_87 = vector.multi_reduction <add>, %slice3A_81, %reduce_sum3A_86 [1] : vector<8x512xf32> to vector<8xf32>
    %broadcast_in_dim3A_88 = vector.shape_cast %reduce_sum3A_87 : vector<8xf32> to vector<8x1xf32>
    %add3A_89 = arith.addf %add3A_80, %broadcast_in_dim3A_88 : vector<8x1xf32>
    %slice3A_90 = vector.extract_strided_slice %convert_element_type3A_48 {offsets = [0, 0], sizes = [8, 512], strides = [1, 1]} : vector<8x2048xf32> to vector<8x512xf32>
    %dot_general3A_91 = arith.constant dense<0.000000e+00> : vector<8x512xf32>
    %dot_general3A_92 = tpu.matmul %slice3A_90, %convert_element_type3A_52, %dot_general3A_91 {dimension_numbers = #tpu.dot_dimension_numbers<[1], [0], [0], [1], [0, 0, 1, 1], [], []>, transpose_lhs_hint = false} : vector<8x512xf32>, vector<512x512xf32>, vector<8x512xf32> -> vector<8x512xf32>
    %add3A_93 = vector.broadcast %add3A_89 : vector<8x1xf32> to vector<8x512xf32>
    %add3A_94 = arith.addf %add3A_93, %dot_general3A_92 : vector<8x512xf32>
    %reduce_sum3A_95 = arith.constant dense<0.000000e+00> : vector<8xf32>
    %reduce_sum3A_96 = vector.multi_reduction <add>, %slice3A_90, %reduce_sum3A_95 [1] : vector<8x512xf32> to vector<8xf32>
    %broadcast_in_dim3A_97 = vector.shape_cast %reduce_sum3A_96 : vector<8xf32> to vector<8x1xf32>
    %add3A_98 = arith.addf %add3A_89, %broadcast_in_dim3A_97 : vector<8x1xf32>
    %slice3A_99 = vector.extract_strided_slice %convert_element_type3A_48 {offsets = [0, 512], sizes = [8, 512], strides = [1, 1]} : vector<8x2048xf32> to vector<8x512xf32>
    %dot_general3A_100 = arith.constant dense<0.000000e+00> : vector<8x512xf32>
    %dot_general3A_101 = tpu.matmul %slice3A_99, %convert_element_type3A_52, %dot_general3A_100 {dimension_numbers = #tpu.dot_dimension_numbers<[1], [0], [0], [1], [0, 0, 1, 1], [], []>, transpose_lhs_hint = false} : vector<8x512xf32>, vector<512x512xf32>, vector<8x512xf32> -> vector<8x512xf32>
    %add3A_102 = vector.broadcast %add3A_98 : vector<8x1xf32> to vector<8x512xf32>
    %add3A_103 = arith.addf %add3A_102, %dot_general3A_101 : vector<8x512xf32>
    %reduce_sum3A_104 = arith.constant dense<0.000000e+00> : vector<8xf32>
    %reduce_sum3A_105 = vector.multi_reduction <add>, %slice3A_99, %reduce_sum3A_104 [1] : vector<8x512xf32> to vector<8xf32>
    %broadcast_in_dim3A_106 = vector.shape_cast %reduce_sum3A_105 : vector<8xf32> to vector<8x1xf32>
    %add3A_107 = arith.addf %add3A_98, %broadcast_in_dim3A_106 : vector<8x1xf32>
    %slice3A_108 = vector.extract_strided_slice %convert_element_type3A_48 {offsets = [0, 1024], sizes = [8, 512], strides = [1, 1]} : vector<8x2048xf32> to vector<8x512xf32>
    %dot_general3A_109 = arith.constant dense<0.000000e+00> : vector<8x512xf32>
    %dot_general3A_110 = tpu.matmul %slice3A_108, %convert_element_type3A_52, %dot_general3A_109 {dimension_numbers = #tpu.dot_dimension_numbers<[1], [0], [0], [1], [0, 0, 1, 1], [], []>, transpose_lhs_hint = false} : vector<8x512xf32>, vector<512x512xf32>, vector<8x512xf32> -> vector<8x512xf32>
    %add3A_111 = vector.broadcast %add3A_107 : vector<8x1xf32> to vector<8x512xf32>
    %add3A_112 = arith.addf %add3A_111, %dot_general3A_110 : vector<8x512xf32>
    %reduce_sum3A_113 = arith.constant dense<0.000000e+00> : vector<8xf32>
    %reduce_sum3A_114 = vector.multi_reduction <add>, %slice3A_108, %reduce_sum3A_113 [1] : vector<8x512xf32> to vector<8xf32>
    %broadcast_in_dim3A_115 = vector.shape_cast %reduce_sum3A_114 : vector<8xf32> to vector<8x1xf32>
    %add3A_116 = arith.addf %add3A_107, %broadcast_in_dim3A_115 : vector<8x1xf32>
    %slice3A_117 = vector.extract_strided_slice %convert_element_type3A_48 {offsets = [0, 1536], sizes = [8, 512], strides = [1, 1]} : vector<8x2048xf32> to vector<8x512xf32>
    %dot_general3A_118 = arith.constant dense<0.000000e+00> : vector<8x512xf32>
    %dot_general3A_119 = tpu.matmul %slice3A_117, %convert_element_type3A_52, %dot_general3A_118 {dimension_numbers = #tpu.dot_dimension_numbers<[1], [0], [0], [1], [0, 0, 1, 1], [], []>, transpose_lhs_hint = false} : vector<8x512xf32>, vector<512x512xf32>, vector<8x512xf32> -> vector<8x512xf32>
    %add3A_120 = vector.broadcast %add3A_116 : vector<8x1xf32> to vector<8x512xf32>
    %add3A_121 = arith.addf %add3A_120, %dot_general3A_119 : vector<8x512xf32>
    %reduce_sum3A_122 = arith.constant dense<0.000000e+00> : vector<8xf32>
    %reduce_sum3A_123 = vector.multi_reduction <add>, %slice3A_117, %reduce_sum3A_122 [1] : vector<8x512xf32> to vector<8xf32>
    %broadcast_in_dim3A_124 = vector.shape_cast %reduce_sum3A_123 : vector<8xf32> to vector<8x1xf32>
    %add3A_125 = arith.addf %add3A_116, %broadcast_in_dim3A_124 : vector<8x1xf32>
    %add3A_126 = arith.constant 1.270000e+02 : f32
    %add3A_127 = vector.broadcast %add3A_126 : f32 to vector<8x1xf32>
    %add3A_128 = arith.addf %add3A_125, %add3A_127 : vector<8x1xf32>
    %div3A_129 = arith.constant 1.280000e+02 : f32
    %div3A_130 = vector.broadcast %div3A_129 : f32 to vector<8x1xf32>
    %div3A_131 = arith.divf %add3A_128, %div3A_130 : vector<8x1xf32>
    %floor3A = math.floor %div3A_131 : vector<8x1xf32>
    %mul3A = arith.constant 1.280000e+02 : f32
    %mul3A_132 = vector.broadcast %mul3A : f32 to vector<8x1xf32>
    %mul3A_133 = arith.mulf %floor3A, %mul3A_132 : vector<8x1xf32>
    %iota3A_134 = tpu.iota {dimensions = array<i32: 0>} : vector<8x8xi32>
    %iota3A_135 = tpu.iota {dimensions = array<i32: 1>} : vector<8x8xi32>
    %lt3A_136 = arith.cmpi slt, %iota3A_135, %iota3A_134 : vector<8x8xi32>
    %convert_element_type3A_137 = arith.extui %lt3A_136 : vector<8x8xi1> to vector<8x8xi32>
    %convert_element_type3A_138 = arith.sitofp %convert_element_type3A_137 : vector<8x8xi32> to vector<8x8xf32>
    %dot_general3A_139 = arith.constant dense<0.000000e+00> : vector<8x1xf32>
    %dot_general3A_140 = tpu.matmul %convert_element_type3A_138, %mul3A_133, %dot_general3A_139 {dimension_numbers = #tpu.dot_dimension_numbers<[1], [0], [0], [1], [0, 0, 1, 1], [], []>, transpose_lhs_hint = false} : vector<8x8xf32>, vector<8x1xf32>, vector<8x1xf32> -> vector<8x1xf32>
    %add3A_141 = arith.addf %dot_general3A_140, %mul3A_133 : vector<8x1xf32>
    %iota3A_142 = tpu.iota {dimensions = array<i32: 1>} : vector<8x40xi32>
    %convert_element_type3A_143 = arith.sitofp %iota3A_142 : vector<8x40xi32> to vector<8x40xf32>
    %mul3A_144 = arith.constant 1.280000e+02 : f32
    %mul3A_145 = vector.broadcast %mul3A_144 : f32 to vector<8x40xf32>
    %mul3A_146 = arith.mulf %convert_element_type3A_143, %mul3A_145 : vector<8x40xf32>
    %broadcast_in_dim3A_147 = vector.shape_cast %add3A_141 : vector<8x1xf32> to vector<8x1xf32>
    %broadcast_in_dim3A_148 = vector.broadcast %broadcast_in_dim3A_147 : vector<8x1xf32> to vector<8x40xf32>
    %ge3A = arith.cmpf oge, %mul3A_146, %broadcast_in_dim3A_148 : vector<8x40xf32>
    %convert_element_type3A_149 = arith.extui %ge3A : vector<8x40xi1> to vector<8x40xi32>
    %reduce_sum3A_150 = arith.constant dense<0> : vector<40xi32>
    %reduce_sum3A_151 = vector.multi_reduction <add>, %convert_element_type3A_149, %reduce_sum3A_150 [0] : vector<8x40xi32> to vector<40xi32>
    %broadcast_in_dim3A_152 = vector.shape_cast %reduce_sum3A_151 : vector<40xi32> to vector<1x40xi32>
    %min3A = arith.constant 7 : i32
    %min3A_153 = vector.broadcast %min3A : i32 to vector<1x40xi32>
    %min3A_154 = arith.minsi %broadcast_in_dim3A_152, %min3A_153 : vector<1x40xi32>
    %swap3A_155 = arith.constant 0 : index
    %swap3A_156 = arith.constant 0 : index
    %swap3A_157 = vector.load %arg4[%swap3A_155, %swap3A_156] : memref<1x40xi32, #tpu.memory_space<vmem>>, vector<1x40xi32>
    tpu.vector_store %arg4[%swap3A_155, %swap3A_156], %min3A_154 {strides = array<i32>} : memref<1x40xi32, #tpu.memory_space<vmem>>, vector<1x40xi32>,
    %add3A_158 = arith.addf %dot_general3A_140, %add3A_125 : vector<8x1xf32>
    %broadcast_in_dim3A_159 = vector.shape_cast %add3A_158 : vector<8x1xf32> to vector<8x1xf32>
    %broadcast_in_dim3A_160 = vector.broadcast %broadcast_in_dim3A_159 : vector<8x1xf32> to vector<8x40xf32>
    %ge3A_161 = arith.cmpf oge, %mul3A_146, %broadcast_in_dim3A_160 : vector<8x40xf32>
    %convert_element_type3A_162 = arith.extui %ge3A_161 : vector<8x40xi1> to vector<8x40xi32>
    %reduce_sum3A_163 = arith.constant dense<0> : vector<40xi32>
    %reduce_sum3A_164 = vector.multi_reduction <add>, %convert_element_type3A_162, %reduce_sum3A_163 [0] : vector<8x40xi32> to vector<40xi32>
    %broadcast_in_dim3A_165 = vector.shape_cast %reduce_sum3A_164 : vector<40xi32> to vector<1x40xi32>
    %eq3A_166 = arith.cmpi eq, %broadcast_in_dim3A_165, %broadcast_in_dim3A_152 : vector<1x40xi32>
    %lt3A_167 = arith.constant 8 : i32
    %lt3A_168 = vector.broadcast %lt3A_167 : i32 to vector<1x40xi32>
    %lt3A_169 = arith.cmpi slt, %broadcast_in_dim3A_152, %lt3A_168 : vector<1x40xi32>
    %and3A = arith.andi %eq3A_166, %lt3A_169 : vector<1x40xi1>
    %convert_element_type3A_170 = arith.extui %and3A : vector<1x40xi1> to vector<1x40xi32>
    %swap3A_171 = arith.constant 0 : index
    %swap3A_172 = arith.constant 0 : index
    %swap3A_173 = vector.load %arg5[%swap3A_171, %swap3A_172] : memref<1x40xi32, #tpu.memory_space<vmem>>, vector<1x40xi32>
    tpu.vector_store %arg5[%swap3A_171, %swap3A_172], %convert_element_type3A_170 {strides = array<i32>} : memref<1x40xi32, #tpu.memory_space<vmem>>, vector<1x40xi32>,
    %concatenate3A = tpu.concatenate %add3A_58, %add3A_67, %add3A_76, %add3A_85 in 1 : vector<8x512xf32>, vector<8x512xf32>, vector<8x512xf32>, vector<8x512xf32> -> vector<8x2048xf32>
    %concatenate3A_174 = tpu.concatenate %add3A_94, %add3A_103, %add3A_112, %add3A_121 in 1 : vector<8x512xf32>, vector<8x512xf32>, vector<8x512xf32>, vector<8x512xf32> -> vector<8x2048xf32>
    %add3A_175 = vector.broadcast %dot_general3A_140 : vector<8x1xf32> to vector<8x2048xf32>
    %add3A_176 = arith.addf %add3A_175, %concatenate3A : vector<8x2048xf32>
    %mul3A_177 = arith.mulf %add3A_176, %convert_element_type3A_44 : vector<8x2048xf32>
    %reduce_sum3A_178 = arith.constant dense<0.000000e+00> : vector<2048xf32>
    %reduce_sum3A_179 = vector.multi_reduction <add>, %mul3A_177, %reduce_sum3A_178 [0] : vector<8x2048xf32> to vector<2048xf32>
    %broadcast_in_dim3A_180 = vector.shape_cast %reduce_sum3A_179 : vector<2048xf32> to vector<1x2048xf32>
    %add3A_181 = vector.broadcast %dot_general3A_140 : vector<8x1xf32> to vector<8x2048xf32>
    %add3A_182 = arith.addf %add3A_181, %concatenate3A_174 : vector<8x2048xf32>
    %mul3A_183 = arith.mulf %add3A_182, %convert_element_type3A_48 : vector<8x2048xf32>
    %reduce_sum3A_184 = arith.constant dense<0.000000e+00> : vector<2048xf32>
    %reduce_sum3A_185 = vector.multi_reduction <add>, %mul3A_183, %reduce_sum3A_184 [0] : vector<8x2048xf32> to vector<2048xf32>
    %broadcast_in_dim3A_186 = vector.shape_cast %reduce_sum3A_185 : vector<2048xf32> to vector<1x2048xf32>
    %convert_element_type3A_187 = arith.fptosi %broadcast_in_dim3A_180 : vector<1x2048xf32> to vector<1x2048xi32>
    %swap3A_188 = arith.constant 0 : index
    %swap3A_189 = arith.constant 0 : index
    %swap3A_190 = vector.load %arg2[%swap3A_188, %swap3A_189] : memref<2x2048xi32, #tpu.memory_space<vmem>>, vector<1x2048xi32>
    tpu.vector_store %arg2[%swap3A_188, %swap3A_189], %convert_element_type3A_187 {strides = array<i32>} : memref<2x2048xi32, #tpu.memory_space<vmem>>, vector<1x2048xi32>,
    %convert_element_type3A_191 = arith.fptosi %broadcast_in_dim3A_186 : vector<1x2048xf32> to vector<1x2048xi32>
    %swap3A_192 = arith.constant 1 : index
    %swap3A_193 = arith.constant 0 : index
    %swap3A_194 = vector.load %arg2[%swap3A_192, %swap3A_193] : memref<2x2048xi32, #tpu.memory_space<vmem>>, vector<1x2048xi32>
    tpu.vector_store %arg2[%swap3A_192, %swap3A_193], %convert_element_type3A_191 {strides = array<i32>} : memref<2x2048xi32, #tpu.memory_space<vmem>>, vector<1x2048xi32>,
    %swap3A_195 = arith.constant 0 : index
    %swap3A_196 = arith.constant 0 : index
    %swap3A_197 = vector.load %arg3[%swap3A_195, %swap3A_196] : memref<2x2048xf32, #tpu.memory_space<vmem>>, vector<1x2048xf32>
    tpu.vector_store %arg3[%swap3A_195, %swap3A_196], %broadcast_in_dim3A_19 {strides = array<i32>} : memref<2x2048xf32, #tpu.memory_space<vmem>>, vector<1x2048xf32>,
    %swap3A_198 = arith.constant 1 : index
    %swap3A_199 = arith.constant 0 : index
    %swap3A_200 = vector.load %arg3[%swap3A_198, %swap3A_199] : memref<2x2048xf32, #tpu.memory_space<vmem>>, vector<1x2048xf32>
    tpu.vector_store %arg3[%swap3A_198, %swap3A_199], %broadcast_in_dim3A_32 {strides = array<i32>} : memref<2x2048xf32, #tpu.memory_space<vmem>>, vector<1x2048xf32>,
    return
  }
}

module attributes {stable_mosaic.version = 14 : i64} {
  func.func @_ffn_body(%arg0: i32, %arg1: memref<40xi32, #tpu.memory_space<smem>>, %arg2: memref<40xi32, #tpu.memory_space<smem>>, %arg3: memref<128x384xi32, #tpu.memory_space<vmem>>, %arg4: memref<128x1xf32, #tpu.memory_space<vmem>>, %arg5: memref<1x512x768xf32, #tpu.memory_space<vmem>>, %arg6: memref<1x512x768xf32, #tpu.memory_space<vmem>>, %arg7: memref<1x768x512xf32, #tpu.memory_space<vmem>>, %arg8: memref<128x768xf32, #tpu.memory_space<vmem>>) attributes {dimension_semantics = [#tpu.dimension_semantics<arbitrary>], iteration_bounds = array<i64: 40>, scalar_prefetch = 2 : i64, scratch_operands = 0 : i64, tpu.core_type = #tpu.core_type<tc>, window_params = [{transform_indices = @transform_0, window_bounds = array<i64: 128, 384>}, {transform_indices = @transform_1, window_bounds = array<i64: 128, 1>}, {transform_indices = @transform_2, window_bounds = array<i64: 1, 512, 768>}, {transform_indices = @transform_3, window_bounds = array<i64: 1, 512, 768>}, {transform_indices = @transform_4, window_bounds = array<i64: 1, 768, 512>}, {transform_indices = @transform_5, window_bounds = array<i64: 128, 768>}]} {
    %get3A = arith.index_cast %arg0 : i32 to index
    %get3A_0 = memref.load %arg2[%get3A] : memref<40xi32, #tpu.memory_space<smem>>
    %eq3A = arith.constant 1 : i32
    %eq3A_1 = arith.cmpi eq, %get3A_0, %eq3A : i32
    %convert_element_type3A = arith.extui %eq3A_1 : i1 to i32
    %cond3A = arith.constant 0 : i32
    %cond3A_2 = arith.cmpi ne, %convert_element_type3A, %cond3A : i32
    scf.if %cond3A_2 {
      %get3A_3 = arith.constant 0 : index
      %get3A_4 = arith.constant 0 : index
      %get3A_5 = vector.load %arg3[%get3A_3, %get3A_4] : memref<128x384xi32, #tpu.memory_space<vmem>>, vector<128x384xi32>
      %and3A = arith.constant 65535 : i32
      %and3A_6 = vector.broadcast %and3A : i32 to vector<128x384xi32>
      %and3A_7 = arith.andi %get3A_5, %and3A_6 : vector<128x384xi32>
      %convert_element_type3A_8 = arith.trunci %and3A_7 : vector<128x384xi32> to vector<128x384xi16>
      %bitcast_convert_type3A = tpu.bitcast %convert_element_type3A_8 : vector<128x384xi16> -> vector<128x384xbf16>
      %shift_right_logical3A = arith.constant 16 : i32
      %shift_right_logical3A_9 = vector.broadcast %shift_right_logical3A : i32 to vector<128x384xi32>
      %shift_right_logical3A_10 = arith.shrui %get3A_5, %shift_right_logical3A_9 : vector<128x384xi32>
      %convert_element_type3A_11 = arith.trunci %shift_right_logical3A_10 : vector<128x384xi32> to vector<128x384xi16>
      %bitcast_convert_type3A_12 = tpu.bitcast %convert_element_type3A_11 : vector<128x384xi16> -> vector<128x384xbf16>
      %concatenate3A = tpu.concatenate %bitcast_convert_type3A, %bitcast_convert_type3A_12 in 1 : vector<128x384xbf16>, vector<128x384xbf16> -> vector<128x768xbf16>
      %get3A_13 = arith.constant 0 : index
      %get3A_14 = arith.constant 0 : index
      %get3A_15 = arith.constant 0 : index
      %get3A_16 = vector.load %arg5[%get3A_13, %get3A_14, %get3A_15] : memref<1x512x768xf32, #tpu.memory_space<vmem>>, vector<1x512x768xf32>
      %get3A_17 = vector.shape_cast %get3A_16 : vector<1x512x768xf32> to vector<512x768xf32>
      %dot_general3A = arith.constant dense<0.000000e+00> : vector<128x512xf32>
      %dot_general3A_18 = tpu.matmul %concatenate3A, %get3A_17, %dot_general3A {dimension_numbers = #tpu.dot_dimension_numbers<[1], [1], [0], [0], [0, 0, 1, 0], [], []>, transpose_lhs_hint = false} : vector<128x768xbf16>, vector<512x768xf32>, vector<128x512xf32> -> vector<128x512xf32>
      %get3A_19 = arith.constant 0 : index
      %get3A_20 = arith.constant 0 : index
      %get3A_21 = arith.constant 0 : index
      %get3A_22 = vector.load %arg6[%get3A_19, %get3A_20, %get3A_21] : memref<1x512x768xf32, #tpu.memory_space<vmem>>, vector<1x512x768xf32>
      %get3A_23 = vector.shape_cast %get3A_22 : vector<1x512x768xf32> to vector<512x768xf32>
      %dot_general3A_24 = arith.constant dense<0.000000e+00> : vector<128x512xf32>
      %dot_general3A_25 = tpu.matmul %concatenate3A, %get3A_23, %dot_general3A_24 {dimension_numbers = #tpu.dot_dimension_numbers<[1], [1], [0], [0], [0, 0, 1, 0], [], []>, transpose_lhs_hint = false} : vector<128x768xbf16>, vector<512x768xf32>, vector<128x512xf32> -> vector<128x512xf32>
      %logistic3A = arith.negf %dot_general3A_18 : vector<128x512xf32>
      %logistic3A_26 = math.exp %logistic3A : vector<128x512xf32>
      %logistic3A_27 = arith.constant 1.000000e+00 : f32
      %logistic3A_28 = vector.broadcast %logistic3A_27 : f32 to vector<128x512xf32>
      %logistic3A_29 = arith.addf %logistic3A_28, %logistic3A_26 : vector<128x512xf32>
      %logistic3A_30 = arith.divf %logistic3A_28, %logistic3A_29 : vector<128x512xf32>
      %mul3A = arith.mulf %dot_general3A_18, %logistic3A_30 : vector<128x512xf32>
      %mul3A_31 = arith.mulf %mul3A, %dot_general3A_25 : vector<128x512xf32>
      %get3A_32 = arith.constant 0 : index
      %get3A_33 = arith.constant 0 : index
      %get3A_34 = arith.constant 0 : index
      %get3A_35 = vector.load %arg7[%get3A_32, %get3A_33, %get3A_34] : memref<1x768x512xf32, #tpu.memory_space<vmem>>, vector<1x768x512xf32>
      %get3A_36 = vector.shape_cast %get3A_35 : vector<1x768x512xf32> to vector<768x512xf32>
      %dot_general3A_37 = arith.constant dense<0.000000e+00> : vector<128x768xf32>
      %dot_general3A_38 = tpu.matmul %mul3A_31, %get3A_36, %dot_general3A_37 {dimension_numbers = #tpu.dot_dimension_numbers<[1], [1], [0], [0], [0, 0, 1, 0], [], []>, transpose_lhs_hint = false} : vector<128x512xf32>, vector<768x512xf32>, vector<128x768xf32> -> vector<128x768xf32>
      %get3A_39 = arith.constant 0 : index
      %get3A_40 = arith.constant 0 : index
      %get3A_41 = vector.load %arg4[%get3A_39, %get3A_40] : memref<128x1xf32, #tpu.memory_space<vmem>>, vector<128x1xf32>
      %mul3A_42 = vector.broadcast %get3A_41 : vector<128x1xf32> to vector<128x768xf32>
      %mul3A_43 = arith.mulf %dot_general3A_38, %mul3A_42 : vector<128x768xf32>
      %swap3A = arith.constant 0 : index
      %swap3A_44 = arith.constant 0 : index
      %swap3A_45 = vector.load %arg8[%swap3A, %swap3A_44] : memref<128x768xf32, #tpu.memory_space<vmem>>, vector<128x768xf32>
      tpu.vector_store %arg8[%swap3A, %swap3A_44], %mul3A_43 {strides = array<i32>} : memref<128x768xf32, #tpu.memory_space<vmem>>, vector<128x768xf32>,
    } else {
    }
    return
  }
  func.func @transform_0(%arg0: i32, %arg1: memref<40xi32, #tpu.memory_space<smem>>, %arg2: memref<40xi32, #tpu.memory_space<smem>>) -> (i32, i32) {
    %c0_i32 = arith.constant 0 : i32
    %c0_i32_0 = arith.constant 0 : i32
    return %arg0, %c0_i32 : i32, i32
  }
  func.func @transform_1(%arg0: i32, %arg1: memref<40xi32, #tpu.memory_space<smem>>, %arg2: memref<40xi32, #tpu.memory_space<smem>>) -> (i32, i32) {
    %c0_i32 = arith.constant 0 : i32
    %c0_i32_0 = arith.constant 0 : i32
    return %arg0, %c0_i32 : i32, i32
  }
  func.func @transform_2(%arg0: i32, %arg1: memref<40xi32, #tpu.memory_space<smem>>, %arg2: memref<40xi32, #tpu.memory_space<smem>>) -> (i32, i32, i32) {
    %get3A = arith.index_cast %arg0 : i32 to index
    %get3A_0 = memref.load %arg1[%get3A] : memref<40xi32, #tpu.memory_space<smem>>
    %c0_i32 = arith.constant 0 : i32
    %c0_i32_1 = arith.constant 0 : i32
    %c0_i32_2 = arith.constant 0 : i32
    return %get3A_0, %c0_i32, %c0_i32_1 : i32, i32, i32
  }
  func.func @transform_3(%arg0: i32, %arg1: memref<40xi32, #tpu.memory_space<smem>>, %arg2: memref<40xi32, #tpu.memory_space<smem>>) -> (i32, i32, i32) {
    %get3A = arith.index_cast %arg0 : i32 to index
    %get3A_0 = memref.load %arg1[%get3A] : memref<40xi32, #tpu.memory_space<smem>>
    %c0_i32 = arith.constant 0 : i32
    %c0_i32_1 = arith.constant 0 : i32
    %c0_i32_2 = arith.constant 0 : i32
    return %get3A_0, %c0_i32, %c0_i32_1 : i32, i32, i32
  }
  func.func @transform_4(%arg0: i32, %arg1: memref<40xi32, #tpu.memory_space<smem>>, %arg2: memref<40xi32, #tpu.memory_space<smem>>) -> (i32, i32, i32) {
    %get3A = arith.index_cast %arg0 : i32 to index
    %get3A_0 = memref.load %arg1[%get3A] : memref<40xi32, #tpu.memory_space<smem>>
    %c0_i32 = arith.constant 0 : i32
    %c0_i32_1 = arith.constant 0 : i32
    %c0_i32_2 = arith.constant 0 : i32
    return %get3A_0, %c0_i32, %c0_i32_1 : i32, i32, i32
  }
  func.func @transform_5(%arg0: i32, %arg1: memref<40xi32, #tpu.memory_space<smem>>, %arg2: memref<40xi32, #tpu.memory_space<smem>>) -> (i32, i32) {
    %c0_i32 = arith.constant 0 : i32
    %c0_i32_0 = arith.constant 0 : i32
    return %arg0, %c0_i32 : i32, i32
  }
}

</mosaic_0001>

<sc_bundles>
// kernel: kernel.6.cloned.1.call-start
scs
__scs_entry_jumppad:
0x0: {  	(pc) =	sbr.rel $0x88, $3  }
0x1: {  	(tag) =	ssettag $0x0;
	lr =	simm.s32 $0x1  }
0x2: {  	[smem:$0x3F9C] =	sst lr;
	_ =	strace $0xD0000000  }
0x3: {  	_ = 	snop  }
0x4: {  	_ = 	snop  }
0x5: {  	_ = 	snop  }
0x6: {  	_ = 	snop  }
0x7: {  	_ = 	snop  }
__scs_overlays_trampoline_lowered:
0x8: {  	[smem:$0x3FAB] =	sst s0  }
0x9: {  	[smem:$0x3FAC] =	sst s1  }
0xa: {  	[smem:$0x3FAD] =	sst s2  }
0xb: {  	[smem:$0x3FAE] =	sst s3  }
0xc: {  	[smem:$0x3FAF] =	sst s4  }
0xd: {  	[smem:$0x3FB0] =	sst s5  }
0xe: {  	[smem:$0x3FB1] =	sst s6  }
0xf: {  	[smem:$0x3FB2] =	sst s7  }
0x10: {  	[smem:$0x3FB3] =	sst s8  }
0x11: {  	[smem:$0x3FB4] =	sst s9;
	s0 =	simm.s32 @!p0 $0x0  }
0x12: {  	s1 =	sld [smem:$0x3F9A];
	s0 =	simm.s32 @p0 $0x1  }
0x13: {  	[smem:$0x3FB5] =	sst s0;
	s0 =	simm.s32 @!p1 $0x0  }
0x14: {  	s2 =	sld [smem:$0x3F99];
	s0 =	simm.s32 @p1 $0x1  }
0x15: {  	[smem:$0x3FB6] =	sst s0;
	s0 =	simm.s32 @!p2 $0x0  }
0x16: {  	s3 =	sld [smem:$0x3FDB];
	s0 =	simm.s32 @p2 $0x1  }
0x17: {  	s4 =	simm.s32 $0x1BF5;
	[smem:$0x3FB8] =	sst s0  }
0x18: {  	s0 =	sld [smem:$0x3F9B];
	_ =	swait.ge [sflag:s4], $0x0  }
0x19: {  	s7 =	sld [smem:$0x3F9C]  }
0x1a: {  	s8 =	sadd.s32 $0xFFFFE003, lr  }
0x1b: {  	s9 =	sadd.s32 $0xFFFFFEF7, lr;
	s5 =	simm.s32 $0xFFFFFFFF;
	p2 =	slt.u32 s8, $0xFFFFF086  }
0x1c: {  	p1 =	slt.u32 s9, $0xF7A;
	s5 =	simm.s32 @!p2 $0x0  }
0x1d: {  	s5 =	simm.s32 @p1 $0x1;
	p0 =	seq.s32 s7, s2  }
0x1e: {  	s7 =	smul.u32 @!p0 $0xF7A, s2;
	p2 =	seq.s32 @!p0 s5, $0x0  }
0x1f: {  	s9 =	smul.u32 $0xF7A, s1;
	s8 =	simm.s32 @!p0 $0x1BF5;
	p2 =	por !p2, p0  }
0x20: {  	[sflag:s8] =	ssyncset.s32 @!p0 $0xFFFFF086;
	s6 =	sadd.s32 @!p0 s3, s7;
	s7 =	simm.s32 @!p0 $0x108  }
0x21: {  	s3 =	sadd.s32 s3, s9;
	s6 =	sadd.s32 @!p0 $0x88, s6;
	s7 =	simm.s32 @p2 $0x1082  }
0x22: {  	[simem:s7], [sflag:s8] =	dma.local @!p0 [hbm:s6], $0xF7A  }
0x23: {  	s9 =	sor.u32 $0xD0000000, s2;
	s6 =	simm.s32 $0x108;
	_ =	swait.ge @!p0 [sflag:s8], $0x0  }
0x24: {  	s3 =	sadd.s32 $0x88, s3;
	s6 =	simm.s32 @!p1 $0x1082;
	[sflag:s4] =	ssyncset.s32 $0xFFFFF086  }
0x25: {  	[simem:s6], [sflag:s4] =	dma.local [hbm:s3], $0xF7A  }
0x26: {  	[smem:$0x3F9C] =	sst s1;
	(tag) =	ssettag s2;
	_ =	strace s9  }
0x27: {  	s1 =	sld [smem:$0x3FAC]  }
0x28: {  	s2 =	sld [smem:$0x3FAD]  }
0x29: {  	s4 =	sld [smem:$0x3FAF]  }
0x2a: {  	p0 =	seq.s32 s5, $0x0;
	s5 =	sld [smem:$0x3FB0]  }
0x2b: {  	s6 =	sld [smem:$0x3FB1]  }
0x2c: {  	s7 =	sld [smem:$0x3FB2]  }
0x2d: {  	s3 =	simm.s32 $0x108;
	s8 =	sld [smem:$0x3FB3]  }
0x2e: {  	s3 =	simm.s32 @!p0 $0x1082;
	s9 =	sld [smem:$0x3FB4]  }
0x2f: {  	lr =	sadd.s32 s0, s3;
	s0 =	sld [smem:$0x3FAB]  }
0x30: {  	s3 =	sld [smem:$0x3FAE]  }
0x31: {  	[smem:$0x3FB7] =	sst s10  }
0x32: {  	s10 =	sld [smem:$0x3FB5];
	_ =	sdelay $0x3  }
0x33: {  	p0 =	seq.s32 s10, $0x1;
	s10 =	sld [smem:$0x3FB7];
	_ =	sdelay $0x3  }
0x34: {  	[smem:$0x3FB7] =	sst s10  }
0x35: {  	s10 =	sld [smem:$0x3FB6];
	_ =	sdelay $0x3  }
0x36: {  	p1 =	seq.s32 s10, $0x1;
	s10 =	sld [smem:$0x3FB7];
	_ =	sdelay $0x3  }
0x37: {  	[smem:$0x3FB7] =	sst s10  }
0x38: {  	s10 =	sld [smem:$0x3FB8]  }
0x39: {  	_ = 	snop;
	(pc) =	sbr.ind lr, $3  }
0x3a: {  	_ = 	snop  }
0x3b: {  	_ = 	snop  }
0x3c: {  	p2 =	seq.s32 s10, $0x1;
	s10 =	sld [smem:$0x3FB7]  }
0x3d: {  	_ =	shalt  }
0x3e: {  	_ =	shalt  }
0x3f: {  	_ =	shalt  }
0x40: {  	_ =	shalt  }
0x41: {  	_ =	shalt  }
0x42: {  	_ =	shalt  }
0x43: {  	_ =	shalt  }
0x44: {  	_ =	shalt  }
0x45: {  	_ =	shalt  }
0x46: {  	_ =	shalt  }
0x47: {  	_ =	shalt  }
0x48: {  	_ =	shalt  }
0x49: {  	_ =	shalt  }
0x4a: {  	_ =	shalt  }
0x4b: {  	_ =	shalt  }
0x4c: {  	_ =	shalt  }
0x4d: {  	_ =	shalt  }
0x4e: {  	_ =	shalt  }
0x4f: {  	_ =	shalt  }
0x50: {  	_ =	shalt  }
0x51: {  	_ =	shalt  }
0x52: {  	_ =	shalt  }
0x53: {  	_ =	shalt  }
0x54: {  	_ =	shalt  }
0x55: {  	_ =	shalt  }
0x56: {  	_ =	shalt  }
0x57: {  	_ =	shalt  }
0x58: {  	_ =	shalt  }
0x59: {  	_ =	shalt  }
0x5a: {  	_ =	shalt  }
0x5b: {  	_ =	shalt  }
0x5c: {  	_ =	shalt  }
0x5d: {  	_ =	shalt  }
0x5e: {  	_ =	shalt  }
0x5f: {  	_ =	shalt  }
0x60: {  	_ =	shalt  }
0x61: {  	_ =	shalt  }
0x62: {  	_ =	shalt  }
0x63: {  	_ =	shalt  }
0x64: {  	_ =	shalt  }
0x65: {  	_ =	shalt  }
0x66: {  	_ =	shalt  }
0x67: {  	_ =	shalt  }
0x68: {  	_ =	shalt  }
0x69: {  	_ =	shalt  }
0x6a: {  	_ =	shalt  }
0x6b: {  	_ =	shalt  }
0x6c: {  	_ =	shalt  }
0x6d: {  	_ =	shalt  }
0x6e: {  	_ =	shalt  }
0x6f: {  	_ =	shalt  }
0x70: {  	_ =	shalt  }
0x71: {  	_ =	shalt  }
0x72: {  	_ =	shalt  }
0x73: {  	_ =	shalt  }
0x74: {  	_ =	shalt  }
0x75: {  	_ =	shalt  }
0x76: {  	_ =	shalt  }
0x77: {  	_ =	shalt  }
0x78: {  	_ =	shalt  }
0x79: {  	_ =	shalt  }
0x7a: {  	_ =	shalt  }
0x7b: {  	_ =	shalt  }
0x7c: {  	_ =	shalt  }
0x7d: {  	_ =	shalt  }
0x7e: {  	_ =	shalt  }
0x7f: {  	_ =	shalt  }
0x80: {  	_ =	shalt  }
0x81: {  	_ =	shalt  }
0x82: {  	_ =	shalt  }
0x83: {  	_ =	shalt  }
0x84: {  	_ =	shalt  }
0x85: {  	_ =	shalt  }
0x86: {  	_ =	shalt  }
0x87: {  	_ =	shalt  }
.Lfunc_end0:
.L_simem_size_0:
called_computation_lowered:
.L_overlay_start_0:
0x88: {  	s2 =	sld [smem:$0x3FD9]  }
0x89: {  	s3 =	sld [smem:$0x3FFE];
	_ =	sdelay $0x1  }
0x8a: {  	s1 =	srdreg.scid  }
0x8b: {  	s0 =	sand.u32 $0x1, s1  }
0x8c: {  	s17 =	sshll.u32 s0, $0xA;
	s2 =	sadd.s32 s3, s2  }
0x8d: {  	s2 =	sadd.s32 s2, s17  }
0x8e: {  	[smem:$0x3FC3] =	sst s2  }
0x8f: {  	_ = 	snop  }
0x90: {  	s2 =	sld [smem:$0x3FD0];
	(tm) =	ssettm $0x1  }
0x91: {  	s18 =	sld [smem:$0x3FFB];
	_ =	sdelay $0x3  }
0x92: {  	_ =	strace s18  }
0x93: {  	s3 =	sld [smem:$0x3FFC];
	_ =	sdelay $0x3  }
0x94: {  	_ =	strace s3  }
0x95: {  	s3 =	sld [smem:$0x3FFD];
	_ =	sdelay $0x3  }
0x96: {  	_ =	strace s3  }
0x97: {  	_ =	strace $0x8FFFFFFF  }
0x98: {  	s19 =	sld [smem:$0x3FDB];
	_ =	sdelay $0x1  }
0x99: {  	s4 =	simm.s32 $_scs_section_size  }
0x9a: {  	s5 =	simm.s32 $_size__tile_overlayer_lowered;
	s6 =	simm.s32 $_tile_overlayer_lowered  }
0x9b: {  	s22 =	simm.s32 $0x1BFF;
	s21 =	sshll.u32 s6, $0x1;
	s3 =	sadd.s32 s4, s19  }
0x9c: {  	s7 =	simm.s32 $0x0;
	s20 =	sshll.u32 s5, $0x1;
	s5 =	sadd.s32 s21, s3  }
0x9d: {  	[timem:s7], [sflag:s22] =	dma.local [hbm:s5], s20  }
0x9e: {  	_ =	swait.ge [sflag:s22], s20  }
0x9f: {  	s4 =	ssub.s32 $0x0, s20;
	[sflag:s22] =	ssyncset.done $0x0  }
0xa0: {  	[sflag:s22] =	ssyncadd.s32 s4;
	_ =	sdelay $0x1  }
0xa1: {  	s23 =	simm.s32 $0x1B8B  }
0xa2: {  	_ =	swait.ge [sflag:s23], $0x1  }
0xa3: {  	[sflag:s23] =	ssyncset.done $0x0  }
0xa4: {  	s25 =	simm.s32 $0x1B8E;
	s24 =	sld [smem:$0x3FFE];
	[sflag:s23] =	ssyncadd.s32 $0xFFFFFFFF  }
0xa5: {  	s26 =	simm.s32 $execute0_lowered;
	[smem:$0x3FD2] =	sst s25  }
0xa6: {  	s5 =	sshll.u32 s26, $0x1;
	_ =	strace $0x80000046;
	[dreg:$0x1] =	wrdreg $0xFFFFFFFF  }
0xa7: {  	s28 =	simm.s32 $_size_execute0_lowered;
	s3 =	sadd.s32 s3, s5;
	[dreg:$0x0] =	wrdreg $0x0  }
0xa8: {  	s5 =	sshll.u32 s28, $0x1;
	[dreg:$0x2] =	wrdreg s3  }
0xa9: {  	[dreg:$0x3] =	wrdreg s5  }
0xaa: {  	[dreg:$0x4] =	wrdreg $0xC0  }
0xab: {  	_ =	task [dreg:s7], $0x5FFFF  }
0xac: {  	[dreg:$0x1] =	wrdreg $0xFFFFFFFF  }
0xad: {  	[dreg:$0x0] =	wrdreg $0x60  }
0xae: {  	[dreg:$0x2] =	wrdreg s2  }
0xaf: {  	[dreg:$0x3] =	wrdreg s24  }
0xb0: {  	[dreg:$0x4] =	wrdreg $0x9  }
0xb1: {  	_ =	task.clear_ibuf [dreg:s7], $0x5FFFF;
	_ =	strace $0x90000046  }
0xb2: {  	s29 =	simm.s32 $0x9;
	_ =	strace $0x80000048  }
0xb3: {  	_ =	swait.ge [sflag:s29], $0x1  }
0xb4: {  	[sflag:s29] =	ssyncadd.s32 $0xFFFFFFFF  }
0xb5: {  	_ =	strace $0x90000048  }
0xb6: {  	_ =	sfence  }
0xb7: {  	s30 =	sld [smem:$0x0];
	_ =	sdelay $0x2  }
0xb8: {  	s31 =	sshll.u32 s1, $0xD;
	s1 =	sshrl.u32 s1, $0x2  }
0xb9: {  	s3 =	sand.u32 $0x4000, s31;
	s1 =	sadd.s32 s1, s30  }
0xba: {  	s0 =	sor.u32 s3, s0;
	s1 =	sshll.u32 s1, $0x11  }
0xbb: {  	s0 =	sor.u32 s1, s0  }
0xbc: {  	s0 =	sadd.s32 $0x8F2B, s0  }
0xbd: {  	[sflag:s0] =	ssyncadd.remote.s32 $0x1  }
0xbe: {  	_ =	sfence.sel $0xFFFF  }
0xbf: {  	[dreg:$0x0] =	wrdreg $0xFFFFFFFF;
	(pc) =	sbr.abs _section_cstart, $3  }
0xc0: {  	[dreg:$0x1] =	wrdreg $0xFFFFFFFF  }
0xc1: {  	_ =	task.clear_ibuf [dreg:s7], $0x2FFFF;
	_ =	strace $0x9FFFFFFF  }
0xc2: {  	(tm) =	ssettm $0x7FFFFFFF  }
0xc3: {  	_ =	shalt  }
tec
execute0_lowered:
.L_overlay_start_1:
0x0: {  	(tag) =	ssettag $0x1  }
0x1: {  	s4 =	rddreg [dreg:$0x0];
	s2 =	srdreg.scid  }
0x2: {  	s0 =	rddreg [dreg:$0x1];
	s5 =	sand.u32 $0x1, s2;
	s2 =	simm.s32 $0x0  }
0x3: {  	s7 =	sadd.s32 $0x1A00, s0;
	[smem:$0x7FF] =	sst s2  }
0x4: {  	s24 =	simm.s32 $0x100;
	_ =	strace $0x80000047;
	[dreg:$0x3] =	wrdreg s7  }
0x5: {  	s25 =	simm.s32 $0x180;
	[dreg:$0x13] =	wrdreg s24  }
0x6: {  	s26 =	simm.s32 $0x200;
	[dreg:$0x14] =	wrdreg s25  }
0x7: {  	s29 =	simm.s32 $0x280;
	[dreg:$0x15] =	wrdreg s26  }
0x8: {  	s30 =	simm.s32 $0x300;
	[dreg:$0x16] =	wrdreg s29  }
0x9: {  	s31 =	simm.s32 $0x380;
	[dreg:$0x17] =	wrdreg s30  }
0xa: {  	[dreg:$0x18] =	wrdreg s31;
	s24 =	simm.s32 $0x8500  }
0xb: {  	s1 =	stileid.u32;
	s25 =	simm.s32 $0x8900;
	[smem:$0x7F8] =	sst s24  }
0xc: {  	s3 =	sshll.u32 s1, $0x5;
	s26 =	simm.s32 $0x9100;
	[smem:$0x7F9] =	sst s25  }
0xd: {  	s6 =	sshll.u32 s5, $0x4;
	s29 =	simm.s32 $0x9D00;
	[smem:$0x7FA] =	sst s26  }
0xe: {  	s3 =	sor.u32 s6, s3;
	s30 =	simm.s32 $0xA100;
	[smem:$0x7FB] =	sst s29  }
0xf: {  	s31 =	simm.s32 $0xA900;
	s6 =	sadd.s32 s3, s0;
	[smem:$0x7FC] =	sst s30  }
0x10: {  	[smem:$0x7FD] =	sst s31;
	s9 =	sadd.s32 $0x1602, s6  }
0x11: {  	s28 =	simm.s32 $0x8;
	s10 =	sadd.s32 $0x1604, s6;
	[dreg:$0x4] =	wrdreg s9  }
0x12: {  	s5 =	ssub.s32 $0x2, s5;
	s11 =	sadd.s32 $0x1606, s6;
	[dreg:$0x5] =	wrdreg s10  }
0x13: {  	s1 =	sshrl.u32 s5, $0x1;
	s12 =	sadd.s32 $0x1608, s6;
	[dreg:$0x6] =	wrdreg s11  }
0x14: {  	s3 =	sand.u32 $0xF0, s3;
	s13 =	sadd.s32 $0x160A, s6;
	[dreg:$0x7] =	wrdreg s12  }
0x15: {  	s24 =	simm.s32 $0x5;
	s14 =	sadd.s32 $0x160C, s6;
	[dreg:$0x8] =	wrdreg s13  }
0x16: {  	s25 =	simm.s32 $0x6;
	s15 =	sadd.s32 $0x160E, s6;
	[dreg:$0x9] =	wrdreg s14  }
0x17: {  	s26 =	simm.s32 $0x7;
	s16 =	sadd.s32 $0x1800, s6;
	[dreg:$0xa] =	wrdreg s15  }
0x18: {  	s8 =	smul.u32 $0x180, s3;
	[dreg:$0xb] =	wrdreg s16;
	s10 =	simm.s32 $0x1100  }
0x19: {  	s9 =	smul.u32 $0xC00, s3;
	s11 =	simm.s32 $0x1900;
	[dreg:$0x1a] =	wrdreg s10  }
0x1a: {  	s12 =	simm.s32 $0x2500;
	s13 =	simm.s32 $0x2900;
	[dreg:$0x1b] =	wrdreg s11  }
0x1b: {  	s14 =	simm.s32 $0x3100;
	s15 =	simm.s32 $0x3D00;
	[dreg:$0x1c] =	wrdreg s12  }
0x1c: {  	s16 =	simm.s32 $0x4100;
	s3 =	sadd.s32 s4, s8;
	[dreg:$0x1d] =	wrdreg s13  }
0x1d: {  	s8 =	ssub.s32 s5, s1;
	s5 =	sadd.s32 $0x1600, s6;
	[dreg:$0x1e] =	wrdreg s14  }
0x1e: {  	s6 =	sadd.s32 $0x1F00, s0;
	s10 =	simm.s32 $0x480;
	[dreg:$0x1f] =	wrdreg s15  }
0x1f: {  	s11 =	simm.s32 $0x500;
	[smem:$0x7F0] =	sst s16;
	s17 =	sadd.s32 $0x300, s3  }
0x20: {  	s12 =	simm.s32 $0x1D00;
	s19 =	sadd.s32 $0x600, s3;
	[dreg:$0xc] =	wrdreg s17  }
0x21: {  	s18 =	sshrl.u32 s9, $0x3;
	s9 =	simm.s32 $0xD00;
	[dreg:$0xd] =	wrdreg s19  }
0x22: {  	s13 =	simm.s32 $0x3500;
	[dreg:$0x19] =	wrdreg s9;
	s17 =	simm.s32 $0x4900  }
0x23: {  	s4 =	sadd.s32 s4, s18;
	s18 =	simm.s32 $0x5500;
	[smem:$0x7F1] =	sst s17  }
0x24: {  	s14 =	simm.s32 $0x4D00;
	s19 =	simm.s32 $0x5900;
	[smem:$0x7F2] =	sst s18  }
0x25: {  	s15 =	simm.s32 $0x6500;
	s20 =	sadd.s32 $0x900, s4;
	[smem:$0x7F3] =	sst s19  }
0x26: {  	s16 =	simm.s32 $0x7D00;
	s21 =	sadd.s32 $0xC00, s4;
	[dreg:$0xe] =	wrdreg s20  }
0x27: {  	s7 =	smax.u32 s8, $0x1;
	s22 =	sadd.s32 $0xF00, s4;
	[dreg:$0xf] =	wrdreg s21  }
0x28: {  	s8 =	simm.s32 $0x80;
	s23 =	sadd.s32 $0x1200, s4;
	[dreg:$0x10] =	wrdreg s22  }
0x29: {  	s9 =	simm.s32 $0x400;
	s4 =	sadd.s32 $0x1500, s4;
	[dreg:$0x11] =	wrdreg s23  }
0x2a: {  	s17 =	simm.s32 $0x9500;
	[dreg:$0x12] =	wrdreg s4;
	s20 =	simm.s32 $0x6100  }
0x2b: {  	s18 =	simm.s32 $0xAD00;
	s21 =	simm.s32 $0x6D00;
	[smem:$0x7F4] =	sst s20  }
0x2c: {  	s19 =	simm.s32 $0xA;
	s22 =	simm.s32 $0x7100;
	[smem:$0x7F5] =	sst s21  }
0x2d: {  	v2 =	vlaneseq.u32;
	s4 =	sadd.s32 $0x1E00, s0;
	s23 =	simm.s32 $0x7900;
	[smem:$0x7F6] =	sst s22  }
0x2e: {  	vm0 =	vmmov $0xffff;
	vm1 =	vmmov $0xff;
	v1 =	vshrl.u32 v2, $0x3;
	s0 =	simm.s32 $0x9;
	[smem:$0x7F7] =	sst s23;
	s20 =	simm.s32 $0x1  }
0x2f: {  	v0 =	vand.u32 $0x7, v2;
	v2 =	vor.u32 $0x8, v2;
	v1 =	vmul.u32 $0x8, v1;
	s21 =	simm.s32 $0x2;
	s22 =	simm.s32 $0x3;
	s23 =	simm.s32 $0x4  }
.LBB2_1:
0x30: {  	s1 =	rddreg [dreg:$0x4]  }
0x31: {  	[tilespmem:s2], [sflag:$0xA] =	stream.linear.gather [hbm4b:s5+s2], $0x10, $0x38;
	[tilespmem:$0xC500] =	vst v63  }
0x32: {  	s29 =	rddreg [dreg:$0x13]  }
0x33: {  	s30 =	rddreg [dreg:$0x6]  }
0x34: {  	s31 =	rddreg [dreg:$0x14]  }
0x35: {  	[tilespmem:s8], [sflag:$0xA] =	stream.linear.gather [hbm4b:s1+s2], $0x10, $0x38;
	[tilespmem:$0xC500] =	vst v63  }
0x36: {  	s1 =	rddreg [dreg:$0x5]  }
0x37: {  	[tilespmem:s29], [sflag:$0xA] =	stream.linear.gather [hbm4b:s1+s2], $0x10, $0x38;
	[tilespmem:$0xC500] =	vst v63  }
0x38: {  	s1 =	rddreg [dreg:$0x7]  }
0x39: {  	s29 =	rddreg [dreg:$0x15]  }
0x3a: {  	[tilespmem:s31], [sflag:$0xA] =	stream.linear.gather [hbm4b:s30+s2], $0x10, $0x38;
	[tilespmem:$0xC500] =	vst v63  }
0x3b: {  	s30 =	rddreg [dreg:$0x8]  }
0x3c: {  	s31 =	rddreg [dreg:$0x16]  }
0x3d: {  	[tilespmem:s29], [sflag:$0xA] =	stream.linear.gather [hbm4b:s1+s2], $0x10, $0x38;
	[tilespmem:$0xC500] =	vst v63  }
0x3e: {  	s1 =	rddreg [dreg:$0x9]  }
0x3f: {  	s29 =	rddreg [dreg:$0x17]  }
0x40: {  	[tilespmem:s31], [sflag:$0xA] =	stream.linear.gather [hbm4b:s30+s2], $0x10, $0x38;
	[tilespmem:$0xC500] =	vst v63  }
0x41: {  	s30 =	rddreg [dreg:$0xa]  }
0x42: {  	[tilespmem:s29], [sflag:$0xA] =	stream.linear.gather [hbm4b:s1+s2], $0x10, $0x38;
	[tilespmem:$0xC500] =	vst v63  }
0x43: {  	s31 =	rddreg [dreg:$0x18]  }
0x44: {  	[tilespmem:s31], [sflag:$0xA] =	stream.linear.gather [hbm4b:s30+s2], $0x10, $0x38;
	[tilespmem:$0xC500] =	vst v63  }
0x45: {  	_ = 	snop  }
0x46: {  	[tilespmem:s9], [sflag:$0xA] =	stream.linear.gather [hbm4b:s5+s2], $0x80, $0x38;
	[tilespmem:$0xC500] =	vst v63  }
0x47: {  	s30 =	rddreg [dreg:$0xb]  }
0x48: {  	[tilespmem:s10], [sflag:$0xA] =	stream.linear.gather [hbm4b:s30+s2], $0x80, $0x38;
	[tilespmem:$0xC500] =	vst v63  }
0x49: {  	_ = 	snop  }
0x4a: {  	[tilespmem:s11], [sflag:$0x1] =	stream.linear.gather [hbm4b:s3+s2], $0x1800, $0x38;
	[tilespmem:$0xC500] =	vst v63  }
0x4b: {  	s31 =	rddreg [dreg:$0xc]  }
0x4c: {  	[tilespmem:s12], [sflag:$0x2] =	stream.linear.gather [hbm4b:s31+s2], $0x1800, $0x38;
	[tilespmem:$0xC500] =	vst v63  }
0x4d: {  	s30 =	rddreg [dreg:$0xd]  }
0x4e: {  	[tilespmem:s13], [sflag:$0x3] =	stream.linear.gather [hbm4b:s30+s2], $0x1800, $0x38;
	[tilespmem:$0xC500] =	vst v63  }
0x4f: {  	s31 =	rddreg [dreg:$0xe]  }
0x50: {  	[tilespmem:s14], [sflag:$0x4] =	stream.linear.gather [hbm4b:s31+s2], $0x1800, $0x38;
	[tilespmem:$0xC500] =	vst v63  }
0x51: {  	s30 =	rddreg [dreg:$0xf]  }
0x52: {  	[tilespmem:s15], [sflag:$0x5] =	stream.linear.gather [hbm4b:s30+s2], $0x1800, $0x38;
	[tilespmem:$0xC500] =	vst v63  }
0x53: {  	s31 =	rddreg [dreg:$0x10]  }
0x54: {  	[tilespmem:s16], [sflag:$0x6] =	stream.linear.gather [hbm4b:s31+s2], $0x1800, $0x38;
	[tilespmem:$0xC500] =	vst v63  }
0x55: {  	s30 =	rddreg [dreg:$0x11]  }
0x56: {  	[tilespmem:s17], [sflag:$0x7] =	stream.linear.gather [hbm4b:s30+s2], $0x1800, $0x38;
	[tilespmem:$0xC500] =	vst v63  }
0x57: {  	s31 =	rddreg [dreg:$0x12]  }
0x58: {  	[tilespmem:s18], [sflag:$0x8] =	stream.linear.gather [hbm4b:s31+s2], $0x1800, $0x38;
	[tilespmem:$0xC500] =	vst v63  }
0x59: {  	_ =	swait.ge [sflag:s19], $0x10  }
0x5a: {  	[sflag:s19] =	ssyncset.done $0x0  }
0x5b: {  	[sflag:s19] =	ssyncadd.s32 $0xFFFFFFF0  }
0x5c: {  	_ =	swait.ge [sflag:s19], $0x10  }
0x5d: {  	[sflag:s19] =	ssyncset.done $0x0  }
0x5e: {  	[sflag:s19] =	ssyncadd.s32 $0xFFFFFFF0  }
0x5f: {  	_ =	swait.ge [sflag:s19], $0x10  }
0x60: {  	[sflag:s19] =	ssyncset.done $0x0  }
0x61: {  	[sflag:s19] =	ssyncadd.s32 $0xFFFFFFF0  }
0x62: {  	_ =	swait.ge [sflag:s19], $0x10  }
0x63: {  	[sflag:s19] =	ssyncset.done $0x0  }
0x64: {  	[sflag:s19] =	ssyncadd.s32 $0xFFFFFFF0  }
0x65: {  	_ =	swait.ge [sflag:s19], $0x10  }
0x66: {  	[sflag:s19] =	ssyncset.done $0x0  }
0x67: {  	[sflag:s19] =	ssyncadd.s32 $0xFFFFFFF0  }
0x68: {  	_ =	swait.ge [sflag:s19], $0x10  }
0x69: {  	[sflag:s19] =	ssyncset.done $0x0  }
0x6a: {  	[sflag:s19] =	ssyncadd.s32 $0xFFFFFFF0  }
0x6b: {  	_ =	swait.ge [sflag:s19], $0x10  }
0x6c: {  	[sflag:s19] =	ssyncset.done $0x0  }
0x6d: {  	[sflag:s19] =	ssyncadd.s32 $0xFFFFFFF0  }
0x6e: {  	_ =	swait.ge [sflag:s19], $0x10  }
0x6f: {  	[sflag:s19] =	ssyncset.done $0x0  }
0x70: {  	[sflag:s19] =	ssyncadd.s32 $0xFFFFFFF0  }
0x71: {  	_ =	swait.ge [sflag:s19], $0x80  }
0x72: {  	[sflag:s19] =	ssyncset.done $0x0  }
0x73: {  	[sflag:s19] =	ssyncadd.s32 $0xFFFFFF80  }
0x74: {  	_ =	swait.ge [sflag:s19], $0x80  }
0x75: {  	[sflag:s19] =	ssyncset.done $0x0  }
0x76: {  	s30 =	rddreg [dreg:$0x3];
	[sflag:s19] =	ssyncadd.s32 $0xFFFFFF80  }
0x77: {  	[hbm4b:s30+s8] =	stream.indirect.scatter [tilespmem:s10], [sflag:$0x9], $0x1, s9, s8, $0xb8;
	[tilespmem:$0xC500] =	vst v63  }
0x78: {  	_ =	swait.ge [sflag:s20], $0x1800  }
0x79: {  	[sflag:s20] =	ssyncset.done $0x0  }
0x7a: {  	[sflag:s20] =	ssyncadd.s32 $0xFFFFE800  }
0x7b: {  	v3 =	vld [tilespmem:$0x0];
	_ =	sdelay $0x4  }
0x7c: {  	v4 =	vshrl.u32 v3, $0x3  }
0x7d: {  	v4 =	vmul.u32 $0x18, v4  }
0x7e: {  	v3 =	vand.u32 $0x7, v3  }
0x7f: {  	v3 =	vor.u32 v3, v4  }
0x80: {  	v4 =	vperm.xlane v3, v0;
	_ =	sdelay $0x1  }
0x81: {  	v4 =	vadd.s32 v1, v4;
	_ =	sdelay $0x1  }
0x82: {  	v3 =	vperm.xlane v3, v2;
	_ =	sdelay $0x1  }
0x83: {  	v3 =	vadd.s32 v1, v3  }
0x84: {  	[hbm4b:s4+s2] =	stream.indirect_vreg.scatter [tilespmem:s11], [sflag:$0x9], $0x80, v4, vm0, $0xb8;
	[tilespmem:$0xC500] =	vst v63  }
0x85: {  	s31 =	rddreg [dreg:$0x19]  }
0x86: {  	[hbm4b:s6+s2] =	stream.indirect_vreg.scatter [tilespmem:s31], [sflag:$0x9], $0x80, v4, vm1, $0xb8;
	[tilespmem:$0xC500] =	vst v63  }
0x87: {  	s30 =	rddreg [dreg:$0x1a]  }
0x88: {  	[hbm4b:s4+s2] =	stream.indirect_vreg.scatter [tilespmem:s30], [sflag:$0x9], $0x80, v3, vm0, $0xb8;
	[tilespmem:$0xC500] =	vst v63  }
0x89: {  	s31 =	rddreg [dreg:$0x1b]  }
0x8a: {  	[hbm4b:s6+s2] =	stream.indirect_vreg.scatter [tilespmem:s31], [sflag:$0x9], $0x80, v3, vm1, $0xb8;
	[tilespmem:$0xC500] =	vst v63  }
0x8b: {  	_ =	swait.ge [sflag:s21], $0x1800  }
0x8c: {  	[sflag:s21] =	ssyncset.done $0x0  }
0x8d: {  	[sflag:s21] =	ssyncadd.s32 $0xFFFFE800  }
0x8e: {  	v3 =	vld [tilespmem:$0x80];
	_ =	sdelay $0x4  }
0x8f: {  	v57 =	vshrl.u32 v3, $0x3  }
0x90: {  	v4 =	vmul.u32 $0x18, v57  }
0x91: {  	v3 =	vand.u32 $0x7, v3  }
0x92: {  	v3 =	vor.u32 v3, v4  }
0x93: {  	v4 =	vperm.xlane v3, v0;
	_ =	sdelay $0x1  }
0x94: {  	v4 =	vadd.s32 v1, v4;
	_ =	sdelay $0x1  }
0x95: {  	v3 =	vperm.xlane v3, v2;
	_ =	sdelay $0x1  }
0x96: {  	v3 =	vadd.s32 v1, v3  }
0x97: {  	[hbm4b:s4+s2] =	stream.indirect_vreg.scatter [tilespmem:s12], [sflag:$0x9], $0x80, v4, vm0, $0xb8;
	[tilespmem:$0xC500] =	vst v63  }
0x98: {  	s30 =	rddreg [dreg:$0x1c]  }
0x99: {  	[hbm4b:s6+s2] =	stream.indirect_vreg.scatter [tilespmem:s30], [sflag:$0x9], $0x80, v4, vm1, $0xb8;
	[tilespmem:$0xC500] =	vst v63  }
0x9a: {  	s31 =	rddreg [dreg:$0x1d]  }
0x9b: {  	[hbm4b:s4+s2] =	stream.indirect_vreg.scatter [tilespmem:s31], [sflag:$0x9], $0x80, v3, vm0, $0xb8;
	[tilespmem:$0xC500] =	vst v63  }
0x9c: {  	s30 =	rddreg [dreg:$0x1e]  }
0x9d: {  	[hbm4b:s6+s2] =	stream.indirect_vreg.scatter [tilespmem:s30], [sflag:$0x9], $0x80, v3, vm1, $0xb8;
	[tilespmem:$0xC500] =	vst v63  }
0x9e: {  	_ =	swait.ge [sflag:s22], $0x1800  }
0x9f: {  	[sflag:s22] =	ssyncset.done $0x0  }
0xa0: {  	[sflag:s22] =	ssyncadd.s32 $0xFFFFE800  }
0xa1: {  	v3 =	vld [tilespmem:$0x100];
	_ =	sdelay $0x4  }
0xa2: {  	v58 =	vshrl.u32 v3, $0x3  }
0xa3: {  	v4 =	vmul.u32 $0x18, v58  }
0xa4: {  	v3 =	vand.u32 $0x7, v3  }
0xa5: {  	v3 =	vor.u32 v3, v4  }
0xa6: {  	v4 =	vperm.xlane v3, v0;
	_ =	sdelay $0x1  }
0xa7: {  	v4 =	vadd.s32 v1, v4;
	_ =	sdelay $0x1  }
0xa8: {  	v3 =	vperm.xlane v3, v2;
	_ =	sdelay $0x1  }
0xa9: {  	s31 =	rddreg [dreg:$0x1f];
	v3 =	vadd.s32 v1, v3  }
0xaa: {  	[hbm4b:s4+s2] =	stream.indirect_vreg.scatter [tilespmem:s13], [sflag:$0x9], $0x80, v4, vm0, $0xb8;
	[tilespmem:$0xC500] =	vst v63  }
0xab: {  	s30 =	sld [smem:$0x7F0]  }
0xac: {  	[hbm4b:s6+s2] =	stream.indirect_vreg.scatter [tilespmem:s31], [sflag:$0x9], $0x80, v4, vm1, $0xb8;
	[tilespmem:$0xC500] =	vst v63  }
0xad: {  	s31 =	sld [smem:$0x7F1]  }
0xae: {  	[hbm4b:s4+s2] =	stream.indirect_vreg.scatter [tilespmem:s30], [sflag:$0x9], $0x80, v3, vm0, $0xb8;
	[tilespmem:$0xC500] =	vst v63  }
0xaf: {  	_ = 	snop  }
0xb0: {  	[hbm4b:s6+s2] =	stream.indirect_vreg.scatter [tilespmem:s31], [sflag:$0x9], $0x80, v3, vm1, $0xb8;
	[tilespmem:$0xC500] =	vst v63  }
0xb1: {  	_ =	swait.ge [sflag:s23], $0x1800  }
0xb2: {  	[sflag:s23] =	ssyncset.done $0x0  }
0xb3: {  	[sflag:s23] =	ssyncadd.s32 $0xFFFFE800  }
0xb4: {  	v3 =	vld [tilespmem:$0x180];
	_ =	sdelay $0x4  }
0xb5: {  	v59 =	vshrl.u32 v3, $0x3  }
0xb6: {  	v4 =	vmul.u32 $0x18, v59  }
0xb7: {  	v3 =	vand.u32 $0x7, v3  }
0xb8: {  	v3 =	vor.u32 v3, v4  }
0xb9: {  	v4 =	vperm.xlane v3, v0;
	_ =	sdelay $0x1  }
0xba: {  	v4 =	vadd.s32 v1, v4;
	_ =	sdelay $0x1  }
0xbb: {  	v3 =	vperm.xlane v3, v2;
	_ =	sdelay $0x1  }
0xbc: {  	s30 =	sld [smem:$0x7F2];
	v3 =	vadd.s32 v1, v3  }
0xbd: {  	[hbm4b:s4+s2] =	stream.indirect_vreg.scatter [tilespmem:s14], [sflag:$0x9], $0x80, v4, vm0, $0xb8;
	[tilespmem:$0xC500] =	vst v63  }
0xbe: {  	s31 =	sld [smem:$0x7F3]  }
0xbf: {  	[hbm4b:s6+s2] =	stream.indirect_vreg.scatter [tilespmem:s30], [sflag:$0x9], $0x80, v4, vm1, $0xb8;
	[tilespmem:$0xC500] =	vst v63  }
0xc0: {  	s30 =	sld [smem:$0x7F4]  }
0xc1: {  	[hbm4b:s4+s2] =	stream.indirect_vreg.scatter [tilespmem:s31], [sflag:$0x9], $0x80, v3, vm0, $0xb8;
	[tilespmem:$0xC500] =	vst v63  }
0xc2: {  	_ = 	snop  }
0xc3: {  	[hbm4b:s6+s2] =	stream.indirect_vreg.scatter [tilespmem:s30], [sflag:$0x9], $0x80, v3, vm1, $0xb8;
	[tilespmem:$0xC500] =	vst v63  }
0xc4: {  	_ =	swait.ge [sflag:s24], $0x1800  }
0xc5: {  	[sflag:s24] =	ssyncset.done $0x0  }
0xc6: {  	[sflag:s24] =	ssyncadd.s32 $0xFFFFE800  }
0xc7: {  	v3 =	vld [tilespmem:$0x200];
	_ =	sdelay $0x4  }
0xc8: {  	v60 =	vshrl.u32 v3, $0x3  }
0xc9: {  	v4 =	vmul.u32 $0x18, v60  }
0xca: {  	v3 =	vand.u32 $0x7, v3  }
0xcb: {  	v3 =	vor.u32 v3, v4  }
0xcc: {  	v4 =	vperm.xlane v3, v0;
	_ =	sdelay $0x1  }
0xcd: {  	v4 =	vadd.s32 v1, v4;
	_ =	sdelay $0x1  }
0xce: {  	v3 =	vperm.xlane v3, v2;
	_ =	sdelay $0x1  }
0xcf: {  	s31 =	sld [smem:$0x7F5];
	v3 =	vadd.s32 v1, v3  }
0xd0: {  	[hbm4b:s4+s2] =	stream.indirect_vreg.scatter [tilespmem:s15], [sflag:$0x9], $0x80, v4, vm0, $0xb8;
	[tilespmem:$0xC500] =	vst v63  }
0xd1: {  	s30 =	sld [smem:$0x7F6]  }
0xd2: {  	[hbm4b:s6+s2] =	stream.indirect_vreg.scatter [tilespmem:s31], [sflag:$0x9], $0x80, v4, vm1, $0xb8;
	[tilespmem:$0xC500] =	vst v63  }
0xd3: {  	s31 =	sld [smem:$0x7F7]  }
0xd4: {  	[hbm4b:s4+s2] =	stream.indirect_vreg.scatter [tilespmem:s30], [sflag:$0x9], $0x80, v3, vm0, $0xb8;
	[tilespmem:$0xC500] =	vst v63  }
0xd5: {  	_ = 	snop  }
0xd6: {  	[hbm4b:s6+s2] =	stream.indirect_vreg.scatter [tilespmem:s31], [sflag:$0x9], $0x80, v3, vm1, $0xb8;
	[tilespmem:$0xC500] =	vst v63  }
0xd7: {  	_ =	swait.ge [sflag:s25], $0x1800  }
0xd8: {  	[sflag:s25] =	ssyncset.done $0x0  }
0xd9: {  	[sflag:s25] =	ssyncadd.s32 $0xFFFFE800  }
0xda: {  	v3 =	vld [tilespmem:$0x280];
	_ =	sdelay $0x4  }
0xdb: {  	v61 =	vshrl.u32 v3, $0x3  }
0xdc: {  	v4 =	vmul.u32 $0x18, v61  }
0xdd: {  	v3 =	vand.u32 $0x7, v3  }
0xde: {  	v3 =	vor.u32 v3, v4  }
0xdf: {  	v4 =	vperm.xlane v3, v0;
	_ =	sdelay $0x1  }
0xe0: {  	v4 =	vadd.s32 v1, v4;
	_ =	sdelay $0x1  }
0xe1: {  	v3 =	vperm.xlane v3, v2;
	_ =	sdelay $0x1  }
0xe2: {  	s30 =	sld [smem:$0x7F8];
	v3 =	vadd.s32 v1, v3  }
0xe3: {  	[hbm4b:s4+s2] =	stream.indirect_vreg.scatter [tilespmem:s16], [sflag:$0x9], $0x80, v4, vm0, $0xb8;
	[tilespmem:$0xC500] =	vst v63  }
0xe4: {  	s31 =	sld [smem:$0x7F9]  }
0xe5: {  	[hbm4b:s6+s2] =	stream.indirect_vreg.scatter [tilespmem:s30], [sflag:$0x9], $0x80, v4, vm1, $0xb8;
	[tilespmem:$0xC500] =	vst v63  }
0xe6: {  	s30 =	sld [smem:$0x7FA]  }
0xe7: {  	[hbm4b:s4+s2] =	stream.indirect_vreg.scatter [tilespmem:s31], [sflag:$0x9], $0x80, v3, vm0, $0xb8;
	[tilespmem:$0xC500] =	vst v63  }
0xe8: {  	_ = 	snop  }
0xe9: {  	[hbm4b:s6+s2] =	stream.indirect_vreg.scatter [tilespmem:s30], [sflag:$0x9], $0x80, v3, vm1, $0xb8;
	[tilespmem:$0xC500] =	vst v63  }
0xea: {  	_ =	swait.ge [sflag:s26], $0x1800  }
0xeb: {  	[sflag:s26] =	ssyncset.done $0x0  }
0xec: {  	[sflag:s26] =	ssyncadd.s32 $0xFFFFE800  }
0xed: {  	v3 =	vld [tilespmem:$0x300];
	_ =	sdelay $0x4  }
0xee: {  	v62 =	vshrl.u32 v3, $0x3  }
0xef: {  	v4 =	vmul.u32 $0x18, v62  }
0xf0: {  	v3 =	vand.u32 $0x7, v3  }
0xf1: {  	v3 =	vor.u32 v3, v4  }
0xf2: {  	v4 =	vperm.xlane v3, v0;
	_ =	sdelay $0x1  }
0xf3: {  	v4 =	vadd.s32 v1, v4;
	_ =	sdelay $0x1  }
0xf4: {  	v3 =	vperm.xlane v3, v2;
	_ =	sdelay $0x1  }
0xf5: {  	s31 =	sld [smem:$0x7FB];
	v3 =	vadd.s32 v1, v3  }
0xf6: {  	[hbm4b:s4+s2] =	stream.indirect_vreg.scatter [tilespmem:s17], [sflag:$0x9], $0x80, v4, vm0, $0xb8;
	[tilespmem:$0xC500] =	vst v63  }
0xf7: {  	s30 =	sld [smem:$0x7FC]  }
0xf8: {  	[hbm4b:s6+s2] =	stream.indirect_vreg.scatter [tilespmem:s31], [sflag:$0x9], $0x80, v4, vm1, $0xb8;
	[tilespmem:$0xC500] =	vst v63  }
0xf9: {  	s31 =	sld [smem:$0x7FD]  }
0xfa: {  	[hbm4b:s4+s2] =	stream.indirect_vreg.scatter [tilespmem:s30], [sflag:$0x9], $0x80, v3, vm0, $0xb8;
	[tilespmem:$0xC500] =	vst v63  }
0xfb: {  	_ = 	snop  }
0xfc: {  	[hbm4b:s6+s2] =	stream.indirect_vreg.scatter [tilespmem:s31], [sflag:$0x9], $0x80, v3, vm1, $0xb8;
	[tilespmem:$0xC500] =	vst v63  }
0xfd: {  	_ =	swait.ge [sflag:s28], $0x1800  }
0xfe: {  	[sflag:s28] =	ssyncset.done $0x0  }
0xff: {  	[sflag:s28] =	ssyncadd.s32 $0xFFFFE800  }
0x100: {  	v3 =	vld [tilespmem:$0x380];
	_ =	sdelay $0x4  }
0x101: {  	v63 =	vshrl.u32 v3, $0x3  }
0x102: {  	v4 =	vmul.u32 $0x18, v63  }
0x103: {  	v3 =	vand.u32 $0x7, v3  }
0x104: {  	v3 =	vor.u32 v3, v4  }
0x105: {  	v4 =	vperm.xlane v3, v0;
	_ =	sdelay $0x1  }
0x106: {  	v4 =	vadd.s32 v1, v4;
	_ =	sdelay $0x1  }
0x107: {  	v3 =	vperm.xlane v3, v2;
	_ =	sdelay $0x1  }
0x108: {  	v3 =	vadd.s32 v1, v3  }
0x109: {  	[hbm4b:s4+s2] =	stream.indirect_vreg.scatter [tilespmem:s18], [sflag:$0x9], $0x80, v4, vm0, $0xb8;
	[tilespmem:$0xC500] =	vst v63  }
0x10a: {  	s29 =	simm.s32 $0xB500  }
0x10b: {  	[hbm4b:s6+s2] =	stream.indirect_vreg.scatter [tilespmem:s29], [sflag:$0x9], $0x80, v4, vm1, $0xb8;
	[tilespmem:$0xC500] =	vst v63  }
0x10c: {  	s30 =	simm.s32 $0xB900  }
0x10d: {  	[hbm4b:s4+s2] =	stream.indirect_vreg.scatter [tilespmem:s30], [sflag:$0x9], $0x80, v3, vm0, $0xb8;
	[tilespmem:$0xC500] =	vst v63  }
0x10e: {  	s31 =	simm.s32 $0xC100  }
0x10f: {  	[hbm4b:s6+s2] =	stream.indirect_vreg.scatter [tilespmem:s31], [sflag:$0x9], $0x80, v3, vm1, $0xb8;
	[tilespmem:$0xC500] =	vst v63  }
0x110: {  	_ =	swait.ge [sflag:s0], $0x1800  }
0x111: {  	[sflag:s0] =	ssyncset.done $0x0  }
0x112: {  	[sflag:s0] =	ssyncadd.s32 $0xFFFFE800  }
0x113: {  	_ =	swait.ge [sflag:s0], $0x1800  }
0x114: {  	[sflag:s0] =	ssyncset.done $0x0  }
0x115: {  	[sflag:s0] =	ssyncadd.s32 $0xFFFFE800  }
0x116: {  	_ =	swait.ge [sflag:s0], $0x1800  }
0x117: {  	[sflag:s0] =	ssyncset.done $0x0  }
0x118: {  	[sflag:s0] =	ssyncadd.s32 $0xFFFFE800  }
0x119: {  	_ =	swait.ge [sflag:s0], $0x1800  }
0x11a: {  	[sflag:s0] =	ssyncset.done $0x0  }
0x11b: {  	[sflag:s0] =	ssyncadd.s32 $0xFFFFE800  }
0x11c: {  	_ =	swait.ge [sflag:s0], $0x1800  }
0x11d: {  	[sflag:s0] =	ssyncset.done $0x0  }
0x11e: {  	[sflag:s0] =	ssyncadd.s32 $0xFFFFE800  }
0x11f: {  	_ =	swait.ge [sflag:s0], $0x1800  }
0x120: {  	[sflag:s0] =	ssyncset.done $0x0  }
0x121: {  	[sflag:s0] =	ssyncadd.s32 $0xFFFFE800  }
0x122: {  	_ =	swait.ge [sflag:s0], $0x1800  }
0x123: {  	[sflag:s0] =	ssyncset.done $0x0  }
0x124: {  	[sflag:s0] =	ssyncadd.s32 $0xFFFFE800  }
0x125: {  	p0 =	sne.s32 s7, $0x1;
	_ =	swait.ge [sflag:s0], $0x1800  }
.Ltmp0:
0x126: {  	[sflag:s0] =	ssyncset.done $0x0;
	(pc) =	sbr.rel @p0 .LBB2_1-.Ltmp0, $4  }
0x127: {  	[sflag:s0] =	ssyncadd.s32 $0xFFFFE800  }
0x128: {  	_ =	swait.ge [sflag:s0], $0x80  }
0x129: {  	[sflag:s0] =	ssyncset.done $0x0  }
0x12a: {  	s7 =	sadd.s32 $0xFFFFFFFF, s7;
	[sflag:s0] =	ssyncadd.s32 $0xFFFFFF80  }
0x12b: {  	_ =	sfence.sel $0x180000  }
0x12c: {  	[bflag:$0x0] =	sbarrier.arrive $0xFFFF  }
0x12d: {  	_ =	strace $0x90000047  }
0x12e: {  	s0 =	stileid.u32;
	[bflag:$0x2] =	sbarrier.arrive $0xFFFF  }
0x12f: {  	p0 =	sne.s32 s0, $0x0;
	s0 =	rddreg [dreg:$0x2]  }
0x130: {  	s0 =	sadd.s32 @!p0 $0x100000, s0  }
0x131: {  	[sflag:s0] =	ssyncadd.tile.s32 @!p0 $0x1;
	_ =	shalt  }
.Lfunc_end2:
_tile_overlayer_lowered:
.L_overlay_start_2:
0x132: {  	(tag) =	ssettag $0x2  }
0x133: {  	s0 =	rddreg [dreg:$0x0];
	s2 =	stileid.u32  }
0x134: {  	s1 =	rddreg [dreg:$0x1];
	p0 =	sne.s32 s2, $0x0  }
0x135: {  	s3 =	rddreg [dreg:$0x2];
	[bflag:$0x3] =	sbarrier.arrive $0xFFFF;
	s2 =	simm.s32 @!p0 $0x1C0B  }
0x136: {  	[timem:s3], [sflag:s2] =	dma.local @!p0 [hbm:s0], s1  }
0x137: {  	s0 =	simm.s32 @!p0 $0xB  }
0x138: {  	_ =	swait.ge @!p0 [sflag:s0], s1  }
0x139: {  	s1 =	ssub.s32 @!p0 $0x0, s1;
	[sflag:s0] =	ssyncset.done @!p0 $0x0  }
0x13a: {  	[sflag:s0] =	ssyncadd.s32 @!p0 s1  }
0x13b: {  	[bflag:$0x3] =	sbarrier.arrive $0xFFFF  }
0x13c: {  	_ =	shalt  }

// kernel: kernel.9.cloned.1.call-start
scs
__scs_entry_jumppad:
0x0: {  	(pc) =	sbr.rel $0x88, $3  }
0x1: {  	(tag) =	ssettag $0x0;
	lr =	simm.s32 $0x1  }
0x2: {  	[smem:$0x3F9C] =	sst lr;
	_ =	strace $0xD0000000  }
0x3: {  	_ = 	snop  }
0x4: {  	_ = 	snop  }
0x5: {  	_ = 	snop  }
0x6: {  	_ = 	snop  }
0x7: {  	_ = 	snop  }
__scs_overlays_trampoline_lowered:
0x8: {  	[smem:$0x3FAB] =	sst s0  }
0x9: {  	[smem:$0x3FAC] =	sst s1  }
0xa: {  	[smem:$0x3FAD] =	sst s2  }
0xb: {  	[smem:$0x3FAE] =	sst s3  }
0xc: {  	[smem:$0x3FAF] =	sst s4  }
0xd: {  	[smem:$0x3FB0] =	sst s5  }
0xe: {  	[smem:$0x3FB1] =	sst s6  }
0xf: {  	[smem:$0x3FB2] =	sst s7  }
0x10: {  	[smem:$0x3FB3] =	sst s8  }
0x11: {  	[smem:$0x3FB4] =	sst s9;
	s0 =	simm.s32 @!p0 $0x0  }
0x12: {  	s1 =	sld [smem:$0x3F9A];
	s0 =	simm.s32 @p0 $0x1  }
0x13: {  	[smem:$0x3FB5] =	sst s0;
	s0 =	simm.s32 @!p1 $0x0  }
0x14: {  	s2 =	sld [smem:$0x3F99];
	s0 =	simm.s32 @p1 $0x1  }
0x15: {  	[smem:$0x3FB6] =	sst s0;
	s0 =	simm.s32 @!p2 $0x0  }
0x16: {  	s3 =	sld [smem:$0x3FDB];
	s0 =	simm.s32 @p2 $0x1  }
0x17: {  	s4 =	simm.s32 $0x1BF5;
	[smem:$0x3FB8] =	sst s0  }
0x18: {  	s0 =	sld [smem:$0x3F9B];
	_ =	swait.ge [sflag:s4], $0x0  }
0x19: {  	s7 =	sld [smem:$0x3F9C]  }
0x1a: {  	s8 =	sadd.s32 $0xFFFFE003, lr  }
0x1b: {  	s9 =	sadd.s32 $0xFFFFFEF7, lr;
	s5 =	simm.s32 $0xFFFFFFFF;
	p2 =	slt.u32 s8, $0xFFFFF086  }
0x1c: {  	p1 =	slt.u32 s9, $0xF7A;
	s5 =	simm.s32 @!p2 $0x0  }
0x1d: {  	s5 =	simm.s32 @p1 $0x1;
	p0 =	seq.s32 s7, s2  }
0x1e: {  	s7 =	smul.u32 @!p0 $0xF7A, s2;
	p2 =	seq.s32 @!p0 s5, $0x0  }
0x1f: {  	s9 =	smul.u32 $0xF7A, s1;
	s8 =	simm.s32 @!p0 $0x1BF5;
	p2 =	por !p2, p0  }
0x20: {  	[sflag:s8] =	ssyncset.s32 @!p0 $0xFFFFF086;
	s6 =	sadd.s32 @!p0 s3, s7;
	s7 =	simm.s32 @!p0 $0x108  }
0x21: {  	s3 =	sadd.s32 s3, s9;
	s6 =	sadd.s32 @!p0 $0x88, s6;
	s7 =	simm.s32 @p2 $0x1082  }
0x22: {  	[simem:s7], [sflag:s8] =	dma.local @!p0 [hbm:s6], $0xF7A  }
0x23: {  	s9 =	sor.u32 $0xD0000000, s2;
	s6 =	simm.s32 $0x108;
	_ =	swait.ge @!p0 [sflag:s8], $0x0  }
0x24: {  	s3 =	sadd.s32 $0x88, s3;
	s6 =	simm.s32 @!p1 $0x1082;
	[sflag:s4] =	ssyncset.s32 $0xFFFFF086  }
0x25: {  	[simem:s6], [sflag:s4] =	dma.local [hbm:s3], $0xF7A  }
0x26: {  	[smem:$0x3F9C] =	sst s1;
	(tag) =	ssettag s2;
	_ =	strace s9  }
0x27: {  	s1 =	sld [smem:$0x3FAC]  }
0x28: {  	s2 =	sld [smem:$0x3FAD]  }
0x29: {  	s4 =	sld [smem:$0x3FAF]  }
0x2a: {  	p0 =	seq.s32 s5, $0x0;
	s5 =	sld [smem:$0x3FB0]  }
0x2b: {  	s6 =	sld [smem:$0x3FB1]  }
0x2c: {  	s7 =	sld [smem:$0x3FB2]  }
0x2d: {  	s3 =	simm.s32 $0x108;
	s8 =	sld [smem:$0x3FB3]  }
0x2e: {  	s3 =	simm.s32 @!p0 $0x1082;
	s9 =	sld [smem:$0x3FB4]  }
0x2f: {  	lr =	sadd.s32 s0, s3;
	s0 =	sld [smem:$0x3FAB]  }
0x30: {  	s3 =	sld [smem:$0x3FAE]  }
0x31: {  	[smem:$0x3FB7] =	sst s10  }
0x32: {  	s10 =	sld [smem:$0x3FB5];
	_ =	sdelay $0x3  }
0x33: {  	p0 =	seq.s32 s10, $0x1;
	s10 =	sld [smem:$0x3FB7];
	_ =	sdelay $0x3  }
0x34: {  	[smem:$0x3FB7] =	sst s10  }
0x35: {  	s10 =	sld [smem:$0x3FB6];
	_ =	sdelay $0x3  }
0x36: {  	p1 =	seq.s32 s10, $0x1;
	s10 =	sld [smem:$0x3FB7];
	_ =	sdelay $0x3  }
0x37: {  	[smem:$0x3FB7] =	sst s10  }
0x38: {  	s10 =	sld [smem:$0x3FB8]  }
0x39: {  	_ = 	snop;
	(pc) =	sbr.ind lr, $3  }
0x3a: {  	_ = 	snop  }
0x3b: {  	_ = 	snop  }
0x3c: {  	p2 =	seq.s32 s10, $0x1;
	s10 =	sld [smem:$0x3FB7]  }
0x3d: {  	_ =	shalt  }
0x3e: {  	_ =	shalt  }
0x3f: {  	_ =	shalt  }
0x40: {  	_ =	shalt  }
0x41: {  	_ =	shalt  }
0x42: {  	_ =	shalt  }
0x43: {  	_ =	shalt  }
0x44: {  	_ =	shalt  }
0x45: {  	_ =	shalt  }
0x46: {  	_ =	shalt  }
0x47: {  	_ =	shalt  }
0x48: {  	_ =	shalt  }
0x49: {  	_ =	shalt  }
0x4a: {  	_ =	shalt  }
0x4b: {  	_ =	shalt  }
0x4c: {  	_ =	shalt  }
0x4d: {  	_ =	shalt  }
0x4e: {  	_ =	shalt  }
0x4f: {  	_ =	shalt  }
0x50: {  	_ =	shalt  }
0x51: {  	_ =	shalt  }
0x52: {  	_ =	shalt  }
0x53: {  	_ =	shalt  }
0x54: {  	_ =	shalt  }
0x55: {  	_ =	shalt  }
0x56: {  	_ =	shalt  }
0x57: {  	_ =	shalt  }
0x58: {  	_ =	shalt  }
0x59: {  	_ =	shalt  }
0x5a: {  	_ =	shalt  }
0x5b: {  	_ =	shalt  }
0x5c: {  	_ =	shalt  }
0x5d: {  	_ =	shalt  }
0x5e: {  	_ =	shalt  }
0x5f: {  	_ =	shalt  }
0x60: {  	_ =	shalt  }
0x61: {  	_ =	shalt  }
0x62: {  	_ =	shalt  }
0x63: {  	_ =	shalt  }
0x64: {  	_ =	shalt  }
0x65: {  	_ =	shalt  }
0x66: {  	_ =	shalt  }
0x67: {  	_ =	shalt  }
0x68: {  	_ =	shalt  }
0x69: {  	_ =	shalt  }
0x6a: {  	_ =	shalt  }
0x6b: {  	_ =	shalt  }
0x6c: {  	_ =	shalt  }
0x6d: {  	_ =	shalt  }
0x6e: {  	_ =	shalt  }
0x6f: {  	_ =	shalt  }
0x70: {  	_ =	shalt  }
0x71: {  	_ =	shalt  }
0x72: {  	_ =	shalt  }
0x73: {  	_ =	shalt  }
0x74: {  	_ =	shalt  }
0x75: {  	_ =	shalt  }
0x76: {  	_ =	shalt  }
0x77: {  	_ =	shalt  }
0x78: {  	_ =	shalt  }
0x79: {  	_ =	shalt  }
0x7a: {  	_ =	shalt  }
0x7b: {  	_ =	shalt  }
0x7c: {  	_ =	shalt  }
0x7d: {  	_ =	shalt  }
0x7e: {  	_ =	shalt  }
0x7f: {  	_ =	shalt  }
0x80: {  	_ =	shalt  }
0x81: {  	_ =	shalt  }
0x82: {  	_ =	shalt  }
0x83: {  	_ =	shalt  }
0x84: {  	_ =	shalt  }
0x85: {  	_ =	shalt  }
0x86: {  	_ =	shalt  }
0x87: {  	_ =	shalt  }
.Lfunc_end0:
.L_simem_size_0:
called_computation.1_lowered:
.L_overlay_start_0:
0x88: {  	s2 =	sld [smem:$0x3FD9]  }
0x89: {  	s3 =	sld [smem:$0x3FFE];
	_ =	sdelay $0x1  }
0x8a: {  	s1 =	srdreg.scid  }
0x8b: {  	s0 =	sand.u32 $0x1, s1  }
0x8c: {  	s17 =	sshll.u32 s0, $0xA;
	s2 =	sadd.s32 s3, s2  }
0x8d: {  	s2 =	sadd.s32 s2, s17  }
0x8e: {  	[smem:$0x3FC3] =	sst s2  }
0x8f: {  	_ = 	snop  }
0x90: {  	s2 =	sld [smem:$0x3FD0];
	(tm) =	ssettm $0x1  }
0x91: {  	s18 =	sld [smem:$0x3FFB];
	_ =	sdelay $0x3  }
0x92: {  	_ =	strace s18  }
0x93: {  	s3 =	sld [smem:$0x3FFC];
	_ =	sdelay $0x3  }
0x94: {  	_ =	strace s3  }
0x95: {  	s3 =	sld [smem:$0x3FFD];
	_ =	sdelay $0x3  }
0x96: {  	_ =	strace s3  }
0x97: {  	_ =	strace $0x8FFFFFFF  }
0x98: {  	s19 =	sld [smem:$0x3FDB];
	_ =	sdelay $0x1  }
0x99: {  	s4 =	simm.s32 $_scs_section_size  }
0x9a: {  	s5 =	simm.s32 $_size__tile_overlayer_lowered;
	s6 =	simm.s32 $_tile_overlayer_lowered  }
0x9b: {  	s22 =	simm.s32 $0x1BFF;
	s21 =	sshll.u32 s6, $0x1;
	s3 =	sadd.s32 s4, s19  }
0x9c: {  	s7 =	simm.s32 $0x0;
	s20 =	sshll.u32 s5, $0x1;
	s5 =	sadd.s32 s21, s3  }
0x9d: {  	[timem:s7], [sflag:s22] =	dma.local [hbm:s5], s20  }
0x9e: {  	_ =	swait.ge [sflag:s22], s20  }
0x9f: {  	s4 =	ssub.s32 $0x0, s20;
	[sflag:s22] =	ssyncset.done $0x0  }
0xa0: {  	[sflag:s22] =	ssyncadd.s32 s4;
	_ =	sdelay $0x1  }
0xa1: {  	s23 =	simm.s32 $0x1B8B  }
0xa2: {  	_ =	swait.ge [sflag:s23], $0x1  }
0xa3: {  	[sflag:s23] =	ssyncset.done $0x0  }
0xa4: {  	s25 =	simm.s32 $0x1B8E;
	s24 =	sld [smem:$0x3FFE];
	[sflag:s23] =	ssyncadd.s32 $0xFFFFFFFF  }
0xa5: {  	s26 =	simm.s32 $execute0_lowered;
	[smem:$0x3FD2] =	sst s25  }
0xa6: {  	s5 =	sshll.u32 s26, $0x1;
	_ =	strace $0x80000049;
	[dreg:$0x1] =	wrdreg $0xFFFFFFFF  }
0xa7: {  	s28 =	simm.s32 $_size_execute0_lowered;
	s3 =	sadd.s32 s3, s5;
	[dreg:$0x0] =	wrdreg $0x0  }
0xa8: {  	s5 =	sshll.u32 s28, $0x1;
	[dreg:$0x2] =	wrdreg s3  }
0xa9: {  	[dreg:$0x3] =	wrdreg s5  }
0xaa: {  	[dreg:$0x4] =	wrdreg $0xC0  }
0xab: {  	_ =	task [dreg:s7], $0x5FFFF  }
0xac: {  	[dreg:$0x1] =	wrdreg $0xFFFFFFFF  }
0xad: {  	[dreg:$0x0] =	wrdreg $0x60  }
0xae: {  	[dreg:$0x2] =	wrdreg s24  }
0xaf: {  	[dreg:$0x3] =	wrdreg s2  }
0xb0: {  	[dreg:$0x4] =	wrdreg $0x9  }
0xb1: {  	_ =	task.clear_ibuf [dreg:s7], $0x5FFFF;
	_ =	strace $0x90000049  }
0xb2: {  	s29 =	simm.s32 $0x9;
	_ =	strace $0x8000004B  }
0xb3: {  	_ =	swait.ge [sflag:s29], $0x1  }
0xb4: {  	[sflag:s29] =	ssyncadd.s32 $0xFFFFFFFF  }
0xb5: {  	_ =	strace $0x9000004B  }
0xb6: {  	_ =	sfence  }
0xb7: {  	s30 =	sld [smem:$0x0];
	_ =	sdelay $0x2  }
0xb8: {  	s31 =	sshll.u32 s1, $0xD;
	s1 =	sshrl.u32 s1, $0x2  }
0xb9: {  	s3 =	sand.u32 $0x4000, s31;
	s1 =	sadd.s32 s1, s30  }
0xba: {  	s0 =	sor.u32 s3, s0;
	s1 =	sshll.u32 s1, $0x11  }
0xbb: {  	s0 =	sor.u32 s1, s0  }
0xbc: {  	s0 =	sadd.s32 $0x8F2B, s0  }
0xbd: {  	[sflag:s0] =	ssyncadd.remote.s32 $0x1  }
0xbe: {  	_ =	sfence.sel $0xFFFF  }
0xbf: {  	[dreg:$0x0] =	wrdreg $0xFFFFFFFF;
	(pc) =	sbr.abs _section_cstart, $3  }
0xc0: {  	[dreg:$0x1] =	wrdreg $0xFFFFFFFF  }
0xc1: {  	_ =	task.clear_ibuf [dreg:s7], $0x2FFFF;
	_ =	strace $0x9FFFFFFF  }
0xc2: {  	(tm) =	ssettm $0x7FFFFFFF  }
0xc3: {  	_ =	shalt  }
tec
execute0_lowered:
.L_overlay_start_1:
0x0: {  	(tag) =	ssettag $0x1  }
0x1: {  	s0 =	rddreg [dreg:$0x0]  }
0x2: {  	s1 =	rddreg [dreg:$0x1]  }
0x3: {  	s3 =	srdreg.scid;
	s2 =	simm.s32 $0x0;
	s4 =	stileid.u32  }
0x4: {  	s10 =	simm.s32 $0x2;
	s12 =	simm.s32 $0x100;
	s25 =	simm.s32 $0x11100  }
0x5: {  	s28 =	simm.s32 $0x12100;
	s29 =	simm.s32 $0x12900;
	s30 =	simm.s32 $0x13100  }
0x6: {  	s31 =	simm.s32 $0x13900;
	s11 =	simm.s32 $0x15100;
	s13 =	simm.s32 $0x15900  }
0x7: {  	s14 =	simm.s32 $0x16100;
	s15 =	simm.s32 $0x16900;
	s16 =	simm.s32 $0x17100  }
0x8: {  	s17 =	simm.s32 $0x17900;
	s18 =	simm.s32 $0x1;
	s19 =	simm.s32 $0x0  }
0x9: {  	s3 =	sand.u32 $0x1, s3;
	[smem:$0x7FF] =	sst s2;
	s4 =	sshll.u32 s4, $0x4  }
0xa: {  	s5 =	sshll.u32 s3, $0x3;
	_ =	strace $0x8000004A;
	s26 =	ssub.s32 $0x2, s3  }
0xb: {  	s3 =	sadd.s32 $0x1800, s0;
	s5 =	sor.u32 s5, s4;
	s7 =	sshrl.u32 s26, $0x1  }
0xc: {  	s6 =	sadd.s32 s5, s0;
	s9 =	ssub.s32 s26, s7;
	s8 =	smul.u32 $0x300, s5  }
0xd: {  	v2 =	vlaneseq.u32;
	s7 =	sadd.s32 $0x1A00, s0;
	s26 =	simm.s32 $0x11900;
	s4 =	sadd.s32 $0x1600, s6  }
0xe: {  	vm0 =	vmmov $0xffff;
	v1 =	vshrl.u32 v2, $0x3;
	s5 =	sadd.s32 $0x1700, s6;
	s6 =	sadd.s32 $0x1900, s0;
	s9 =	smax.u32 s9, $0x1  }
0xf: {  	v0 =	vand.u32 $0x7, v2;
	v2 =	vor.u32 $0x8, v2;
	v1 =	vmul.u32 $0x8, v1;
	s0 =	simm.s32 $0x14100;
	s8 =	sadd.s32 s1, s8;
	s1 =	simm.s32 $0x14900  }
.LBB2_1:
0x10: {  	[tilespmem:s2], [sflag:$0x2] =	stream.linear.gather [hbm4b:s4+s2], $0x40, $0x38;
	[tilespmem:$0x18100] =	vst v63  }
0x11: {  	_ =	swait.ge [sflag:s10], $0x40  }
0x12: {  	[sflag:s10] =	ssyncset.done $0x0  }
0x13: {  	s20 =	simm.s32 $0x80;
	[sflag:s10] =	ssyncadd.s32 $0xFFFFFFC0  }
0x14: {  	[tilespmem:s20], [sflag:$0x2] =	stream.linear.gather [hbm4b:s5+s2], $0x40, $0x38;
	[tilespmem:$0x18100] =	vst v63  }
0x15: {  	_ =	swait.ge [sflag:s10], $0x40  }
0x16: {  	[sflag:s10] =	ssyncset.done $0x0  }
0x17: {  	[sflag:s10] =	ssyncadd.s32 $0xFFFFFFC0  }
0x18: {  	v3 =	vld [tilespmem:$0x0];
	_ =	sdelay $0x4  }
0x19: {  	v4 =	vshrl.u32 v3, $0x3  }
0x1a: {  	v4 =	vmul.u32 $0x30, v4  }
0x1b: {  	v3 =	vand.u32 $0x7, v3  }
0x1c: {  	v3 =	vor.u32 v3, v4  }
0x1d: {  	v4 =	vperm.xlane v3, v0;
	_ =	sdelay $0x1  }
0x1e: {  	v4 =	vadd.s32 v1, v4;
	_ =	sdelay $0x3  }
0x1f: {  	v3 =	vperm.xlane v3, v2  }
0x20: {  	[tilespmem:s12], [sflag:$0x1] =	stream.indirect_vreg.gather [hbm4b:s3+s2], $0x80, v4, vm0, $0xb8;
	[tilespmem:$0x18100] =	vst v63  }
0x21: {  	s23 =	simm.s32 $0x900;
	v3 =	vadd.s32 v1, v3  }
0x22: {  	[tilespmem:s23], [sflag:$0x1] =	stream.indirect_vreg.gather [hbm4b:s6+s2], $0x80, v4, vm0, $0xb8;
	[tilespmem:$0x18100] =	vst v63  }
0x23: {  	s24 =	simm.s32 $0x1100  }
0x24: {  	[tilespmem:s24], [sflag:$0x1] =	stream.indirect_vreg.gather [hbm4b:s7+s2], $0x80, v4, vm0, $0xb8;
	[tilespmem:$0x18100] =	vst v63  }
0x25: {  	s21 =	simm.s32 $0x1900  }
0x26: {  	[tilespmem:s21], [sflag:$0x1] =	stream.indirect_vreg.gather [hbm4b:s3+s2], $0x80, v3, vm0, $0xb8;
	[tilespmem:$0x18100] =	vst v63  }
0x27: {  	s22 =	simm.s32 $0x2100  }
0x28: {  	[tilespmem:s22], [sflag:$0x1] =	stream.indirect_vreg.gather [hbm4b:s6+s2], $0x80, v3, vm0, $0xb8;
	[tilespmem:$0x18100] =	vst v63  }
0x29: {  	s23 =	simm.s32 $0x2900  }
0x2a: {  	[tilespmem:s23], [sflag:$0x1] =	stream.indirect_vreg.gather [hbm4b:s7+s2], $0x80, v3, vm0, $0xb8;
	[tilespmem:$0x18100] =	vst v63  }
0x2b: {  	v3 =	vld [tilespmem:$0x10];
	_ =	sdelay $0x4  }
0x2c: {  	v4 =	vshrl.u32 v3, $0x3  }
0x2d: {  	v4 =	vmul.u32 $0x30, v4  }
0x2e: {  	v3 =	vand.u32 $0x7, v3  }
0x2f: {  	v3 =	vor.u32 v3, v4  }
0x30: {  	v4 =	vperm.xlane v3, v0;
	_ =	sdelay $0x1  }
0x31: {  	v4 =	vadd.s32 v1, v4;
	_ =	sdelay $0x3  }
0x32: {  	s24 =	simm.s32 $0x3100;
	v3 =	vperm.xlane v3, v2  }
0x33: {  	[tilespmem:s24], [sflag:$0x1] =	stream.indirect_vreg.gather [hbm4b:s3+s2], $0x80, v4, vm0, $0xb8;
	[tilespmem:$0x18100] =	vst v63  }
0x34: {  	s21 =	simm.s32 $0x3900;
	v3 =	vadd.s32 v1, v3  }
0x35: {  	[tilespmem:s21], [sflag:$0x1] =	stream.indirect_vreg.gather [hbm4b:s6+s2], $0x80, v4, vm0, $0xb8;
	[tilespmem:$0x18100] =	vst v63  }
0x36: {  	s22 =	simm.s32 $0x4100  }
0x37: {  	[tilespmem:s22], [sflag:$0x1] =	stream.indirect_vreg.gather [hbm4b:s7+s2], $0x80, v4, vm0, $0xb8;
	[tilespmem:$0x18100] =	vst v63  }
0x38: {  	s23 =	simm.s32 $0x4900  }
0x39: {  	[tilespmem:s23], [sflag:$0x1] =	stream.indirect_vreg.gather [hbm4b:s3+s2], $0x80, v3, vm0, $0xb8;
	[tilespmem:$0x18100] =	vst v63  }
0x3a: {  	s24 =	simm.s32 $0x5100  }
0x3b: {  	[tilespmem:s24], [sflag:$0x1] =	stream.indirect_vreg.gather [hbm4b:s6+s2], $0x80, v3, vm0, $0xb8;
	[tilespmem:$0x18100] =	vst v63  }
0x3c: {  	s21 =	simm.s32 $0x5900  }
0x3d: {  	[tilespmem:s21], [sflag:$0x1] =	stream.indirect_vreg.gather [hbm4b:s7+s2], $0x80, v3, vm0, $0xb8;
	[tilespmem:$0x18100] =	vst v63  }
0x3e: {  	v3 =	vld [tilespmem:$0x20];
	_ =	sdelay $0x4  }
0x3f: {  	v4 =	vshrl.u32 v3, $0x3  }
0x40: {  	v4 =	vmul.u32 $0x30, v4  }
0x41: {  	v3 =	vand.u32 $0x7, v3  }
0x42: {  	v3 =	vor.u32 v3, v4  }
0x43: {  	v4 =	vperm.xlane v3, v0;
	_ =	sdelay $0x1  }
0x44: {  	v4 =	vadd.s32 v1, v4;
	_ =	sdelay $0x3  }
0x45: {  	s22 =	simm.s32 $0x6100;
	v3 =	vperm.xlane v3, v2  }
0x46: {  	[tilespmem:s22], [sflag:$0x1] =	stream.indirect_vreg.gather [hbm4b:s3+s2], $0x80, v4, vm0, $0xb8;
	[tilespmem:$0x18100] =	vst v63  }
0x47: {  	s23 =	simm.s32 $0x6900;
	v3 =	vadd.s32 v1, v3  }
0x48: {  	[tilespmem:s23], [sflag:$0x1] =	stream.indirect_vreg.gather [hbm4b:s6+s2], $0x80, v4, vm0, $0xb8;
	[tilespmem:$0x18100] =	vst v63  }
0x49: {  	s24 =	simm.s32 $0x7100  }
0x4a: {  	[tilespmem:s24], [sflag:$0x1] =	stream.indirect_vreg.gather [hbm4b:s7+s2], $0x80, v4, vm0, $0xb8;
	[tilespmem:$0x18100] =	vst v63  }
0x4b: {  	s21 =	simm.s32 $0x7900  }
0x4c: {  	[tilespmem:s21], [sflag:$0x1] =	stream.indirect_vreg.gather [hbm4b:s3+s2], $0x80, v3, vm0, $0xb8;
	[tilespmem:$0x18100] =	vst v63  }
0x4d: {  	s22 =	simm.s32 $0x8100  }
0x4e: {  	[tilespmem:s22], [sflag:$0x1] =	stream.indirect_vreg.gather [hbm4b:s6+s2], $0x80, v3, vm0, $0xb8;
	[tilespmem:$0x18100] =	vst v63  }
0x4f: {  	s23 =	simm.s32 $0x8900  }
0x50: {  	[tilespmem:s23], [sflag:$0x1] =	stream.indirect_vreg.gather [hbm4b:s7+s2], $0x80, v3, vm0, $0xb8;
	[tilespmem:$0x18100] =	vst v63  }
0x51: {  	v3 =	vld [tilespmem:$0x30];
	_ =	sdelay $0x4  }
0x52: {  	v4 =	vshrl.u32 v3, $0x3  }
0x53: {  	v4 =	vmul.u32 $0x30, v4  }
0x54: {  	v3 =	vand.u32 $0x7, v3  }
0x55: {  	v3 =	vor.u32 v3, v4  }
0x56: {  	v4 =	vperm.xlane v3, v0;
	_ =	sdelay $0x1  }
0x57: {  	v4 =	vadd.s32 v1, v4;
	_ =	sdelay $0x3  }
0x58: {  	s24 =	simm.s32 $0x9100;
	v3 =	vperm.xlane v3, v2  }
0x59: {  	[tilespmem:s24], [sflag:$0x1] =	stream.indirect_vreg.gather [hbm4b:s3+s2], $0x80, v4, vm0, $0xb8;
	[tilespmem:$0x18100] =	vst v63  }
0x5a: {  	s21 =	simm.s32 $0x9900;
	v3 =	vadd.s32 v1, v3  }
0x5b: {  	[tilespmem:s21], [sflag:$0x1] =	stream.indirect_vreg.gather [hbm4b:s6+s2], $0x80, v4, vm0, $0xb8;
	[tilespmem:$0x18100] =	vst v63  }
0x5c: {  	s22 =	simm.s32 $0xA100  }
0x5d: {  	[tilespmem:s22], [sflag:$0x1] =	stream.indirect_vreg.gather [hbm4b:s7+s2], $0x80, v4, vm0, $0xb8;
	[tilespmem:$0x18100] =	vst v63  }
0x5e: {  	s23 =	simm.s32 $0xA900  }
0x5f: {  	[tilespmem:s23], [sflag:$0x1] =	stream.indirect_vreg.gather [hbm4b:s3+s2], $0x80, v3, vm0, $0xb8;
	[tilespmem:$0x18100] =	vst v63  }
0x60: {  	s24 =	simm.s32 $0xB100  }
0x61: {  	[tilespmem:s24], [sflag:$0x1] =	stream.indirect_vreg.gather [hbm4b:s6+s2], $0x80, v3, vm0, $0xb8;
	[tilespmem:$0x18100] =	vst v63  }
0x62: {  	s21 =	simm.s32 $0xB900  }
0x63: {  	[tilespmem:s21], [sflag:$0x1] =	stream.indirect_vreg.gather [hbm4b:s7+s2], $0x80, v3, vm0, $0xb8;
	[tilespmem:$0x18100] =	vst v63  }
0x64: {  	v3 =	vld [tilespmem:$0x80];
	_ =	sdelay $0x4  }
0x65: {  	v4 =	vshrl.u32 v3, $0x3  }
0x66: {  	v4 =	vmul.u32 $0x30, v4  }
0x67: {  	v3 =	vand.u32 $0x7, v3  }
0x68: {  	v3 =	vor.u32 v3, v4  }
0x69: {  	v4 =	vperm.xlane v3, v0;
	_ =	sdelay $0x1  }
0x6a: {  	v4 =	vadd.s32 v1, v4;
	_ =	sdelay $0x3  }
0x6b: {  	s22 =	simm.s32 $0xC100;
	v3 =	vperm.xlane v3, v2  }
0x6c: {  	[tilespmem:s22], [sflag:$0x1] =	stream.indirect_vreg.gather [hbm4b:s3+s2], $0x80, v4, vm0, $0xb8;
	[tilespmem:$0x18100] =	vst v63  }
0x6d: {  	s23 =	simm.s32 $0xC900;
	v3 =	vadd.s32 v1, v3  }
0x6e: {  	[tilespmem:s23], [sflag:$0x1] =	stream.indirect_vreg.gather [hbm4b:s6+s2], $0x80, v4, vm0, $0xb8;
	[tilespmem:$0x18100] =	vst v63  }
0x6f: {  	s24 =	simm.s32 $0xD100  }
0x70: {  	[tilespmem:s24], [sflag:$0x1] =	stream.indirect_vreg.gather [hbm4b:s7+s2], $0x80, v4, vm0, $0xb8;
	[tilespmem:$0x18100] =	vst v63  }
0x71: {  	s21 =	simm.s32 $0xD900  }
0x72: {  	[tilespmem:s21], [sflag:$0x1] =	stream.indirect_vreg.gather [hbm4b:s3+s2], $0x80, v3, vm0, $0xb8;
	[tilespmem:$0x18100] =	vst v63  }
0x73: {  	s22 =	simm.s32 $0xE100  }
0x74: {  	[tilespmem:s22], [sflag:$0x1] =	stream.indirect_vreg.gather [hbm4b:s6+s2], $0x80, v3, vm0, $0xb8;
	[tilespmem:$0x18100] =	vst v63  }
0x75: {  	s23 =	simm.s32 $0xE900  }
0x76: {  	[tilespmem:s23], [sflag:$0x1] =	stream.indirect_vreg.gather [hbm4b:s7+s2], $0x80, v3, vm0, $0xb8;
	[tilespmem:$0x18100] =	vst v63  }
0x77: {  	v3 =	vld [tilespmem:$0x90];
	_ =	sdelay $0x4  }
0x78: {  	v4 =	vshrl.u32 v3, $0x3  }
0x79: {  	v4 =	vmul.u32 $0x30, v4  }
0x7a: {  	v3 =	vand.u32 $0x7, v3  }
0x7b: {  	v3 =	vor.u32 v3, v4  }
0x7c: {  	v4 =	vperm.xlane v3, v0;
	_ =	sdelay $0x1  }
0x7d: {  	v4 =	vadd.s32 v1, v4;
	_ =	sdelay $0x3  }
0x7e: {  	s24 =	simm.s32 $0xF100;
	v3 =	vperm.xlane v3, v2  }
0x7f: {  	[tilespmem:s24], [sflag:$0x1] =	stream.indirect_vreg.gather [hbm4b:s3+s2], $0x80, v4, vm0, $0xb8;
	[tilespmem:$0x18100] =	vst v63  }
0x80: {  	s21 =	simm.s32 $0xF900;
	v3 =	vadd.s32 v1, v3  }
0x81: {  	[tilespmem:s21], [sflag:$0x1] =	stream.indirect_vreg.gather [hbm4b:s6+s2], $0x80, v4, vm0, $0xb8;
	[tilespmem:$0x18100] =	vst v63  }
0x82: {  	s22 =	simm.s32 $0x10100  }
0x83: {  	[tilespmem:s22], [sflag:$0x1] =	stream.indirect_vreg.gather [hbm4b:s7+s2], $0x80, v4, vm0, $0xb8;
	[tilespmem:$0x18100] =	vst v63  }
0x84: {  	s23 =	simm.s32 $0x10900  }
0x85: {  	[tilespmem:s23], [sflag:$0x1] =	stream.indirect_vreg.gather [hbm4b:s3+s2], $0x80, v3, vm0, $0xb8;
	[tilespmem:$0x18100] =	vst v63  }
0x86: {  	_ = 	snop  }
0x87: {  	[tilespmem:s25], [sflag:$0x1] =	stream.indirect_vreg.gather [hbm4b:s6+s2], $0x80, v3, vm0, $0xb8;
	[tilespmem:$0x18100] =	vst v63  }
0x88: {  	_ = 	snop  }
0x89: {  	[tilespmem:s26], [sflag:$0x1] =	stream.indirect_vreg.gather [hbm4b:s7+s2], $0x80, v3, vm0, $0xb8;
	[tilespmem:$0x18100] =	vst v63  }
0x8a: {  	v3 =	vld [tilespmem:$0xA0];
	_ =	sdelay $0x4  }
0x8b: {  	v4 =	vshrl.u32 v3, $0x3  }
0x8c: {  	v4 =	vmul.u32 $0x30, v4  }
0x8d: {  	v3 =	vand.u32 $0x7, v3  }
0x8e: {  	v3 =	vor.u32 v3, v4  }
0x8f: {  	v4 =	vperm.xlane v3, v0;
	_ =	sdelay $0x1  }
0x90: {  	v4 =	vadd.s32 v1, v4;
	_ =	sdelay $0x3  }
0x91: {  	v3 =	vperm.xlane v3, v2  }
0x92: {  	[tilespmem:s28], [sflag:$0x1] =	stream.indirect_vreg.gather [hbm4b:s3+s2], $0x80, v4, vm0, $0xb8;
	[tilespmem:$0x18100] =	vst v63  }
0x93: {  	v3 =	vadd.s32 v1, v3  }
0x94: {  	[tilespmem:s29], [sflag:$0x1] =	stream.indirect_vreg.gather [hbm4b:s6+s2], $0x80, v4, vm0, $0xb8;
	[tilespmem:$0x18100] =	vst v63  }
0x95: {  	_ = 	snop  }
0x96: {  	[tilespmem:s30], [sflag:$0x1] =	stream.indirect_vreg.gather [hbm4b:s7+s2], $0x80, v4, vm0, $0xb8;
	[tilespmem:$0x18100] =	vst v63  }
0x97: {  	_ = 	snop  }
0x98: {  	[tilespmem:s31], [sflag:$0x1] =	stream.indirect_vreg.gather [hbm4b:s3+s2], $0x80, v3, vm0, $0xb8;
	[tilespmem:$0x18100] =	vst v63  }
0x99: {  	_ = 	snop  }
0x9a: {  	[tilespmem:s0], [sflag:$0x1] =	stream.indirect_vreg.gather [hbm4b:s6+s2], $0x80, v3, vm0, $0xb8;
	[tilespmem:$0x18100] =	vst v63  }
0x9b: {  	_ = 	snop  }
0x9c: {  	[tilespmem:s1], [sflag:$0x1] =	stream.indirect_vreg.gather [hbm4b:s7+s2], $0x80, v3, vm0, $0xb8;
	[tilespmem:$0x18100] =	vst v63  }
0x9d: {  	v3 =	vld [tilespmem:$0xB0];
	_ =	sdelay $0x4  }
0x9e: {  	v4 =	vshrl.u32 v3, $0x3  }
0x9f: {  	v4 =	vmul.u32 $0x30, v4  }
0xa0: {  	v3 =	vand.u32 $0x7, v3  }
0xa1: {  	v3 =	vor.u32 v3, v4  }
0xa2: {  	v4 =	vperm.xlane v3, v0;
	_ =	sdelay $0x1  }
0xa3: {  	v4 =	vadd.s32 v1, v4;
	_ =	sdelay $0x3  }
0xa4: {  	v3 =	vperm.xlane v3, v2  }
0xa5: {  	[tilespmem:s11], [sflag:$0x1] =	stream.indirect_vreg.gather [hbm4b:s3+s2], $0x80, v4, vm0, $0xb8;
	[tilespmem:$0x18100] =	vst v63  }
0xa6: {  	v3 =	vadd.s32 v1, v3  }
0xa7: {  	[tilespmem:s13], [sflag:$0x1] =	stream.indirect_vreg.gather [hbm4b:s6+s2], $0x80, v4, vm0, $0xb8;
	[tilespmem:$0x18100] =	vst v63  }
0xa8: {  	_ = 	snop  }
0xa9: {  	[tilespmem:s14], [sflag:$0x1] =	stream.indirect_vreg.gather [hbm4b:s7+s2], $0x80, v4, vm0, $0xb8;
	[tilespmem:$0x18100] =	vst v63  }
0xaa: {  	_ = 	snop  }
0xab: {  	[tilespmem:s15], [sflag:$0x1] =	stream.indirect_vreg.gather [hbm4b:s3+s2], $0x80, v3, vm0, $0xb8;
	[tilespmem:$0x18100] =	vst v63  }
0xac: {  	_ = 	snop  }
0xad: {  	[tilespmem:s16], [sflag:$0x1] =	stream.indirect_vreg.gather [hbm4b:s6+s2], $0x80, v3, vm0, $0xb8;
	[tilespmem:$0x18100] =	vst v63  }
0xae: {  	_ = 	snop  }
0xaf: {  	[tilespmem:s17], [sflag:$0x1] =	stream.indirect_vreg.gather [hbm4b:s7+s2], $0x80, v3, vm0, $0xb8;
	[tilespmem:$0x18100] =	vst v63  }
0xb0: {  	_ =	swait.ge [sflag:s18], $0xC000  }
0xb1: {  	[sflag:s18] =	ssyncset.done $0x0  }
0xb2: {  	s24 =	simm.s32 $0x0;
	[sflag:s18] =	ssyncadd.s32 $0xFFFF4000  }
0xb3: {  	s20 =	smul.u32 $0x1800, s24;
	_ =	swait.ge [sflag:s18], $0xC000  }
0xb4: {  	s21 =	sand.u32 $0x380, s2;
	[sflag:s18] =	ssyncset.done $0x0  }
0xb5: {  	s20 =	sor.u32 s21, s20;
	[sflag:s18] =	ssyncadd.s32 $0xFFFF4000  }
0xb6: {  	v12 =	vld [tilespmem:s20+$0xC100]  }
0xb7: {  	v13 =	vld [tilespmem:s20+$0xC110]  }
0xb8: {  	v14 =	vld [tilespmem:s20+$0xC120]  }
0xb9: {  	v15 =	vld [tilespmem:s20+$0xC130]  }
0xba: {  	v16 =	vld [tilespmem:s20+$0xC140]  }
0xbb: {  	v17 =	vld [tilespmem:s20+$0xC150]  }
0xbc: {  	v18 =	vld [tilespmem:s20+$0xC160]  }
0xbd: {  	v19 =	vld [tilespmem:s20+$0xC170]  }
0xbe: {  	v20 =	vld [tilespmem:s20+$0xC500]  }
0xbf: {  	v21 =	vld [tilespmem:s20+$0xC510]  }
0xc0: {  	v22 =	vld [tilespmem:s20+$0xC520]  }
0xc1: {  	v23 =	vld [tilespmem:s20+$0xC530]  }
0xc2: {  	v24 =	vld [tilespmem:s20+$0xC540]  }
0xc3: {  	v25 =	vld [tilespmem:s20+$0xC550]  }
0xc4: {  	v26 =	vld [tilespmem:s20+$0xC560]  }
0xc5: {  	v27 =	vld [tilespmem:s20+$0xC570]  }
0xc6: {  	v28 =	vld [tilespmem:s20+$0xC900]  }
0xc7: {  	v29 =	vld [tilespmem:s20+$0xC910]  }
0xc8: {  	v30 =	vld [tilespmem:s20+$0xC920]  }
0xc9: {  	v31 =	vld [tilespmem:s20+$0xC930]  }
0xca: {  	v32 =	vld [tilespmem:s20+$0xC940]  }
0xcb: {  	v33 =	vld [tilespmem:s20+$0xC950]  }
0xcc: {  	v34 =	vld [tilespmem:s20+$0xC960]  }
0xcd: {  	v35 =	vld [tilespmem:s20+$0xC970]  }
0xce: {  	v36 =	vld [tilespmem:s20+$0xCD00]  }
0xcf: {  	v37 =	vld [tilespmem:s20+$0xCD10]  }
0xd0: {  	v38 =	vld [tilespmem:s20+$0xCD20]  }
0xd1: {  	v39 =	vld [tilespmem:s20+$0xCD30]  }
0xd2: {  	v40 =	vld [tilespmem:s20+$0xCD40]  }
0xd3: {  	v41 =	vld [tilespmem:s20+$0xCD50]  }
0xd4: {  	v42 =	vld [tilespmem:s20+$0xCD60]  }
0xd5: {  	v43 =	vld [tilespmem:s20+$0xCD70]  }
0xd6: {  	v44 =	vld [tilespmem:s20+$0xD100]  }
0xd7: {  	v45 =	vld [tilespmem:s20+$0xD110]  }
0xd8: {  	v46 =	vld [tilespmem:s20+$0xD120]  }
0xd9: {  	v47 =	vld [tilespmem:s20+$0xD130]  }
0xda: {  	v48 =	vld [tilespmem:s20+$0xD140]  }
0xdb: {  	v49 =	vld [tilespmem:s20+$0xD150]  }
0xdc: {  	v50 =	vld [tilespmem:s20+$0xD160]  }
0xdd: {  	v11 =	vld [tilespmem:s20+$0xD170]  }
0xde: {  	v10 =	vld [tilespmem:s20+$0xD500]  }
0xdf: {  	v9 =	vld [tilespmem:s20+$0xD510]  }
0xe0: {  	v8 =	vld [tilespmem:s20+$0xD520]  }
0xe1: {  	v7 =	vld [tilespmem:s20+$0xD530]  }
0xe2: {  	v6 =	vld [tilespmem:s20+$0xD540]  }
0xe3: {  	v51 =	vld [tilespmem:s20+$0x100]  }
0xe4: {  	v52 =	vld [tilespmem:s20+$0x110]  }
0xe5: {  	v53 =	vld [tilespmem:s20+$0x120]  }
0xe6: {  	v54 =	vld [tilespmem:s20+$0x130]  }
0xe7: {  	v55 =	vld [tilespmem:s20+$0x140]  }
0xe8: {  	v62 =	vld [tilespmem:s20+$0x150];
	v12 =	vadd.f32 v12, v51  }
0xe9: {  	v63 =	vld [tilespmem:s20+$0x160];
	v13 =	vadd.f32 v13, v52  }
0xea: {  	[tilespmem:s20+$0x100] =	vst v12;
	v12 =	vadd.f32 v14, v53;
	v14 =	vld [tilespmem:s20+$0x170]  }
0xeb: {  	[tilespmem:s20+$0x110] =	vst v13;
	v13 =	vadd.f32 v15, v54;
	v15 =	vld [tilespmem:s20+$0x500]  }
0xec: {  	[tilespmem:s20+$0x120] =	vst v12;
	v12 =	vadd.f32 v16, v55;
	v16 =	vld [tilespmem:s20+$0x510]  }
0xed: {  	[tilespmem:s20+$0x130] =	vst v13;
	v13 =	vadd.f32 v17, v62;
	v17 =	vld [tilespmem:s20+$0x520]  }
0xee: {  	v5 =	vld [tilespmem:s20+$0xD550]  }
0xef: {  	[tilespmem:s20+$0x140] =	vst v12;
	v12 =	vadd.f32 v18, v63;
	v18 =	vld [tilespmem:s20+$0x570]  }
0xf0: {  	[tilespmem:s20+$0x150] =	vst v13;
	v13 =	vadd.f32 v19, v14;
	v14 =	vld [tilespmem:s20+$0x530]  }
0xf1: {  	[tilespmem:s20+$0x160] =	vst v12;
	v12 =	vadd.f32 v20, v15;
	v15 =	vld [tilespmem:s20+$0x540]  }
0xf2: {  	[tilespmem:s20+$0x170] =	vst v13;
	v13 =	vadd.f32 v21, v16;
	v16 =	vadd.f32 v22, v17;
	v17 =	vld [tilespmem:s20+$0x560]  }
0xf3: {  	[tilespmem:s20+$0x500] =	vst v12;
	v12 =	vld [tilespmem:s20+$0x550]  }
0xf4: {  	[tilespmem:s20+$0x510] =	vst v13;
	v13 =	vld [tilespmem:s20+$0x900];
	v18 =	vadd.f32 v27, v18  }
0xf5: {  	[tilespmem:s20+$0x520] =	vst v16;
	v16 =	vld [tilespmem:s20+$0x910];
	v14 =	vadd.f32 v23, v14  }
0xf6: {  	v4 =	vld [tilespmem:s20+$0xD560];
	v15 =	vadd.f32 v24, v15;
	[tilespmem:s20+$0x570] =	vst v18  }
0xf7: {  	[tilespmem:s20+$0x530] =	vst v14;
	v14 =	vld [tilespmem:s20+$0x920];
	v17 =	vadd.f32 v26, v17  }
0xf8: {  	v12 =	vadd.f32 v25, v12;
	[tilespmem:s20+$0x540] =	vst v15;
	v15 =	vld [tilespmem:s20+$0x930]  }
0xf9: {  	v18 =	vld [tilespmem:s20+$0x970];
	[tilespmem:s20+$0x560] =	vst v17;
	v13 =	vadd.f32 v28, v13  }
0xfa: {  	v16 =	vadd.f32 v29, v16;
	[tilespmem:s20+$0x550] =	vst v12;
	v12 =	vld [tilespmem:s20+$0x940]  }
0xfb: {  	v17 =	vld [tilespmem:s20+$0x950];
	[tilespmem:s20+$0x900] =	vst v13  }
0xfc: {  	[tilespmem:s20+$0x910] =	vst v16;
	v16 =	vld [tilespmem:s20+$0x960];
	v13 =	vadd.f32 v30, v14  }
0xfd: {  	v14 =	vld [tilespmem:s20+$0xD00];
	v15 =	vadd.f32 v31, v15  }
0xfe: {  	[tilespmem:s20+$0x920] =	vst v13;
	v13 =	vld [tilespmem:s20+$0xD10]  }
0xff: {  	v12 =	vadd.f32 v32, v12;
	[tilespmem:s20+$0x930] =	vst v15;
	v15 =	vld [tilespmem:s20+$0xD20]  }
0x100: {  	v3 =	vld [tilespmem:s20+$0xD570];
	v17 =	vadd.f32 v33, v17  }
0x101: {  	v16 =	vadd.f32 v34, v16;
	[tilespmem:s20+$0x940] =	vst v12;
	v12 =	vld [tilespmem:s20+$0xD30]  }
0x102: {  	[tilespmem:s20+$0x950] =	vst v17;
	v17 =	vld [tilespmem:s20+$0xD40];
	v14 =	vadd.f32 v36, v14  }
0x103: {  	v18 =	vadd.f32 v35, v18;
	[tilespmem:s20+$0x960] =	vst v16;
	v16 =	vld [tilespmem:s20+$0xD50]  }
0x104: {  	v13 =	vadd.f32 v37, v13;
	[tilespmem:s20+$0xD00] =	vst v14;
	v14 =	vadd.f32 v38, v15;
	v15 =	vld [tilespmem:s20+$0xD60]  }
0x105: {  	[tilespmem:s20+$0x970] =	vst v18;
	v18 =	vld [tilespmem:s20+$0xD70]  }
0x106: {  	[tilespmem:s20+$0xD10] =	vst v13;
	v13 =	vld [tilespmem:s20+$0x1100];
	v12 =	vadd.f32 v39, v12  }
0x107: {  	v17 =	vadd.f32 v40, v17;
	[tilespmem:s20+$0xD20] =	vst v14;
	v14 =	vld [tilespmem:s20+$0x1110]  }
0x108: {  	v16 =	vadd.f32 v41, v16;
	[tilespmem:s20+$0xD30] =	vst v12;
	v12 =	vld [tilespmem:s20+$0x1120]  }
0x109: {  	[tilespmem:s20+$0xD40] =	vst v17;
	v17 =	vld [tilespmem:s20+$0x1130];
	v15 =	vadd.f32 v42, v15  }
0x10a: {  	v19 =	vld [tilespmem:s20+$0x1140];
	[tilespmem:s20+$0xD50] =	vst v16;
	v16 =	vadd.f32 v43, v18  }
0x10b: {  	v18 =	vld [tilespmem:s20+$0x1150];
	v13 =	vadd.f32 v44, v13;
	[tilespmem:s20+$0xD60] =	vst v15  }
0x10c: {  	v20 =	vld [tilespmem:s20+$0x1160];
	[tilespmem:s20+$0xD70] =	vst v16;
	v14 =	vadd.f32 v45, v14  }
0x10d: {  	v16 =	vld [tilespmem:s20+$0x1170];
	[tilespmem:s20+$0x1100] =	vst v13;
	v12 =	vadd.f32 v46, v12  }
0x10e: {  	v15 =	vld [tilespmem:s20+$0x1500];
	v13 =	vadd.f32 v47, v17;
	[tilespmem:s20+$0x1110] =	vst v14  }
0x10f: {  	v14 =	vld [tilespmem:s20+$0x1510];
	[tilespmem:s20+$0x1120] =	vst v12;
	v12 =	vadd.f32 v48, v19  }
0x110: {  	[tilespmem:s20+$0x1130] =	vst v13;
	v13 =	vld [tilespmem:s20+$0x1520];
	v18 =	vadd.f32 v49, v18  }
0x111: {  	s21 =	simm.s32 $0x1;
	s22 =	simm.s32 $0x0;
	v17 =	vadd.f32 v50, v20;
	[tilespmem:s20+$0x1140] =	vst v12;
	v12 =	vld [tilespmem:s20+$0x1530]  }
.LBB2_2:
0x112: {  	s23 =	sshrl.u32 s21, $0x3;
	p0 =	sne.s32 s21, $0x3F;
	[tilespmem:s20+$0x1150] =	vst v18;
	v11 =	vadd.f32 v11, v16;
	v16 =	vld [tilespmem:s20+$0x1540]  }
0x113: {  	s22 =	sadd.s32 $0x80, s22;
	s23 =	smul.u32 $0x1800, s23;
	[tilespmem:s20+$0x1160] =	vst v17;
	v10 =	vadd.f32 v10, v15;
	v15 =	vld [tilespmem:s20+$0x1550]  }
0x114: {  	s24 =	sand.u32 $0x380, s22;
	[tilespmem:s20+$0x1170] =	vst v11;
	v9 =	vadd.f32 v9, v14;
	v11 =	vld [tilespmem:s20+$0x1560]  }
0x115: {  	s23 =	sor.u32 s24, s23;
	[tilespmem:s20+$0x1500] =	vst v10;
	v8 =	vadd.f32 v8, v13;
	v10 =	vld [tilespmem:s20+$0x1570]  }
0x116: {  	v39 =	vld [tilespmem:s23+$0xC100];
	[tilespmem:s20+$0x1510] =	vst v9;
	v7 =	vadd.f32 v7, v12  }
0x117: {  	v40 =	vld [tilespmem:s23+$0xC110];
	[tilespmem:s20+$0x1520] =	vst v8;
	v6 =	vadd.f32 v6, v16  }
0x118: {  	v41 =	vld [tilespmem:s23+$0xC120];
	[tilespmem:s20+$0x1530] =	vst v7;
	v5 =	vadd.f32 v5, v15  }
0x119: {  	v42 =	vld [tilespmem:s23+$0xC130];
	[tilespmem:s20+$0x1540] =	vst v6;
	v4 =	vadd.f32 v4, v11  }
0x11a: {  	v43 =	vld [tilespmem:s23+$0xC140];
	[tilespmem:s20+$0x1550] =	vst v5;
	v3 =	vadd.f32 v3, v10  }
0x11b: {  	v44 =	vld [tilespmem:s23+$0xC150];
	[tilespmem:s20+$0x1560] =	vst v4  }
0x11c: {  	v45 =	vld [tilespmem:s23+$0xC160];
	[tilespmem:s20+$0x1570] =	vst v3;
	s20 =	smov.u32 s23  }
0x11d: {  	v46 =	vld [tilespmem:s20+$0xC170]  }
0x11e: {  	v47 =	vld [tilespmem:s20+$0xC500]  }
0x11f: {  	v48 =	vld [tilespmem:s20+$0xC510]  }
0x120: {  	v49 =	vld [tilespmem:s20+$0xC520]  }
0x121: {  	v50 =	vld [tilespmem:s20+$0xC530]  }
0x122: {  	v38 =	vld [tilespmem:s20+$0xC540]  }
0x123: {  	v37 =	vld [tilespmem:s20+$0xC550]  }
0x124: {  	v36 =	vld [tilespmem:s20+$0xC560]  }
0x125: {  	v35 =	vld [tilespmem:s20+$0xC570]  }
0x126: {  	v34 =	vld [tilespmem:s20+$0xC900]  }
0x127: {  	v33 =	vld [tilespmem:s20+$0xC910]  }
0x128: {  	v32 =	vld [tilespmem:s20+$0xC920]  }
0x129: {  	v31 =	vld [tilespmem:s20+$0xC930]  }
0x12a: {  	v30 =	vld [tilespmem:s20+$0xC940]  }
0x12b: {  	v29 =	vld [tilespmem:s20+$0xC950]  }
0x12c: {  	v28 =	vld [tilespmem:s20+$0xC960]  }
0x12d: {  	v27 =	vld [tilespmem:s20+$0xC970]  }
0x12e: {  	v26 =	vld [tilespmem:s20+$0xCD00]  }
0x12f: {  	v25 =	vld [tilespmem:s20+$0xCD10]  }
0x130: {  	v24 =	vld [tilespmem:s20+$0xCD20]  }
0x131: {  	v23 =	vld [tilespmem:s20+$0xCD30]  }
0x132: {  	v22 =	vld [tilespmem:s20+$0xCD40]  }
0x133: {  	v21 =	vld [tilespmem:s20+$0xCD50]  }
0x134: {  	v20 =	vld [tilespmem:s20+$0xCD60]  }
0x135: {  	v19 =	vld [tilespmem:s20+$0xCD70]  }
0x136: {  	v18 =	vld [tilespmem:s20+$0xD100]  }
0x137: {  	v17 =	vld [tilespmem:s20+$0xD110]  }
0x138: {  	v16 =	vld [tilespmem:s20+$0xD120]  }
0x139: {  	v15 =	vld [tilespmem:s20+$0xD130]  }
0x13a: {  	v14 =	vld [tilespmem:s20+$0xD140]  }
0x13b: {  	v13 =	vld [tilespmem:s20+$0xD150]  }
0x13c: {  	v12 =	vld [tilespmem:s20+$0xD160]  }
0x13d: {  	v11 =	vld [tilespmem:s20+$0xD170]  }
0x13e: {  	v10 =	vld [tilespmem:s20+$0xD500]  }
0x13f: {  	v9 =	vld [tilespmem:s20+$0xD510]  }
0x140: {  	v8 =	vld [tilespmem:s20+$0xD520]  }
0x141: {  	v7 =	vld [tilespmem:s20+$0xD530]  }
0x142: {  	v6 =	vld [tilespmem:s20+$0xD540]  }
0x143: {  	v5 =	vld [tilespmem:s20+$0xD550]  }
0x144: {  	v4 =	vld [tilespmem:s20+$0xD560]  }
0x145: {  	v3 =	vld [tilespmem:s20+$0xD570]  }
0x146: {  	v51 =	vld [tilespmem:s20+$0x100]  }
0x147: {  	v52 =	vld [tilespmem:s20+$0x110]  }
0x148: {  	v53 =	vld [tilespmem:s20+$0x120]  }
0x149: {  	v54 =	vld [tilespmem:s20+$0x130]  }
0x14a: {  	v55 =	vld [tilespmem:s20+$0x140]  }
0x14b: {  	v39 =	vadd.f32 v39, v51;
	v51 =	vld [tilespmem:s20+$0x150]  }
0x14c: {  	v40 =	vadd.f32 v40, v52;
	v52 =	vld [tilespmem:s20+$0x160]  }
0x14d: {  	[tilespmem:s20+$0x100] =	vst v39;
	v39 =	vadd.f32 v41, v53;
	v41 =	vld [tilespmem:s20+$0x170]  }
0x14e: {  	[tilespmem:s20+$0x110] =	vst v40;
	v40 =	vadd.f32 v42, v54;
	v42 =	vld [tilespmem:s20+$0x500]  }
0x14f: {  	[tilespmem:s20+$0x120] =	vst v39;
	v39 =	vadd.f32 v43, v55;
	v43 =	vld [tilespmem:s20+$0x510]  }
0x150: {  	[tilespmem:s20+$0x130] =	vst v40;
	v40 =	vadd.f32 v44, v51;
	v44 =	vld [tilespmem:s20+$0x520]  }
0x151: {  	[tilespmem:s20+$0x140] =	vst v39;
	v39 =	vadd.f32 v45, v52;
	v45 =	vld [tilespmem:s20+$0x530]  }
0x152: {  	[tilespmem:s20+$0x150] =	vst v40;
	v40 =	vadd.f32 v46, v41;
	v41 =	vld [tilespmem:s20+$0x540]  }
0x153: {  	[tilespmem:s20+$0x160] =	vst v39;
	v39 =	vadd.f32 v47, v42;
	v42 =	vld [tilespmem:s20+$0x550]  }
0x154: {  	[tilespmem:s20+$0x170] =	vst v40;
	v40 =	vadd.f32 v48, v43;
	v43 =	vld [tilespmem:s20+$0x560]  }
0x155: {  	[tilespmem:s20+$0x500] =	vst v39;
	v39 =	vadd.f32 v49, v44;
	v44 =	vld [tilespmem:s20+$0x570]  }
0x156: {  	[tilespmem:s20+$0x510] =	vst v40;
	v40 =	vadd.f32 v50, v45;
	v45 =	vld [tilespmem:s20+$0x900]  }
0x157: {  	[tilespmem:s20+$0x520] =	vst v39;
	v38 =	vadd.f32 v38, v41;
	v39 =	vld [tilespmem:s20+$0x910]  }
0x158: {  	[tilespmem:s20+$0x530] =	vst v40;
	v37 =	vadd.f32 v37, v42;
	v40 =	vld [tilespmem:s20+$0x920]  }
0x159: {  	[tilespmem:s20+$0x540] =	vst v38;
	v36 =	vadd.f32 v36, v43;
	v38 =	vld [tilespmem:s20+$0x930]  }
0x15a: {  	[tilespmem:s20+$0x550] =	vst v37;
	v35 =	vadd.f32 v35, v44;
	v37 =	vld [tilespmem:s20+$0x940]  }
0x15b: {  	[tilespmem:s20+$0x560] =	vst v36;
	v34 =	vadd.f32 v34, v45;
	v36 =	vld [tilespmem:s20+$0x950]  }
0x15c: {  	[tilespmem:s20+$0x570] =	vst v35;
	v33 =	vadd.f32 v33, v39;
	v35 =	vld [tilespmem:s20+$0x960]  }
0x15d: {  	[tilespmem:s20+$0x900] =	vst v34;
	v32 =	vadd.f32 v32, v40;
	v34 =	vld [tilespmem:s20+$0x970]  }
0x15e: {  	[tilespmem:s20+$0x910] =	vst v33;
	v31 =	vadd.f32 v31, v38;
	v33 =	vld [tilespmem:s20+$0xD00]  }
0x15f: {  	[tilespmem:s20+$0x920] =	vst v32;
	v30 =	vadd.f32 v30, v37;
	v32 =	vld [tilespmem:s20+$0xD10]  }
0x160: {  	[tilespmem:s20+$0x930] =	vst v31;
	v29 =	vadd.f32 v29, v36;
	v31 =	vld [tilespmem:s20+$0xD20]  }
0x161: {  	[tilespmem:s20+$0x940] =	vst v30;
	v28 =	vadd.f32 v28, v35;
	v30 =	vld [tilespmem:s20+$0xD30]  }
0x162: {  	[tilespmem:s20+$0x950] =	vst v29;
	v27 =	vadd.f32 v27, v34;
	v29 =	vld [tilespmem:s20+$0xD40]  }
0x163: {  	[tilespmem:s20+$0x960] =	vst v28;
	v26 =	vadd.f32 v26, v33;
	v28 =	vld [tilespmem:s20+$0xD50]  }
0x164: {  	[tilespmem:s20+$0x970] =	vst v27;
	v25 =	vadd.f32 v25, v32;
	v27 =	vld [tilespmem:s20+$0xD60]  }
0x165: {  	[tilespmem:s20+$0xD00] =	vst v26;
	v24 =	vadd.f32 v24, v31;
	v26 =	vld [tilespmem:s20+$0xD70]  }
0x166: {  	[tilespmem:s20+$0xD10] =	vst v25;
	v23 =	vadd.f32 v23, v30;
	v25 =	vld [tilespmem:s20+$0x1100]  }
0x167: {  	[tilespmem:s20+$0xD20] =	vst v24;
	v22 =	vadd.f32 v22, v29;
	v24 =	vld [tilespmem:s20+$0x1110]  }
0x168: {  	[tilespmem:s20+$0xD30] =	vst v23;
	v21 =	vadd.f32 v21, v28;
	v23 =	vld [tilespmem:s20+$0x1120]  }
0x169: {  	[tilespmem:s20+$0xD40] =	vst v22;
	v20 =	vadd.f32 v20, v27;
	v22 =	vld [tilespmem:s20+$0x1130]  }
0x16a: {  	[tilespmem:s20+$0xD50] =	vst v21;
	v19 =	vadd.f32 v19, v26;
	v21 =	vld [tilespmem:s20+$0x1140]  }
0x16b: {  	[tilespmem:s20+$0xD60] =	vst v20;
	v18 =	vadd.f32 v18, v25;
	v20 =	vld [tilespmem:s20+$0x1150]  }
0x16c: {  	[tilespmem:s20+$0xD70] =	vst v19;
	v17 =	vadd.f32 v17, v24;
	v19 =	vld [tilespmem:s20+$0x1160]  }
.Ltmp0:
0x16d: {  	[tilespmem:s20+$0x1100] =	vst v18;
	v18 =	vadd.f32 v16, v23;
	v16 =	vld [tilespmem:s20+$0x1170];
	(pc) =	sbr.rel @p0 .LBB2_2-.Ltmp0, $4  }
0x16e: {  	[tilespmem:s20+$0x1110] =	vst v17;
	v17 =	vadd.f32 v15, v22;
	v15 =	vld [tilespmem:s20+$0x1500]  }
0x16f: {  	[tilespmem:s20+$0x1120] =	vst v18;
	v21 =	vadd.f32 v14, v21;
	v14 =	vld [tilespmem:s20+$0x1510]  }
0x170: {  	[tilespmem:s20+$0x1130] =	vst v17;
	v18 =	vadd.f32 v13, v20;
	v13 =	vld [tilespmem:s20+$0x1520]  }
0x171: {  	s21 =	sadd.s32 $0x1, s21;
	[tilespmem:s20+$0x1140] =	vst v21;
	v17 =	vadd.f32 v12, v19;
	v12 =	vld [tilespmem:s20+$0x1530]  }
0x172: {  	[tilespmem:s20+$0x1150] =	vst v18;
	v60 =	vld [tilespmem:s20+$0x1540];
	v11 =	vadd.f32 v11, v16  }
0x173: {  	v61 =	vld [tilespmem:s20+$0x1550];
	[tilespmem:s20+$0x1160] =	vst v17;
	v10 =	vadd.f32 v10, v15  }
0x174: {  	v62 =	vld [tilespmem:s20+$0x1560];
	[tilespmem:s20+$0x1170] =	vst v11;
	v9 =	vadd.f32 v9, v14  }
0x175: {  	v63 =	vld [tilespmem:s20+$0x1570];
	[tilespmem:s20+$0x1500] =	vst v10;
	v8 =	vadd.f32 v8, v13  }
0x176: {  	[tilespmem:s20+$0x1510] =	vst v9;
	v7 =	vadd.f32 v7, v12  }
0x177: {  	[tilespmem:s20+$0x1520] =	vst v8;
	v6 =	vadd.f32 v6, v60  }
0x178: {  	v5 =	vadd.f32 v5, v61;
	[tilespmem:s20+$0x1530] =	vst v7  }
0x179: {  	v4 =	vadd.f32 v4, v62;
	[tilespmem:s20+$0x1540] =	vst v6  }
0x17a: {  	s19 =	sadd.s32 $0x1, s19;
	v3 =	vadd.f32 v3, v63;
	[tilespmem:s20+$0x1550] =	vst v5  }
0x17b: {  	p0 =	sne.s32 s19, s9;
	[tilespmem:s20+$0x1560] =	vst v4  }
.Ltmp1:
0x17c: {  	[tilespmem:s20+$0x1570] =	vst v3;
	(pc) =	sbr.rel @p0 .LBB2_1-.Ltmp1, $4  }
0x17d: {  	[hbm4b:s8+s2] =	stream.linear.scatter [tilespmem:s12], [sflag:$0x2], $0xC000, $0x38;
	[tilespmem:$0x18100] =	vst v63  }
0x17e: {  	_ =	swait.ge [sflag:s10], $0xC000  }
0x17f: {  	[sflag:s10] =	ssyncset.done $0x0  }
0x180: {  	[sflag:s10] =	ssyncadd.s32 $0xFFFF4000  }
0x181: {  	_ =	sfence.sel $0x180000  }
0x182: {  	[bflag:$0x0] =	sbarrier.arrive $0xFFFF  }
0x183: {  	_ =	strace $0x9000004A  }
0x184: {  	s0 =	stileid.u32;
	[bflag:$0x2] =	sbarrier.arrive $0xFFFF  }
0x185: {  	p0 =	sne.s32 s0, $0x0;
	s0 =	rddreg [dreg:$0x2]  }
0x186: {  	s0 =	sadd.s32 @!p0 $0x100000, s0  }
0x187: {  	[sflag:s0] =	ssyncadd.tile.s32 @!p0 $0x1;
	_ =	shalt  }
.Lfunc_end2:
_tile_overlayer_lowered:
.L_overlay_start_2:
0x188: {  	(tag) =	ssettag $0x2  }
0x189: {  	s0 =	rddreg [dreg:$0x0];
	s2 =	stileid.u32  }
0x18a: {  	s1 =	rddreg [dreg:$0x1];
	p0 =	sne.s32 s2, $0x0  }
0x18b: {  	s3 =	rddreg [dreg:$0x2];
	[bflag:$0x3] =	sbarrier.arrive $0xFFFF;
	s2 =	simm.s32 @!p0 $0x1C02  }
0x18c: {  	[timem:s3], [sflag:s2] =	dma.local @!p0 [hbm:s0], s1  }
0x18d: {  	s0 =	simm.s32 @!p0 $0x2  }
0x18e: {  	_ =	swait.ge @!p0 [sflag:s0], s1  }
0x18f: {  	s1 =	ssub.s32 @!p0 $0x0, s1;
	[sflag:s0] =	ssyncset.done @!p0 $0x0  }
0x190: {  	[sflag:s0] =	ssyncadd.s32 @!p0 s1  }
0x191: {  	[bflag:$0x3] =	sbarrier.arrive $0xFFFF  }
0x192: {  	_ =	shalt  }

</sc_bundles>
